<compile_context>
chip_gen: v7x
topology: tpu7x:2x2x1
jax: 0.10.2.dev20260603
libtpu: 0.0.44.dev20260713+nightly
codegen_flags: <defaults>
</compile_context>

<pallas_src>
import functools

import jax
import jax.numpy as jnp
from jax import lax
from jax.experimental import pallas as pl
from jax.experimental.pallas import tpu as pltpu
from jax.experimental.pallas import tpu_sc as plsc

NNODE = 10000
NP = 10240
NE = 320000
NEP = 327680
FEAT = 64
PW = 80
NGRP = 64
ROWS_PER_TILE = 640
EW = NEP // 32
CH = 128
NCHUNK = EW // CH
BLK = 640
GRID = NP // BLK



def _tc0_body(x_ref, w_ref, as_ref, ad_ref, xp_ref, ss_ref, sd_ref):
    xp = jnp.dot(x_ref[...], w_ref[...], preferred_element_type=jnp.float32)
    xp_ref[...] = xp
    ss_ref[...] = jnp.dot(xp, as_ref[...], preferred_element_type=jnp.float32)
    sd_ref[...] = jnp.dot(xp, ad_ref[...], preferred_element_type=jnp.float32)


def _tc_front0(x, w, a_s, a_d):
    return pl.pallas_call(
        _tc0_body,
        grid=(GRID,),
        in_specs=[
            pl.BlockSpec((BLK, 128), lambda i: (i, 0)),
            pl.BlockSpec((128, FEAT), lambda i: (0, 0)),
            pl.BlockSpec((FEAT, 1), lambda i: (0, 0)),
            pl.BlockSpec((FEAT, 1), lambda i: (0, 0)),
        ],
        out_specs=[
            pl.BlockSpec((BLK, FEAT), lambda i: (i, 0)),
            pl.BlockSpec((BLK, 1), lambda i: (i, 0)),
            pl.BlockSpec((BLK, 1), lambda i: (i, 0)),
        ],
        out_shape=[
            jax.ShapeDtypeStruct((NP, FEAT), jnp.float32),
            jax.ShapeDtypeStruct((NP, 1), jnp.float32),
            jax.ShapeDtypeStruct((NP, 1), jnp.float32),
        ],
    )(x, w, a_s, a_d)


def _normalize(p_ref, b_ref):
    acc = p_ref[0, :, 0:FEAT] + p_ref[1, :, 0:FEAT]
    den = p_ref[0, :, FEAT:FEAT + 1] + p_ref[1, :, FEAT:FEAT + 1]
    r0 = 1.0 / den
    r0 = r0 * (2.0 - den * r0)
    r0 = r0 * (2.0 - den * r0)
    safe = jnp.where(den > 0.0, r0, 0.0)
    return jnp.maximum(acc * safe + b_ref[...], 0.0)


def _tcmid_body(p_ref, b_ref, w_ref, as_ref, ad_ref, xp_ref, ss_ref, sd_ref):
    r = _normalize(p_ref, b_ref)
    hcat = jnp.concatenate([r, r], axis=1)
    xp = jnp.dot(hcat, w_ref[...], preferred_element_type=jnp.float32)
    xp_ref[...] = xp
    ss_ref[...] = jnp.dot(xp, as_ref[...], preferred_element_type=jnp.float32)
    sd_ref[...] = jnp.dot(xp, ad_ref[...], preferred_element_type=jnp.float32)


def _tc_mid(p, b, w_eff, a_s, a_d):
    return pl.pallas_call(
        _tcmid_body,
        grid=(GRID,),
        in_specs=[
            pl.BlockSpec((2, BLK, PW), lambda i: (0, i, 0)),
            pl.BlockSpec((1, FEAT), lambda i: (0, 0)),
            pl.BlockSpec((2 * FEAT, FEAT), lambda i: (0, 0)),
            pl.BlockSpec((FEAT, 1), lambda i: (0, 0)),
            pl.BlockSpec((FEAT, 1), lambda i: (0, 0)),
        ],
        out_specs=[
            pl.BlockSpec((BLK, FEAT), lambda i: (i, 0)),
            pl.BlockSpec((BLK, 1), lambda i: (i, 0)),
            pl.BlockSpec((BLK, 1), lambda i: (i, 0)),
        ],
        out_shape=[
            jax.ShapeDtypeStruct((NP, FEAT), jnp.float32),
            jax.ShapeDtypeStruct((NP, 1), jnp.float32),
            jax.ShapeDtypeStruct((NP, 1), jnp.float32),
        ],
    )(p, b, w_eff, a_s, a_d)


def _tcfin_body(p_ref, b_ref, bat_ref, wf_ref, bf_ref, y_ref, acc_ref):
    i = pl.program_id(0)
    r = _normalize(p_ref, b_ref)
    grp = bat_ref[...]
    onehot = jnp.where(
        grp == lax.broadcasted_iota(jnp.int32, (BLK, NGRP), 1), 1.0, 0.0)
    part = lax.dot_general(onehot, r, (((0,), (0,)), ((), ())),
                           preferred_element_type=jnp.float32,
                           precision=lax.Precision.HIGHEST)

    @pl.when(i == 0)
    def _():
        acc_ref[...] = part

    @pl.when(i > 0)
    def _():
        acc_ref[...] = acc_ref[...] + part

    @pl.when(i == GRID - 1)
    def _():
        pooled = jnp.concatenate([acc_ref[...], acc_ref[...]], axis=1)
        y_ref[...] = jnp.dot(pooled, wf_ref[...],
                             preferred_element_type=jnp.float32) + bf_ref[...]


def _tc_fin(p, b, batch2, wf_eff, bf):
    return pl.pallas_call(
        _tcfin_body,
        grid=(GRID,),
        in_specs=[
            pl.BlockSpec((2, BLK, PW), lambda i: (0, i, 0)),
            pl.BlockSpec((1, FEAT), lambda i: (0, 0)),
            pl.BlockSpec((BLK, 1), lambda i: (i, 0)),
            pl.BlockSpec((2 * FEAT, 1), lambda i: (0, 0)),
            pl.BlockSpec((1, 1), lambda i: (0, 0)),
        ],
        out_specs=pl.BlockSpec((NGRP, 1), lambda i: (0, 0)),
        out_shape=jax.ShapeDtypeStruct((NGRP, 1), jnp.float32),
        scratch_shapes=[pltpu.VMEM((NGRP, NGRP), jnp.float32)],
    )(p, b, batch2, wf_eff, bf)



_MESH = plsc.VectorSubcoreMesh(core_axis_name="c", subcore_axis_name="s")
_I32 = jnp.int32
_F32 = jnp.float32


def _sc_layer(src_flat, dst2, ss, sd, xp):

    @functools.partial(
        pl.kernel,
        mesh=_MESH,
        compiler_params=pltpu.CompilerParams(
            needs_layout_passes=False, use_tc_tiling_on_sc=False),
        out_type=jax.ShapeDtypeStruct((2, NP, PW), _F32),
        scratch_types=[
            pltpu.VMEM((EW,), _I32),
            pltpu.VMEM((NCHUNK, CH), _I32),
            pltpu.VMEM((NP,), _F32),
            pltpu.VMEM((NP,), _F32),
            pltpu.VMEM((CH,), _F32),
            pltpu.VMEM((CH, FEAT), _F32),
            pltpu.VMEM((CH, PW), _F32),
            pltpu.VMEM((16,), _F32),
            pltpu.VMEM_SHARED((NP, PW), _F32),
            pltpu.SemaphoreType.DMA,
            pltpu.SemaphoreType.DMA,
        ],
    )
    def k(src_hbm, dst_hbm, ss_hbm, sd_hbm, xp_hbm, p_hbm,
          src_t, dst_c, ss_t, sd_t, w_c, rows, rows_ext, red16, out_s,
          gsem, ssem):
        cax = lax.axis_index("c")
        sax = lax.axis_index("s")
        wid = cax * 16 + sax
        nb = sax * ROWS_PER_TILE

        pltpu.sync_copy(src_hbm.at[pl.ds(wid * EW, EW)], src_t)
        pltpu.sync_copy(dst_hbm.at[pl.ds(wid * NCHUNK, NCHUNK), :], dst_c)
        pltpu.sync_copy(ss_hbm, ss_t)
        pltpu.sync_copy(sd_hbm, sd_t)

        zero16 = jnp.zeros((16,), _F32)

        def zrow(j, _):
            for q in range(PW // 16):
                rows_ext[j, pl.ds(q * 16, 16)] = zero16
            return 0

        lax.fori_loop(0, CH, zrow, 0)
        for rep in range(ROWS_PER_TILE // CH):
            pltpu.sync_copy(rows_ext, out_s.at[pl.ds(nb + rep * CH, CH), :])

        neg = jnp.full((16,), -3.0e38, _F32)

        def mx(i, carry):
            a, bb = carry
            sl = pl.ds(i * 16, 16)
            return (jnp.maximum(a, ss_t[sl]), jnp.maximum(bb, sd_t[sl]))

        mss, msd = lax.fori_loop(0, NP // 16, mx, (neg, neg))

        lanes = lax.broadcasted_iota(_I32, (16,), 0)

        def _allmax(v):
            for kk in (8, 4, 2, 1):
                red16[...] = v
                v = jnp.maximum(
                    v, plsc.load_gather(
                        red16,
                        [lax.bitwise_xor(lanes, jnp.full((16,), kk, _I32))]))
            return v

        cvec = jnp.maximum(_allmax(mss) + _allmax(msd), 0.0)
        unit0 = jnp.where(lanes == 0, 1.0, 0.0).astype(_F32)
        zero16i = jnp.zeros((16,), _I32)

        plsc.subcore_barrier()

        drain_src = p_hbm.at[0, pl.ds(0, CH), :]

        def chunk(ci, _):
            eb = ci * CH
            cpg = pltpu.async_copy(xp_hbm.at[src_t.at[pl.ds(eb, CH)]],
                                   rows, gsem)

            def wvec(i, _):
                fl = pl.ds(eb + i * 16, 16)
                sl = pl.ds(i * 16, 16)
                si = src_t[fl]
                di = dst_c[ci, sl]
                e = (plsc.load_gather(ss_t, [si])
                     + plsc.load_gather(sd_t, [di]))
                e = jnp.where(e > 0.0, e, 0.2 * e)
                w_c[sl] = jnp.exp(e - cvec)
                return 0

            lax.fori_loop(0, CH // 16, wvec, 0)
            cpg.wait()

            @pl.when(ci > 0)
            def _():
                pltpu.make_async_copy(drain_src, rows_ext, ssem).wait()

            def scale(j, _):
                wv = plsc.load_gather(w_c, [zero16i + j])
                for q in range(FEAT // 16):
                    sl = pl.ds(q * 16, 16)
                    rows_ext[j, sl] = rows[j, sl] * wv
                rows_ext[j, pl.ds(FEAT, 16)] = wv * unit0
                return 0

            lax.fori_loop(0, CH, scale, 0)

            pltpu.async_copy(rows_ext, out_s.at[dst_c.at[ci]], ssem, add=True)
            return 0

        lax.fori_loop(0, NCHUNK, chunk, 0)
        pltpu.make_async_copy(drain_src, rows_ext, ssem).wait()

        plsc.subcore_barrier()
        pltpu.sync_copy(out_s.at[pl.ds(nb, ROWS_PER_TILE), :],
                        p_hbm.at[cax, pl.ds(nb, ROWS_PER_TILE), :])

    return k(src_flat, dst2, ss, sd, xp)



def kernel(x, edge_index, batch, W0, as0, ad0, b0, W1, as1, ad1, b1,
           W2, as2, ad2, b2, Wf, bf):
    f32 = jnp.float32
    x_pad = jnp.pad(x.astype(f32), ((0, NP - NNODE), (0, 0)))
    batch2 = jnp.pad(batch, (0, NP - NNODE),
                     constant_values=NGRP).reshape(NP, 1)
    src_flat = jnp.pad(edge_index[0], (0, NEP - NE), constant_values=NNODE)
    dst2 = jnp.pad(edge_index[1], (0, NEP - NE),
                   constant_values=NNODE).reshape(NEP // CH, CH)

    xp, ss, sd = _tc_front0(x_pad, W0, as0.reshape(FEAT, 1),
                            ad0.reshape(FEAT, 1))
    p = _sc_layer(src_flat, dst2, ss.reshape(NP), sd.reshape(NP), xp)

    for (wfull, a_s, a_d, bprev) in ((W1, as1, ad1, b0), (W2, as2, ad2, b1)):
        xp, ss, sd = _tc_mid(p, bprev.reshape(1, FEAT), wfull,
                             a_s.reshape(FEAT, 1), a_d.reshape(FEAT, 1))
        p = _sc_layer(src_flat, dst2, ss.reshape(NP), sd.reshape(NP), xp)

    y = _tc_fin(p, b2.reshape(1, FEAT), batch2, Wf, bf.reshape(1, 1))
    return y.reshape(NGRP)

# --- scband reference (transcript-rebuilt; emitter-appended) ---
"""Pipeline reference for scband-gnn-dense-83047487635730 (READ-ONLY COPY).

The authoritative reference and input builder live on the scoring server;
editing this copy changes nothing except your own understanding.
"""

import jax, jax.numpy as jnp
import numpy as np

N = 10000
E = 320000
D = 128
H = 128
OC = H // 2
NG = 64
L = 3


def _gat_conv(x, src, dst, W, a_s, a_d, b):
    # PyG GATConv, heads=1, negative_slope=0.2
    n = x.shape[0]
    xp = x @ W
    e = (xp @ a_s)[src] + (xp @ a_d)[dst]
    e = jnp.where(e > 0, e, 0.2 * e)  # leaky_relu
    m = jax.ops.segment_max(e, dst, num_segments=n)
    m = jnp.where(jnp.isfinite(m), m, 0.0)
    ex = jnp.exp(e - m[dst])
    den = jax.ops.segment_sum(ex, dst, num_segments=n)
    den = jnp.where(den > 0, den, 1.0)
    alpha = ex / den[dst]
    out = jax.ops.segment_sum(xp[src] * alpha[:, None], dst, num_segments=n)
    return out + b


def setup_inputs(seed: int = 0) -> dict:
    key = jax.random.key(seed)
    ks = [jax.random.fold_in(key, i) for i in range(40)]
    inp = {}
    inp["x"] = jax.random.normal(ks[0], (N, D), dtype=jnp.float32)
    inp["edge_index"] = jax.random.randint(ks[1], (2, E), 0, N, dtype=jnp.int32)
    inp["batch"] = jnp.sort(jax.random.randint(ks[2], (N,), 0, NG, dtype=jnp.int32))
    dims = [D, H, H]
    for i in range(L):
        s = 1.0 / float(np.sqrt(dims[i]))
        inp[f"W{i}"] = jax.random.normal(ks[3 + 4 * i], (dims[i], OC), dtype=jnp.float32) * s
        inp[f"as{i}"] = jax.random.normal(ks[4 + 4 * i], (OC,), dtype=jnp.float32) * s
        inp[f"ad{i}"] = jax.random.normal(ks[5 + 4 * i], (OC,), dtype=jnp.float32) * s
        inp[f"b{i}"] = jnp.zeros((OC,), dtype=jnp.float32)
    inp["Wf"] = jax.random.normal(ks[30], (H, 1), dtype=jnp.float32) * (1.0 / float(np.sqrt(H)))
    inp["bf"] = jnp.zeros((1,), dtype=jnp.float32)
    return inp


def reference(x, edge_index, batch, W0, as0, ad0, b0, W1, as1, ad1, b1, W2, as2, ad2, b2, Wf, bf):
    src = edge_index[0]
    dst = edge_index[1]
    params = [(W0, as0, ad0, b0), (W1, as1, ad1, b1), (W2, as2, ad2, b2)]
    h = x
    for (W, a_s, a_d, b) in params:
        # layersB shares the same modules as layersA in the source (bug preserved),
        # and dense_edge_idx is undefined there, so both branches use edge_index.
        hA = _gat_conv(h, src, dst, W, a_s, a_d, b)
        hB = _gat_conv(h, src, dst, W, a_s, a_d, b)
        h = jax.nn.relu(jnp.concatenate([hA, hB], axis=1))
    pooled = jax.ops.segment_sum(h, batch, num_segments=NG)  # global_add_pool
    y = (pooled @ Wf + bf).squeeze()
    return y

if __name__ == "__main__":
    import jax
    _d = setup_inputs()
    print(jax.jit(kernel)(*tuple(_d.values())))

</pallas_src>

<mosaic_0001>
#map = affine_map<(d0, d1) -> (0)>
#map1 = affine_map<(d0, d1) -> (0, 0)>
#map2 = affine_map<(d0, d1) -> (0, 0, 0)>
module attributes {stable_mosaic.version = 14 : i64} {
  func.func @k(%arg0: i32, %arg1: i32, %arg2: memref<327680xi32, #tpu.memory_space<hbm>>, %arg3: memref<2560x128xi32, #tpu.memory_space<hbm>>, %arg4: memref<10240xf32, #tpu.memory_space<hbm>>, %arg5: memref<10240xf32, #tpu.memory_space<hbm>>, %arg6: memref<10240x64xf32, #tpu.memory_space<hbm>>, %arg7: memref<2x10240x80xf32, #tpu.memory_space<hbm>>, %arg8: memref<10240xi32, #tpu.memory_space<vmem>>, %arg9: memref<80x128xi32, #tpu.memory_space<vmem>>, %arg10: memref<10240xf32, #tpu.memory_space<vmem>>, %arg11: memref<10240xf32, #tpu.memory_space<vmem>>, %arg12: memref<128xf32, #tpu.memory_space<vmem>>, %arg13: memref<128x64xf32, #tpu.memory_space<vmem>>, %arg14: memref<128x80xf32, #tpu.memory_space<vmem>>, %arg15: memref<16xf32, #tpu.memory_space<vmem>>, %arg16: memref<10240x80xf32, #tpu.memory_space<vmem_shared>>, %arg17: memref<!tpu.dma_semaphore, #tpu.memory_space<semaphore_mem>>, %arg18: memref<!tpu.dma_semaphore, #tpu.memory_space<semaphore_mem>>) attributes {dimension_semantics = [#tpu.dimension_semantics<core_parallel>, #tpu.dimension_semantics<subcore_parallel>], iteration_bounds = array<i64: 2, 16>, scalar_prefetch = 0 : i64, scratch_operands = 11 : i64, tpu.core_type = #tpu.core_type<sc_vector_subcore>, window_params = [{transform_indices = #map}, {transform_indices = #map1}, {transform_indices = #map}, {transform_indices = #map}, {transform_indices = #map1}, {transform_indices = #map2}]} {
    %mul3A = arith.constant 16 : i32
    %mul3A_0 = arith.muli %arg0, %mul3A : i32
    %add3A = arith.addi %mul3A_0, %arg1 : i32
    %mul3A_1 = arith.constant 640 : i32
    %mul3A_2 = arith.muli %arg1, %mul3A_1 : i32
    %mul3A_3 = arith.constant 10240 : i32
    %mul3A_4 = arith.muli %add3A, %mul3A_3 : i32
    "tpu.region"() ({
      %run_scoped3A = tpu.sem_alloc : memref<!tpu.dma_semaphore, #tpu.memory_space<semaphore_mem>>
      %dma_start3A = tpu.memref_slice %arg2[%mul3A_4] : memref<327680xi32, #tpu.memory_space<hbm>> -> memref<10240xi32, #tpu.memory_space<hbm>>
      %dma_start3A_112 = tpu.memref_slice %arg2[%mul3A_4] : memref<327680xi32, #tpu.memory_space<hbm>> -> memref<10240xi32, #tpu.memory_space<hbm>>
      tpu.enqueue_dma source(%dma_start3A_112 : memref<10240xi32, #tpu.memory_space<hbm>>) target(%arg8 : memref<10240xi32, #tpu.memory_space<vmem>>) target_semaphore(%run_scoped3A : memref<!tpu.dma_semaphore, #tpu.memory_space<semaphore_mem>>)
      %dma_wait3A_113 = tpu.memref_slice %arg2[%mul3A_4] : memref<327680xi32, #tpu.memory_space<hbm>> -> memref<10240xi32, #tpu.memory_space<hbm>>
      %dma_wait3A_114 = tpu.memref_slice %arg2[%mul3A_4] : memref<327680xi32, #tpu.memory_space<hbm>> -> memref<10240xi32, #tpu.memory_space<hbm>>
      tpu.wait_dma2 semaphore(%run_scoped3A : memref<!tpu.dma_semaphore, #tpu.memory_space<semaphore_mem>>) src(%dma_wait3A_114 : memref<10240xi32, #tpu.memory_space<hbm>>) dst(%arg8 : memref<10240xi32, #tpu.memory_space<vmem>>)
      tpu.yield
    }) : () -> ()
    %mul3A_5 = arith.constant 80 : i32
    %mul3A_6 = arith.muli %add3A, %mul3A_5 : i32
    "tpu.region"() ({
      %run_scoped3A = tpu.sem_alloc : memref<!tpu.dma_semaphore, #tpu.memory_space<semaphore_mem>>
      %dma_start3A = arith.constant 0 : i32
      %dma_start3A_112 = tpu.memref_slice %arg3[%mul3A_6, %dma_start3A] : memref<2560x128xi32, #tpu.memory_space<hbm>> -> memref<80x128xi32, #tpu.memory_space<hbm>>
      %dma_start3A_113 = arith.constant 0 : i32
      %dma_start3A_114 = tpu.memref_slice %arg3[%mul3A_6, %dma_start3A_113] : memref<2560x128xi32, #tpu.memory_space<hbm>> -> memref<80x128xi32, #tpu.memory_space<hbm>>
      tpu.enqueue_dma source(%dma_start3A_114 : memref<80x128xi32, #tpu.memory_space<hbm>>) target(%arg9 : memref<80x128xi32, #tpu.memory_space<vmem>>) target_semaphore(%run_scoped3A : memref<!tpu.dma_semaphore, #tpu.memory_space<semaphore_mem>>)
      %dma_wait3A_115 = arith.constant 0 : i32
      %dma_wait3A_116 = tpu.memref_slice %arg3[%mul3A_6, %dma_wait3A_115] : memref<2560x128xi32, #tpu.memory_space<hbm>> -> memref<80x128xi32, #tpu.memory_space<hbm>>
      %dma_wait3A_117 = arith.constant 0 : i32
      %dma_wait3A_118 = tpu.memref_slice %arg3[%mul3A_6, %dma_wait3A_117] : memref<2560x128xi32, #tpu.memory_space<hbm>> -> memref<80x128xi32, #tpu.memory_space<hbm>>
      tpu.wait_dma2 semaphore(%run_scoped3A : memref<!tpu.dma_semaphore, #tpu.memory_space<semaphore_mem>>) src(%dma_wait3A_118 : memref<80x128xi32, #tpu.memory_space<hbm>>) dst(%arg9 : memref<80x128xi32, #tpu.memory_space<vmem>>)
      tpu.yield
    }) : () -> ()
    "tpu.region"() ({
      %run_scoped3A = tpu.sem_alloc : memref<!tpu.dma_semaphore, #tpu.memory_space<semaphore_mem>>
      tpu.enqueue_dma source(%arg4 : memref<10240xf32, #tpu.memory_space<hbm>>) target(%arg10 : memref<10240xf32, #tpu.memory_space<vmem>>) target_semaphore(%run_scoped3A : memref<!tpu.dma_semaphore, #tpu.memory_space<semaphore_mem>>)
      tpu.wait_dma2 semaphore(%run_scoped3A : memref<!tpu.dma_semaphore, #tpu.memory_space<semaphore_mem>>) src(%arg4 : memref<10240xf32, #tpu.memory_space<hbm>>) dst(%arg10 : memref<10240xf32, #tpu.memory_space<vmem>>)
      tpu.yield
    }) : () -> ()
    "tpu.region"() ({
      %run_scoped3A = tpu.sem_alloc : memref<!tpu.dma_semaphore, #tpu.memory_space<semaphore_mem>>
      tpu.enqueue_dma source(%arg5 : memref<10240xf32, #tpu.memory_space<hbm>>) target(%arg11 : memref<10240xf32, #tpu.memory_space<vmem>>) target_semaphore(%run_scoped3A : memref<!tpu.dma_semaphore, #tpu.memory_space<semaphore_mem>>)
      tpu.wait_dma2 semaphore(%run_scoped3A : memref<!tpu.dma_semaphore, #tpu.memory_space<semaphore_mem>>) src(%arg5 : memref<10240xf32, #tpu.memory_space<hbm>>) dst(%arg11 : memref<10240xf32, #tpu.memory_space<vmem>>)
      tpu.yield
    }) : () -> ()
    %broadcast_in_dim3A = arith.constant 0.000000e+00 : f32
    %broadcast_in_dim3A_7 = vector.broadcast %broadcast_in_dim3A : f32 to vector<16xf32>
    %scan3A = arith.constant 0 : i32
    %scan3A_8 = arith.constant 0 : i32
    %scan3A_9 = arith.constant 128 : i32
    %scan3A_10 = arith.addi %scan3A_8, %scan3A_9 : i32
    %scan3A_11 = arith.constant 1 : i32
    %scan3A_12 = scf.for %scan3A_112 = %scan3A_8 to %scan3A_10 step %scan3A_11 iter_args(%scan3A_113 = %scan3A) -> (i32)  : i32 {
      %swap3A_114 = arith.index_cast %scan3A_112 : i32 to index
      %swap3A_115 = arith.constant 0 : index
      %swap3A_116 = tpu.vector_load %arg14[%swap3A_114, %swap3A_115] {strides = array<i32>} : memref<128x80xf32, #tpu.memory_space<vmem>>, vector<16xf32>,
      tpu.vector_store %arg14[%swap3A_114, %swap3A_115], %broadcast_in_dim3A_7 {strides = array<i32>} : memref<128x80xf32, #tpu.memory_space<vmem>>, vector<16xf32>,
      %swap3A_117 = arith.index_cast %scan3A_112 : i32 to index
      %swap3A_118 = arith.constant 16 : index
      %swap3A_119 = tpu.vector_load %arg14[%swap3A_117, %swap3A_118] {strides = array<i32>} : memref<128x80xf32, #tpu.memory_space<vmem>>, vector<16xf32>,
      tpu.vector_store %arg14[%swap3A_117, %swap3A_118], %broadcast_in_dim3A_7 {strides = array<i32>} : memref<128x80xf32, #tpu.memory_space<vmem>>, vector<16xf32>,
      %swap3A_120 = arith.index_cast %scan3A_112 : i32 to index
      %swap3A_121 = arith.constant 32 : index
      %swap3A_122 = tpu.vector_load %arg14[%swap3A_120, %swap3A_121] {strides = array<i32>} : memref<128x80xf32, #tpu.memory_space<vmem>>, vector<16xf32>,
      tpu.vector_store %arg14[%swap3A_120, %swap3A_121], %broadcast_in_dim3A_7 {strides = array<i32>} : memref<128x80xf32, #tpu.memory_space<vmem>>, vector<16xf32>,
      %swap3A_123 = arith.index_cast %scan3A_112 : i32 to index
      %swap3A_124 = arith.constant 48 : index
      %swap3A_125 = tpu.vector_load %arg14[%swap3A_123, %swap3A_124] {strides = array<i32>} : memref<128x80xf32, #tpu.memory_space<vmem>>, vector<16xf32>,
      tpu.vector_store %arg14[%swap3A_123, %swap3A_124], %broadcast_in_dim3A_7 {strides = array<i32>} : memref<128x80xf32, #tpu.memory_space<vmem>>, vector<16xf32>,
      %swap3A_126 = arith.index_cast %scan3A_112 : i32 to index
      %swap3A_127 = arith.constant 64 : index
      %swap3A_128 = tpu.vector_load %arg14[%swap3A_126, %swap3A_127] {strides = array<i32>} : memref<128x80xf32, #tpu.memory_space<vmem>>, vector<16xf32>,
      tpu.vector_store %arg14[%swap3A_126, %swap3A_127], %broadcast_in_dim3A_7 {strides = array<i32>} : memref<128x80xf32, #tpu.memory_space<vmem>>, vector<16xf32>,
      %scan3A_129 = arith.constant 0 : i32
      scf.yield %scan3A_129 : i32
    }
    %scan3A_13 = arith.constant 128 : i32
    %add3A_14 = arith.constant 0 : i32
    %add3A_15 = arith.addi %mul3A_2, %add3A_14 : i32
    "tpu.region"() ({
      %run_scoped3A = tpu.sem_alloc : memref<!tpu.dma_semaphore, #tpu.memory_space<semaphore_mem>>
      %dma_start3A = arith.constant 0 : i32
      %dma_start3A_112 = tpu.memref_slice %arg16[%add3A_15, %dma_start3A] : memref<10240x80xf32, #tpu.memory_space<vmem_shared>> -> memref<128x80xf32, #tpu.memory_space<vmem_shared>>
      %dma_start3A_113 = arith.constant 0 : i32
      %dma_start3A_114 = tpu.memref_slice %arg16[%add3A_15, %dma_start3A_113] : memref<10240x80xf32, #tpu.memory_space<vmem_shared>> -> memref<128x80xf32, #tpu.memory_space<vmem_shared>>
      tpu.enqueue_dma source(%arg14 : memref<128x80xf32, #tpu.memory_space<vmem>>) target(%dma_start3A_114 : memref<128x80xf32, #tpu.memory_space<vmem_shared>>) target_semaphore(%run_scoped3A : memref<!tpu.dma_semaphore, #tpu.memory_space<semaphore_mem>>)
      %dma_wait3A_115 = arith.constant 0 : i32
      %dma_wait3A_116 = tpu.memref_slice %arg16[%add3A_15, %dma_wait3A_115] : memref<10240x80xf32, #tpu.memory_space<vmem_shared>> -> memref<128x80xf32, #tpu.memory_space<vmem_shared>>
      %dma_wait3A_117 = arith.constant 0 : i32
      %dma_wait3A_118 = tpu.memref_slice %arg16[%add3A_15, %dma_wait3A_117] : memref<10240x80xf32, #tpu.memory_space<vmem_shared>> -> memref<128x80xf32, #tpu.memory_space<vmem_shared>>
      tpu.wait_dma2 semaphore(%run_scoped3A : memref<!tpu.dma_semaphore, #tpu.memory_space<semaphore_mem>>) src(%arg14 : memref<128x80xf32, #tpu.memory_space<vmem>>) dst(%dma_wait3A_118 : memref<128x80xf32, #tpu.memory_space<vmem_shared>>)
      tpu.yield
    }) : () -> ()
    %add3A_16 = arith.constant 128 : i32
    %add3A_17 = arith.addi %mul3A_2, %add3A_16 : i32
    "tpu.region"() ({
      %run_scoped3A = tpu.sem_alloc : memref<!tpu.dma_semaphore, #tpu.memory_space<semaphore_mem>>
      %dma_start3A = arith.constant 0 : i32
      %dma_start3A_112 = tpu.memref_slice %arg16[%add3A_17, %dma_start3A] : memref<10240x80xf32, #tpu.memory_space<vmem_shared>> -> memref<128x80xf32, #tpu.memory_space<vmem_shared>>
      %dma_start3A_113 = arith.constant 0 : i32
      %dma_start3A_114 = tpu.memref_slice %arg16[%add3A_17, %dma_start3A_113] : memref<10240x80xf32, #tpu.memory_space<vmem_shared>> -> memref<128x80xf32, #tpu.memory_space<vmem_shared>>
      tpu.enqueue_dma source(%arg14 : memref<128x80xf32, #tpu.memory_space<vmem>>) target(%dma_start3A_114 : memref<128x80xf32, #tpu.memory_space<vmem_shared>>) target_semaphore(%run_scoped3A : memref<!tpu.dma_semaphore, #tpu.memory_space<semaphore_mem>>)
      %dma_wait3A_115 = arith.constant 0 : i32
      %dma_wait3A_116 = tpu.memref_slice %arg16[%add3A_17, %dma_wait3A_115] : memref<10240x80xf32, #tpu.memory_space<vmem_shared>> -> memref<128x80xf32, #tpu.memory_space<vmem_shared>>
      %dma_wait3A_117 = arith.constant 0 : i32
      %dma_wait3A_118 = tpu.memref_slice %arg16[%add3A_17, %dma_wait3A_117] : memref<10240x80xf32, #tpu.memory_space<vmem_shared>> -> memref<128x80xf32, #tpu.memory_space<vmem_shared>>
      tpu.wait_dma2 semaphore(%run_scoped3A : memref<!tpu.dma_semaphore, #tpu.memory_space<semaphore_mem>>) src(%arg14 : memref<128x80xf32, #tpu.memory_space<vmem>>) dst(%dma_wait3A_118 : memref<128x80xf32, #tpu.memory_space<vmem_shared>>)
      tpu.yield
    }) : () -> ()
    %add3A_18 = arith.constant 256 : i32
    %add3A_19 = arith.addi %mul3A_2, %add3A_18 : i32
    "tpu.region"() ({
      %run_scoped3A = tpu.sem_alloc : memref<!tpu.dma_semaphore, #tpu.memory_space<semaphore_mem>>
      %dma_start3A = arith.constant 0 : i32
      %dma_start3A_112 = tpu.memref_slice %arg16[%add3A_19, %dma_start3A] : memref<10240x80xf32, #tpu.memory_space<vmem_shared>> -> memref<128x80xf32, #tpu.memory_space<vmem_shared>>
      %dma_start3A_113 = arith.constant 0 : i32
      %dma_start3A_114 = tpu.memref_slice %arg16[%add3A_19, %dma_start3A_113] : memref<10240x80xf32, #tpu.memory_space<vmem_shared>> -> memref<128x80xf32, #tpu.memory_space<vmem_shared>>
      tpu.enqueue_dma source(%arg14 : memref<128x80xf32, #tpu.memory_space<vmem>>) target(%dma_start3A_114 : memref<128x80xf32, #tpu.memory_space<vmem_shared>>) target_semaphore(%run_scoped3A : memref<!tpu.dma_semaphore, #tpu.memory_space<semaphore_mem>>)
      %dma_wait3A_115 = arith.constant 0 : i32
      %dma_wait3A_116 = tpu.memref_slice %arg16[%add3A_19, %dma_wait3A_115] : memref<10240x80xf32, #tpu.memory_space<vmem_shared>> -> memref<128x80xf32, #tpu.memory_space<vmem_shared>>
      %dma_wait3A_117 = arith.constant 0 : i32
      %dma_wait3A_118 = tpu.memref_slice %arg16[%add3A_19, %dma_wait3A_117] : memref<10240x80xf32, #tpu.memory_space<vmem_shared>> -> memref<128x80xf32, #tpu.memory_space<vmem_shared>>
      tpu.wait_dma2 semaphore(%run_scoped3A : memref<!tpu.dma_semaphore, #tpu.memory_space<semaphore_mem>>) src(%arg14 : memref<128x80xf32, #tpu.memory_space<vmem>>) dst(%dma_wait3A_118 : memref<128x80xf32, #tpu.memory_space<vmem_shared>>)
      tpu.yield
    }) : () -> ()
    %add3A_20 = arith.constant 384 : i32
    %add3A_21 = arith.addi %mul3A_2, %add3A_20 : i32
    "tpu.region"() ({
      %run_scoped3A = tpu.sem_alloc : memref<!tpu.dma_semaphore, #tpu.memory_space<semaphore_mem>>
      %dma_start3A = arith.constant 0 : i32
      %dma_start3A_112 = tpu.memref_slice %arg16[%add3A_21, %dma_start3A] : memref<10240x80xf32, #tpu.memory_space<vmem_shared>> -> memref<128x80xf32, #tpu.memory_space<vmem_shared>>
      %dma_start3A_113 = arith.constant 0 : i32
      %dma_start3A_114 = tpu.memref_slice %arg16[%add3A_21, %dma_start3A_113] : memref<10240x80xf32, #tpu.memory_space<vmem_shared>> -> memref<128x80xf32, #tpu.memory_space<vmem_shared>>
      tpu.enqueue_dma source(%arg14 : memref<128x80xf32, #tpu.memory_space<vmem>>) target(%dma_start3A_114 : memref<128x80xf32, #tpu.memory_space<vmem_shared>>) target_semaphore(%run_scoped3A : memref<!tpu.dma_semaphore, #tpu.memory_space<semaphore_mem>>)
      %dma_wait3A_115 = arith.constant 0 : i32
      %dma_wait3A_116 = tpu.memref_slice %arg16[%add3A_21, %dma_wait3A_115] : memref<10240x80xf32, #tpu.memory_space<vmem_shared>> -> memref<128x80xf32, #tpu.memory_space<vmem_shared>>
      %dma_wait3A_117 = arith.constant 0 : i32
      %dma_wait3A_118 = tpu.memref_slice %arg16[%add3A_21, %dma_wait3A_117] : memref<10240x80xf32, #tpu.memory_space<vmem_shared>> -> memref<128x80xf32, #tpu.memory_space<vmem_shared>>
      tpu.wait_dma2 semaphore(%run_scoped3A : memref<!tpu.dma_semaphore, #tpu.memory_space<semaphore_mem>>) src(%arg14 : memref<128x80xf32, #tpu.memory_space<vmem>>) dst(%dma_wait3A_118 : memref<128x80xf32, #tpu.memory_space<vmem_shared>>)
      tpu.yield
    }) : () -> ()
    %add3A_22 = arith.constant 512 : i32
    %add3A_23 = arith.addi %mul3A_2, %add3A_22 : i32
    "tpu.region"() ({
      %run_scoped3A = tpu.sem_alloc : memref<!tpu.dma_semaphore, #tpu.memory_space<semaphore_mem>>
      %dma_start3A = arith.constant 0 : i32
      %dma_start3A_112 = tpu.memref_slice %arg16[%add3A_23, %dma_start3A] : memref<10240x80xf32, #tpu.memory_space<vmem_shared>> -> memref<128x80xf32, #tpu.memory_space<vmem_shared>>
      %dma_start3A_113 = arith.constant 0 : i32
      %dma_start3A_114 = tpu.memref_slice %arg16[%add3A_23, %dma_start3A_113] : memref<10240x80xf32, #tpu.memory_space<vmem_shared>> -> memref<128x80xf32, #tpu.memory_space<vmem_shared>>
      tpu.enqueue_dma source(%arg14 : memref<128x80xf32, #tpu.memory_space<vmem>>) target(%dma_start3A_114 : memref<128x80xf32, #tpu.memory_space<vmem_shared>>) target_semaphore(%run_scoped3A : memref<!tpu.dma_semaphore, #tpu.memory_space<semaphore_mem>>)
      %dma_wait3A_115 = arith.constant 0 : i32
      %dma_wait3A_116 = tpu.memref_slice %arg16[%add3A_23, %dma_wait3A_115] : memref<10240x80xf32, #tpu.memory_space<vmem_shared>> -> memref<128x80xf32, #tpu.memory_space<vmem_shared>>
      %dma_wait3A_117 = arith.constant 0 : i32
      %dma_wait3A_118 = tpu.memref_slice %arg16[%add3A_23, %dma_wait3A_117] : memref<10240x80xf32, #tpu.memory_space<vmem_shared>> -> memref<128x80xf32, #tpu.memory_space<vmem_shared>>
      tpu.wait_dma2 semaphore(%run_scoped3A : memref<!tpu.dma_semaphore, #tpu.memory_space<semaphore_mem>>) src(%arg14 : memref<128x80xf32, #tpu.memory_space<vmem>>) dst(%dma_wait3A_118 : memref<128x80xf32, #tpu.memory_space<vmem_shared>>)
      tpu.yield
    }) : () -> ()
    %broadcast_in_dim3A_24 = arith.constant -3.000000e+38 : f32
    %broadcast_in_dim3A_25 = vector.broadcast %broadcast_in_dim3A_24 : f32 to vector<16xf32>
    %scan3A_26 = arith.constant 0 : i32
    %scan3A_27 = arith.constant 640 : i32
    %scan3A_28 = arith.addi %scan3A_26, %scan3A_27 : i32
    %scan3A_29 = arith.constant 1 : i32
    %scan3A_30:2 = scf.for %scan3A_112 = %scan3A_26 to %scan3A_28 step %scan3A_29 iter_args(%scan3A_113 = %broadcast_in_dim3A_25, %scan3A_114 = %broadcast_in_dim3A_25) -> (vector<16xf32>, vector<16xf32>)  : i32 {
      %mul3A_115 = arith.constant 16 : i32
      %mul3A_116 = arith.muli %scan3A_112, %mul3A_115 : i32
      %get3A = arith.index_cast %mul3A_116 : i32 to index
      %get3A_117 = tpu.vector_load %arg10[%get3A] {strides = array<i32>} : memref<10240xf32, #tpu.memory_space<vmem>>, vector<16xf32>,
      %max3A_118 = arith.maximumf %scan3A_113, %get3A_117 : vector<16xf32>
      %get3A_119 = arith.index_cast %mul3A_116 : i32 to index
      %get3A_120 = tpu.vector_load %arg11[%get3A_119] {strides = array<i32>} : memref<10240xf32, #tpu.memory_space<vmem>>, vector<16xf32>,
      %max3A_121 = arith.maximumf %scan3A_114, %get3A_120 : vector<16xf32>
      scf.yield %max3A_118, %max3A_121 : vector<16xf32>, vector<16xf32>
    }
    %scan3A_31 = arith.constant 640 : i32
    %iota3A = tpu.iota {dimensions = array<i32: 0>} : vector<16xi32>
    %swap3A = arith.constant 0 : index
    %swap3A_32 = tpu.vector_load %arg15[%swap3A] {strides = array<i32>} : memref<16xf32, #tpu.memory_space<vmem>>, vector<16xf32>,
    tpu.vector_store %arg15[%swap3A], %scan3A_30#0 {strides = array<i32>} : memref<16xf32, #tpu.memory_space<vmem>>, vector<16xf32>,
    %broadcast_in_dim3A_33 = arith.constant 8 : i32
    %broadcast_in_dim3A_34 = vector.broadcast %broadcast_in_dim3A_33 : i32 to vector<16xi32>
    %xor3A = arith.xori %iota3A, %broadcast_in_dim3A_34 : vector<16xi32>
    %gather3A = tpu.vector_load_idx %arg15[%xor3A] : memref<16xf32, #tpu.memory_space<vmem>>[vector<16xi32>], vector<16xf32>,
    %max3A = arith.maximumf %scan3A_30#0, %gather3A : vector<16xf32>
    %swap3A_35 = arith.constant 0 : index
    %swap3A_36 = tpu.vector_load %arg15[%swap3A_35] {strides = array<i32>} : memref<16xf32, #tpu.memory_space<vmem>>, vector<16xf32>,
    tpu.vector_store %arg15[%swap3A_35], %max3A {strides = array<i32>} : memref<16xf32, #tpu.memory_space<vmem>>, vector<16xf32>,
    %broadcast_in_dim3A_37 = arith.constant 4 : i32
    %broadcast_in_dim3A_38 = vector.broadcast %broadcast_in_dim3A_37 : i32 to vector<16xi32>
    %xor3A_39 = arith.xori %iota3A, %broadcast_in_dim3A_38 : vector<16xi32>
    %gather3A_40 = tpu.vector_load_idx %arg15[%xor3A_39] : memref<16xf32, #tpu.memory_space<vmem>>[vector<16xi32>], vector<16xf32>,
    %max3A_41 = arith.maximumf %max3A, %gather3A_40 : vector<16xf32>
    %swap3A_42 = arith.constant 0 : index
    %swap3A_43 = tpu.vector_load %arg15[%swap3A_42] {strides = array<i32>} : memref<16xf32, #tpu.memory_space<vmem>>, vector<16xf32>,
    tpu.vector_store %arg15[%swap3A_42], %max3A_41 {strides = array<i32>} : memref<16xf32, #tpu.memory_space<vmem>>, vector<16xf32>,
    %broadcast_in_dim3A_44 = arith.constant 2 : i32
    %broadcast_in_dim3A_45 = vector.broadcast %broadcast_in_dim3A_44 : i32 to vector<16xi32>
    %xor3A_46 = arith.xori %iota3A, %broadcast_in_dim3A_45 : vector<16xi32>
    %gather3A_47 = tpu.vector_load_idx %arg15[%xor3A_46] : memref<16xf32, #tpu.memory_space<vmem>>[vector<16xi32>], vector<16xf32>,
    %max3A_48 = arith.maximumf %max3A_41, %gather3A_47 : vector<16xf32>
    %swap3A_49 = arith.constant 0 : index
    %swap3A_50 = tpu.vector_load %arg15[%swap3A_49] {strides = array<i32>} : memref<16xf32, #tpu.memory_space<vmem>>, vector<16xf32>,
    tpu.vector_store %arg15[%swap3A_49], %max3A_48 {strides = array<i32>} : memref<16xf32, #tpu.memory_space<vmem>>, vector<16xf32>,
    %broadcast_in_dim3A_51 = arith.constant 1 : i32
    %broadcast_in_dim3A_52 = vector.broadcast %broadcast_in_dim3A_51 : i32 to vector<16xi32>
    %xor3A_53 = arith.xori %iota3A, %broadcast_in_dim3A_52 : vector<16xi32>
    %gather3A_54 = tpu.vector_load_idx %arg15[%xor3A_53] : memref<16xf32, #tpu.memory_space<vmem>>[vector<16xi32>], vector<16xf32>,
    %max3A_55 = arith.maximumf %max3A_48, %gather3A_54 : vector<16xf32>
    %swap3A_56 = arith.constant 0 : index
    %swap3A_57 = tpu.vector_load %arg15[%swap3A_56] {strides = array<i32>} : memref<16xf32, #tpu.memory_space<vmem>>, vector<16xf32>,
    tpu.vector_store %arg15[%swap3A_56], %scan3A_30#1 {strides = array<i32>} : memref<16xf32, #tpu.memory_space<vmem>>, vector<16xf32>,
    %broadcast_in_dim3A_58 = arith.constant 8 : i32
    %broadcast_in_dim3A_59 = vector.broadcast %broadcast_in_dim3A_58 : i32 to vector<16xi32>
    %xor3A_60 = arith.xori %iota3A, %broadcast_in_dim3A_59 : vector<16xi32>
    %gather3A_61 = tpu.vector_load_idx %arg15[%xor3A_60] : memref<16xf32, #tpu.memory_space<vmem>>[vector<16xi32>], vector<16xf32>,
    %max3A_62 = arith.maximumf %scan3A_30#1, %gather3A_61 : vector<16xf32>
    %swap3A_63 = arith.constant 0 : index
    %swap3A_64 = tpu.vector_load %arg15[%swap3A_63] {strides = array<i32>} : memref<16xf32, #tpu.memory_space<vmem>>, vector<16xf32>,
    tpu.vector_store %arg15[%swap3A_63], %max3A_62 {strides = array<i32>} : memref<16xf32, #tpu.memory_space<vmem>>, vector<16xf32>,
    %broadcast_in_dim3A_65 = arith.constant 4 : i32
    %broadcast_in_dim3A_66 = vector.broadcast %broadcast_in_dim3A_65 : i32 to vector<16xi32>
    %xor3A_67 = arith.xori %iota3A, %broadcast_in_dim3A_66 : vector<16xi32>
    %gather3A_68 = tpu.vector_load_idx %arg15[%xor3A_67] : memref<16xf32, #tpu.memory_space<vmem>>[vector<16xi32>], vector<16xf32>,
    %max3A_69 = arith.maximumf %max3A_62, %gather3A_68 : vector<16xf32>
    %swap3A_70 = arith.constant 0 : index
    %swap3A_71 = tpu.vector_load %arg15[%swap3A_70] {strides = array<i32>} : memref<16xf32, #tpu.memory_space<vmem>>, vector<16xf32>,
    tpu.vector_store %arg15[%swap3A_70], %max3A_69 {strides = array<i32>} : memref<16xf32, #tpu.memory_space<vmem>>, vector<16xf32>,
    %broadcast_in_dim3A_72 = arith.constant 2 : i32
    %broadcast_in_dim3A_73 = vector.broadcast %broadcast_in_dim3A_72 : i32 to vector<16xi32>
    %xor3A_74 = arith.xori %iota3A, %broadcast_in_dim3A_73 : vector<16xi32>
    %gather3A_75 = tpu.vector_load_idx %arg15[%xor3A_74] : memref<16xf32, #tpu.memory_space<vmem>>[vector<16xi32>], vector<16xf32>,
    %max3A_76 = arith.maximumf %max3A_69, %gather3A_75 : vector<16xf32>
    %swap3A_77 = arith.constant 0 : index
    %swap3A_78 = tpu.vector_load %arg15[%swap3A_77] {strides = array<i32>} : memref<16xf32, #tpu.memory_space<vmem>>, vector<16xf32>,
    tpu.vector_store %arg15[%swap3A_77], %max3A_76 {strides = array<i32>} : memref<16xf32, #tpu.memory_space<vmem>>, vector<16xf32>,
    %broadcast_in_dim3A_79 = arith.constant 1 : i32
    %broadcast_in_dim3A_80 = vector.broadcast %broadcast_in_dim3A_79 : i32 to vector<16xi32>
    %xor3A_81 = arith.xori %iota3A, %broadcast_in_dim3A_80 : vector<16xi32>
    %gather3A_82 = tpu.vector_load_idx %arg15[%xor3A_81] : memref<16xf32, #tpu.memory_space<vmem>>[vector<16xi32>], vector<16xf32>,
    %max3A_83 = arith.maximumf %max3A_76, %gather3A_82 : vector<16xf32>
    %add3A_84 = arith.addf %max3A_55, %max3A_83 : vector<16xf32>
    %max3A_85 = arith.constant 0.000000e+00 : f32
    %max3A_86 = vector.broadcast %max3A_85 : f32 to vector<16xf32>
    %max3A_87 = arith.maximumf %add3A_84, %max3A_86 : vector<16xf32>
    %eq3A = arith.constant 0 : i32
    %eq3A_88 = vector.broadcast %eq3A : i32 to vector<16xi32>
    %eq3A_89 = arith.cmpi eq, %iota3A, %eq3A_88 : vector<16xi32>
    %jit3A = arith.constant 1.000000e+00 : f32
    %jit3A_90 = arith.constant 0.000000e+00 : f32
    %broadcast_in_dim3A_91 = vector.broadcast %jit3A : f32 to vector<16xf32>
    %broadcast_in_dim3A_92 = vector.broadcast %jit3A_90 : f32 to vector<16xf32>
    %select_n3A = arith.select %eq3A_89, %broadcast_in_dim3A_91, %broadcast_in_dim3A_92 : vector<16xi1>, vector<16xf32>
    %broadcast_in_dim3A_93 = arith.constant 0 : i32
    %broadcast_in_dim3A_94 = vector.broadcast %broadcast_in_dim3A_93 : i32 to vector<16xi32>
    %barrier3A = arith.constant 0 : index
    tpu.barrier barrier_id(%barrier3A)
    %scan3A_95 = arith.constant 0 : i32
    %scan3A_96 = arith.constant 0 : i32
    %scan3A_97 = arith.constant 0 : i32
    %scan3A_98 = arith.constant 80 : i32
    %scan3A_99 = arith.addi %scan3A_97, %scan3A_98 : i32
    %scan3A_100 = arith.constant 1 : i32
    %scan3A_101 = scf.for %scan3A_112 = %scan3A_97 to %scan3A_99 step %scan3A_100 iter_args(%scan3A_113 = %scan3A_96) -> (i32)  : i32 {
      %mul3A_114 = arith.constant 128 : i32
      %mul3A_115 = arith.muli %scan3A_112, %mul3A_114 : i32
      %dma_start3A = tpu.memref_slice %arg8[%mul3A_115] : memref<10240xi32, #tpu.memory_space<vmem>> -> memref<128xi32, #tpu.memory_space<vmem>>
      %dma_start3A_116 = arith.constant 0 : i32
      %dma_start3A_117 = arith.constant 0 : i32
      %dma_start3A_118 = tpu.memref_slice %arg6[%dma_start3A_116, %dma_start3A_117] : memref<10240x64xf32, #tpu.memory_space<hbm>> -> memref<10240x64xf32, #tpu.memory_space<hbm>>
      tpu.enqueue_indirect_dma source(%dma_start3A_118 : memref<10240x64xf32, #tpu.memory_space<hbm>>) target(%arg13 : memref<128x64xf32, #tpu.memory_space<vmem>>) offsets(%dma_start3A : memref<128xi32, #tpu.memory_space<vmem>>) semaphore(%arg17 : memref<!tpu.dma_semaphore, #tpu.memory_space<semaphore_mem>>)
      %scan3A_119 = arith.constant 0 : i32
      %scan3A_120 = arith.constant 0 : i32
      %scan3A_121 = arith.constant 8 : i32
      %scan3A_122 = arith.addi %scan3A_120, %scan3A_121 : i32
      %scan3A_123 = arith.constant 1 : i32
      %scan3A_124 = scf.for %scan3A_146 = %scan3A_120 to %scan3A_122 step %scan3A_123 iter_args(%scan3A_147 = %scan3A_119) -> (i32)  : i32 {
        %mul3A_148 = arith.constant 16 : i32
        %mul3A_149 = arith.muli %scan3A_146, %mul3A_148 : i32
        %add3A_150 = arith.addi %mul3A_115, %mul3A_149 : i32
        %mul3A_151 = arith.constant 16 : i32
        %mul3A_152 = arith.muli %scan3A_146, %mul3A_151 : i32
        %get3A = arith.index_cast %add3A_150 : i32 to index
        %get3A_153 = tpu.vector_load %arg8[%get3A] {strides = array<i32>} : memref<10240xi32, #tpu.memory_space<vmem>>, vector<16xi32>,
        %get3A_154 = arith.index_cast %scan3A_112 : i32 to index
        %get3A_155 = arith.index_cast %mul3A_152 : i32 to index
        %get3A_156 = tpu.vector_load %arg9[%get3A_154, %get3A_155] {strides = array<i32>} : memref<80x128xi32, #tpu.memory_space<vmem>>, vector<16xi32>,
        %gather3A_157 = tpu.vector_load_idx %arg10[%get3A_153] : memref<10240xf32, #tpu.memory_space<vmem>>[vector<16xi32>], vector<16xf32>,
        %gather3A_158 = tpu.vector_load_idx %arg11[%get3A_156] : memref<10240xf32, #tpu.memory_space<vmem>>[vector<16xi32>], vector<16xf32>,
        %add3A_159 = arith.addf %gather3A_157, %gather3A_158 : vector<16xf32>
        %gt3A_160 = arith.constant 0.000000e+00 : f32
        %gt3A_161 = vector.broadcast %gt3A_160 : f32 to vector<16xf32>
        %gt3A_162 = arith.cmpf ogt, %add3A_159, %gt3A_161 : vector<16xf32>
        %mul3A_163 = arith.constant 2.000000e-01 : f32
        %mul3A_164 = vector.broadcast %mul3A_163 : f32 to vector<16xf32>
        %mul3A_165 = arith.mulf %mul3A_164, %add3A_159 : vector<16xf32>
        %select_n3A_166 = arith.select %gt3A_162, %add3A_159, %mul3A_165 : vector<16xi1>, vector<16xf32>
        %sub3A = arith.subf %select_n3A_166, %max3A_87 : vector<16xf32>
        %exp3A = math.exp %sub3A : vector<16xf32>
        %swap3A_167 = arith.index_cast %mul3A_152 : i32 to index
        %swap3A_168 = tpu.vector_load %arg12[%swap3A_167] {strides = array<i32>} : memref<128xf32, #tpu.memory_space<vmem>>, vector<16xf32>,
        tpu.vector_store %arg12[%swap3A_167], %exp3A {strides = array<i32>} : memref<128xf32, #tpu.memory_space<vmem>>, vector<16xf32>,
        %scan3A_169 = arith.constant 0 : i32
        scf.yield %scan3A_169 : i32
      }
      %scan3A_125 = arith.constant 8 : i32
      %dma_wait3A_126 = tpu.memref_slice %arg8[%mul3A_115] : memref<10240xi32, #tpu.memory_space<vmem>> -> memref<128xi32, #tpu.memory_space<vmem>>
      %dma_wait3A_127 = arith.constant 0 : i32
      %dma_wait3A_128 = arith.constant 0 : i32
      %dma_wait3A_129 = tpu.memref_slice %arg6[%dma_wait3A_127, %dma_wait3A_128] : memref<10240x64xf32, #tpu.memory_space<hbm>> -> memref<10240x64xf32, #tpu.memory_space<hbm>>
      tpu.wait_indirect_dma semaphore(%arg17 : memref<!tpu.dma_semaphore, #tpu.memory_space<semaphore_mem>>) src(%dma_wait3A_129 : memref<10240x64xf32, #tpu.memory_space<hbm>>) dst(%arg13 : memref<128x64xf32, #tpu.memory_space<vmem>>)
      %gt3A = arith.constant 0 : i32
      %gt3A_130 = arith.cmpi sgt, %scan3A_112, %gt3A : i32
      %convert_element_type3A = arith.extui %gt3A_130 : i1 to i32
      %cond3A = arith.constant 0 : i32
      %cond3A_131 = arith.cmpi ne, %convert_element_type3A, %cond3A : i32
      scf.if %cond3A_131 {
        %dma_wait3A_146 = arith.constant 0 : i32
        %dma_wait3A_147 = arith.constant 0 : i32
        %dma_wait3A_148 = tpu.memref_slice %arg7[%scan3A_95, %dma_wait3A_146, %dma_wait3A_147] : memref<2x10240x80xf32, #tpu.memory_space<hbm>> -> memref<1x128x80xf32, #tpu.memory_space<hbm>>
        %dma_wait3A_149 = tpu.memref_squeeze %dma_wait3A_148 : memref<1x128x80xf32, #tpu.memory_space<hbm>> -> memref<128x80xf32, #tpu.memory_space<hbm>>
        %dma_wait3A_150 = arith.constant 0 : i32
        %dma_wait3A_151 = arith.constant 0 : i32
        %dma_wait3A_152 = tpu.memref_slice %arg7[%scan3A_95, %dma_wait3A_150, %dma_wait3A_151] : memref<2x10240x80xf32, #tpu.memory_space<hbm>> -> memref<1x128x80xf32, #tpu.memory_space<hbm>>
        %dma_wait3A_153 = tpu.memref_squeeze %dma_wait3A_152 : memref<1x128x80xf32, #tpu.memory_space<hbm>> -> memref<128x80xf32, #tpu.memory_space<hbm>>
        tpu.wait_dma2 semaphore(%arg18 : memref<!tpu.dma_semaphore, #tpu.memory_space<semaphore_mem>>) src(%dma_wait3A_153 : memref<128x80xf32, #tpu.memory_space<hbm>>) dst(%arg14 : memref<128x80xf32, #tpu.memory_space<vmem>>)
      } else {
      }
      %scan3A_132 = arith.constant 0 : i32
      %scan3A_133 = arith.constant 0 : i32
      %scan3A_134 = arith.constant 128 : i32
      %scan3A_135 = arith.addi %scan3A_133, %scan3A_134 : i32
      %scan3A_136 = arith.constant 1 : i32
      %scan3A_137 = scf.for %scan3A_146 = %scan3A_133 to %scan3A_135 step %scan3A_136 iter_args(%scan3A_147 = %scan3A_132) -> (i32)  : i32 {
        %add3A_148 = vector.broadcast %scan3A_146 : i32 to vector<16xi32>
        %add3A_149 = arith.addi %broadcast_in_dim3A_94, %add3A_148 : vector<16xi32>
        %gather3A_150 = tpu.vector_load_idx %arg12[%add3A_149] : memref<128xf32, #tpu.memory_space<vmem>>[vector<16xi32>], vector<16xf32>,
        %get3A = arith.index_cast %scan3A_146 : i32 to index
        %get3A_151 = arith.constant 0 : index
        %get3A_152 = tpu.vector_load %arg13[%get3A, %get3A_151] {strides = array<i32>} : memref<128x64xf32, #tpu.memory_space<vmem>>, vector<16xf32>,
        %mul3A_153 = arith.mulf %get3A_152, %gather3A_150 : vector<16xf32>
        %swap3A_154 = arith.index_cast %scan3A_146 : i32 to index
        %swap3A_155 = arith.constant 0 : index
        %swap3A_156 = tpu.vector_load %arg14[%swap3A_154, %swap3A_155] {strides = array<i32>} : memref<128x80xf32, #tpu.memory_space<vmem>>, vector<16xf32>,
        tpu.vector_store %arg14[%swap3A_154, %swap3A_155], %mul3A_153 {strides = array<i32>} : memref<128x80xf32, #tpu.memory_space<vmem>>, vector<16xf32>,
        %get3A_157 = arith.index_cast %scan3A_146 : i32 to index
        %get3A_158 = arith.constant 16 : index
        %get3A_159 = tpu.vector_load %arg13[%get3A_157, %get3A_158] {strides = array<i32>} : memref<128x64xf32, #tpu.memory_space<vmem>>, vector<16xf32>,
        %mul3A_160 = arith.mulf %get3A_159, %gather3A_150 : vector<16xf32>
        %swap3A_161 = arith.index_cast %scan3A_146 : i32 to index
        %swap3A_162 = arith.constant 16 : index
        %swap3A_163 = tpu.vector_load %arg14[%swap3A_161, %swap3A_162] {strides = array<i32>} : memref<128x80xf32, #tpu.memory_space<vmem>>, vector<16xf32>,
        tpu.vector_store %arg14[%swap3A_161, %swap3A_162], %mul3A_160 {strides = array<i32>} : memref<128x80xf32, #tpu.memory_space<vmem>>, vector<16xf32>,
        %get3A_164 = arith.index_cast %scan3A_146 : i32 to index
        %get3A_165 = arith.constant 32 : index
        %get3A_166 = tpu.vector_load %arg13[%get3A_164, %get3A_165] {strides = array<i32>} : memref<128x64xf32, #tpu.memory_space<vmem>>, vector<16xf32>,
        %mul3A_167 = arith.mulf %get3A_166, %gather3A_150 : vector<16xf32>
        %swap3A_168 = arith.index_cast %scan3A_146 : i32 to index
        %swap3A_169 = arith.constant 32 : index
        %swap3A_170 = tpu.vector_load %arg14[%swap3A_168, %swap3A_169] {strides = array<i32>} : memref<128x80xf32, #tpu.memory_space<vmem>>, vector<16xf32>,
        tpu.vector_store %arg14[%swap3A_168, %swap3A_169], %mul3A_167 {strides = array<i32>} : memref<128x80xf32, #tpu.memory_space<vmem>>, vector<16xf32>,
        %get3A_171 = arith.index_cast %scan3A_146 : i32 to index
        %get3A_172 = arith.constant 48 : index
        %get3A_173 = tpu.vector_load %arg13[%get3A_171, %get3A_172] {strides = array<i32>} : memref<128x64xf32, #tpu.memory_space<vmem>>, vector<16xf32>,
        %mul3A_174 = arith.mulf %get3A_173, %gather3A_150 : vector<16xf32>
        %swap3A_175 = arith.index_cast %scan3A_146 : i32 to index
        %swap3A_176 = arith.constant 48 : index
        %swap3A_177 = tpu.vector_load %arg14[%swap3A_175, %swap3A_176] {strides = array<i32>} : memref<128x80xf32, #tpu.memory_space<vmem>>, vector<16xf32>,
        tpu.vector_store %arg14[%swap3A_175, %swap3A_176], %mul3A_174 {strides = array<i32>} : memref<128x80xf32, #tpu.memory_space<vmem>>, vector<16xf32>,
        %mul3A_178 = arith.mulf %gather3A_150, %select_n3A : vector<16xf32>
        %swap3A_179 = arith.index_cast %scan3A_146 : i32 to index
        %swap3A_180 = arith.constant 64 : index
        %swap3A_181 = tpu.vector_load %arg14[%swap3A_179, %swap3A_180] {strides = array<i32>} : memref<128x80xf32, #tpu.memory_space<vmem>>, vector<16xf32>,
        tpu.vector_store %arg14[%swap3A_179, %swap3A_180], %mul3A_178 {strides = array<i32>} : memref<128x80xf32, #tpu.memory_space<vmem>>, vector<16xf32>,
        %scan3A_182 = arith.constant 0 : i32
        scf.yield %scan3A_182 : i32
      }
      %scan3A_138 = arith.constant 128 : i32
      %dma_start3A_139 = arith.constant 0 : i32
      %dma_start3A_140 = tpu.memref_slice %arg9[%scan3A_112, %dma_start3A_139] : memref<80x128xi32, #tpu.memory_space<vmem>> -> memref<1x128xi32, #tpu.memory_space<vmem>>
      %dma_start3A_141 = tpu.memref_squeeze %dma_start3A_140 : memref<1x128xi32, #tpu.memory_space<vmem>> -> memref<128xi32, #tpu.memory_space<vmem>>
      %dma_start3A_142 = arith.constant 0 : i32
      %dma_start3A_143 = arith.constant 0 : i32
      %dma_start3A_144 = tpu.memref_slice %arg16[%dma_start3A_142, %dma_start3A_143] : memref<10240x80xf32, #tpu.memory_space<vmem_shared>> -> memref<10240x80xf32, #tpu.memory_space<vmem_shared>>
      tpu.enqueue_indirect_dma source(%arg14 : memref<128x80xf32, #tpu.memory_space<vmem>>) target(%dma_start3A_144 : memref<10240x80xf32, #tpu.memory_space<vmem_shared>>) offsets(%dma_start3A_141 : memref<128xi32, #tpu.memory_space<vmem>>) semaphore(%arg18 : memref<!tpu.dma_semaphore, #tpu.memory_space<semaphore_mem>>) {add = true}
      %scan3A_145 = arith.constant 0 : i32
      scf.yield %scan3A_145 : i32
    }
    %scan3A_102 = arith.constant 80 : i32
    %dma_wait3A = arith.constant 0 : i32
    %dma_wait3A_103 = arith.constant 0 : i32
    %dma_wait3A_104 = arith.constant 0 : i32
    %dma_wait3A_105 = tpu.memref_slice %arg7[%dma_wait3A, %dma_wait3A_103, %dma_wait3A_104] : memref<2x10240x80xf32, #tpu.memory_space<hbm>> -> memref<1x128x80xf32, #tpu.memory_space<hbm>>
    %dma_wait3A_106 = tpu.memref_squeeze %dma_wait3A_105 : memref<1x128x80xf32, #tpu.memory_space<hbm>> -> memref<128x80xf32, #tpu.memory_space<hbm>>
    %dma_wait3A_107 = arith.constant 0 : i32
    %dma_wait3A_108 = arith.constant 0 : i32
    %dma_wait3A_109 = tpu.memref_slice %arg7[%dma_wait3A, %dma_wait3A_107, %dma_wait3A_108] : memref<2x10240x80xf32, #tpu.memory_space<hbm>> -> memref<1x128x80xf32, #tpu.memory_space<hbm>>
    %dma_wait3A_110 = tpu.memref_squeeze %dma_wait3A_109 : memref<1x128x80xf32, #tpu.memory_space<hbm>> -> memref<128x80xf32, #tpu.memory_space<hbm>>
    tpu.wait_dma2 semaphore(%arg18 : memref<!tpu.dma_semaphore, #tpu.memory_space<semaphore_mem>>) src(%dma_wait3A_110 : memref<128x80xf32, #tpu.memory_space<hbm>>) dst(%arg14 : memref<128x80xf32, #tpu.memory_space<vmem>>)
    %barrier3A_111 = arith.constant 0 : index
    tpu.barrier barrier_id(%barrier3A_111)
    "tpu.region"() ({
      %run_scoped3A = tpu.sem_alloc : memref<!tpu.dma_semaphore, #tpu.memory_space<semaphore_mem>>
      %dma_start3A = arith.constant 0 : i32
      %dma_start3A_112 = tpu.memref_slice %arg7[%arg0, %mul3A_2, %dma_start3A] : memref<2x10240x80xf32, #tpu.memory_space<hbm>> -> memref<1x640x80xf32, #tpu.memory_space<hbm>>
      %dma_start3A_113 = tpu.memref_squeeze %dma_start3A_112 : memref<1x640x80xf32, #tpu.memory_space<hbm>> -> memref<640x80xf32, #tpu.memory_space<hbm>>
      %dma_start3A_114 = arith.constant 0 : i32
      %dma_start3A_115 = tpu.memref_slice %arg16[%mul3A_2, %dma_start3A_114] : memref<10240x80xf32, #tpu.memory_space<vmem_shared>> -> memref<640x80xf32, #tpu.memory_space<vmem_shared>>
      tpu.enqueue_dma source(%dma_start3A_115 : memref<640x80xf32, #tpu.memory_space<vmem_shared>>) target(%dma_start3A_113 : memref<640x80xf32, #tpu.memory_space<hbm>>) target_semaphore(%run_scoped3A : memref<!tpu.dma_semaphore, #tpu.memory_space<semaphore_mem>>)
      %dma_wait3A_116 = arith.constant 0 : i32
      %dma_wait3A_117 = tpu.memref_slice %arg7[%arg0, %mul3A_2, %dma_wait3A_116] : memref<2x10240x80xf32, #tpu.memory_space<hbm>> -> memref<1x640x80xf32, #tpu.memory_space<hbm>>
      %dma_wait3A_118 = tpu.memref_squeeze %dma_wait3A_117 : memref<1x640x80xf32, #tpu.memory_space<hbm>> -> memref<640x80xf32, #tpu.memory_space<hbm>>
      %dma_wait3A_119 = arith.constant 0 : i32
      %dma_wait3A_120 = tpu.memref_slice %arg16[%mul3A_2, %dma_wait3A_119] : memref<10240x80xf32, #tpu.memory_space<vmem_shared>> -> memref<640x80xf32, #tpu.memory_space<vmem_shared>>
      tpu.wait_dma2 semaphore(%run_scoped3A : memref<!tpu.dma_semaphore, #tpu.memory_space<semaphore_mem>>) src(%dma_wait3A_120 : memref<640x80xf32, #tpu.memory_space<vmem_shared>>) dst(%dma_wait3A_118 : memref<640x80xf32, #tpu.memory_space<hbm>>)
      tpu.yield
    }) : () -> ()
    return
  }
}

#map = affine_map<(d0, d1) -> (0)>
#map1 = affine_map<(d0, d1) -> (0, 0)>
#map2 = affine_map<(d0, d1) -> (0, 0, 0)>
module attributes {stable_mosaic.version = 14 : i64} {
  func.func @k(%arg0: i32, %arg1: i32, %arg2: memref<327680xi32, #tpu.memory_space<hbm>>, %arg3: memref<2560x128xi32, #tpu.memory_space<hbm>>, %arg4: memref<10240xf32, #tpu.memory_space<hbm>>, %arg5: memref<10240xf32, #tpu.memory_space<hbm>>, %arg6: memref<10240x64xf32, #tpu.memory_space<hbm>>, %arg7: memref<2x10240x80xf32, #tpu.memory_space<hbm>>, %arg8: memref<10240xi32, #tpu.memory_space<vmem>>, %arg9: memref<80x128xi32, #tpu.memory_space<vmem>>, %arg10: memref<10240xf32, #tpu.memory_space<vmem>>, %arg11: memref<10240xf32, #tpu.memory_space<vmem>>, %arg12: memref<128xf32, #tpu.memory_space<vmem>>, %arg13: memref<128x64xf32, #tpu.memory_space<vmem>>, %arg14: memref<128x80xf32, #tpu.memory_space<vmem>>, %arg15: memref<16xf32, #tpu.memory_space<vmem>>, %arg16: memref<10240x80xf32, #tpu.memory_space<vmem_shared>>, %arg17: memref<!tpu.dma_semaphore, #tpu.memory_space<semaphore_mem>>, %arg18: memref<!tpu.dma_semaphore, #tpu.memory_space<semaphore_mem>>) attributes {dimension_semantics = [#tpu.dimension_semantics<core_parallel>, #tpu.dimension_semantics<subcore_parallel>], iteration_bounds = array<i64: 2, 16>, scalar_prefetch = 0 : i64, scratch_operands = 11 : i64, tpu.core_type = #tpu.core_type<sc_vector_subcore>, window_params = [{transform_indices = #map}, {transform_indices = #map1}, {transform_indices = #map}, {transform_indices = #map}, {transform_indices = #map1}, {transform_indices = #map2}]} {
    %mul3A = arith.constant 16 : i32
    %mul3A_0 = arith.muli %arg0, %mul3A : i32
    %add3A = arith.addi %mul3A_0, %arg1 : i32
    %mul3A_1 = arith.constant 640 : i32
    %mul3A_2 = arith.muli %arg1, %mul3A_1 : i32
    %mul3A_3 = arith.constant 10240 : i32
    %mul3A_4 = arith.muli %add3A, %mul3A_3 : i32
    "tpu.region"() ({
      %run_scoped3A = tpu.sem_alloc : memref<!tpu.dma_semaphore, #tpu.memory_space<semaphore_mem>>
      %dma_start3A = tpu.memref_slice %arg2[%mul3A_4] : memref<327680xi32, #tpu.memory_space<hbm>> -> memref<10240xi32, #tpu.memory_space<hbm>>
      %dma_start3A_112 = tpu.memref_slice %arg2[%mul3A_4] : memref<327680xi32, #tpu.memory_space<hbm>> -> memref<10240xi32, #tpu.memory_space<hbm>>
      tpu.enqueue_dma source(%dma_start3A_112 : memref<10240xi32, #tpu.memory_space<hbm>>) target(%arg8 : memref<10240xi32, #tpu.memory_space<vmem>>) target_semaphore(%run_scoped3A : memref<!tpu.dma_semaphore, #tpu.memory_space<semaphore_mem>>)
      %dma_wait3A_113 = tpu.memref_slice %arg2[%mul3A_4] : memref<327680xi32, #tpu.memory_space<hbm>> -> memref<10240xi32, #tpu.memory_space<hbm>>
      %dma_wait3A_114 = tpu.memref_slice %arg2[%mul3A_4] : memref<327680xi32, #tpu.memory_space<hbm>> -> memref<10240xi32, #tpu.memory_space<hbm>>
      tpu.wait_dma2 semaphore(%run_scoped3A : memref<!tpu.dma_semaphore, #tpu.memory_space<semaphore_mem>>) src(%dma_wait3A_114 : memref<10240xi32, #tpu.memory_space<hbm>>) dst(%arg8 : memref<10240xi32, #tpu.memory_space<vmem>>)
      tpu.yield
    }) : () -> ()
    %mul3A_5 = arith.constant 80 : i32
    %mul3A_6 = arith.muli %add3A, %mul3A_5 : i32
    "tpu.region"() ({
      %run_scoped3A = tpu.sem_alloc : memref<!tpu.dma_semaphore, #tpu.memory_space<semaphore_mem>>
      %dma_start3A = arith.constant 0 : i32
      %dma_start3A_112 = tpu.memref_slice %arg3[%mul3A_6, %dma_start3A] : memref<2560x128xi32, #tpu.memory_space<hbm>> -> memref<80x128xi32, #tpu.memory_space<hbm>>
      %dma_start3A_113 = arith.constant 0 : i32
      %dma_start3A_114 = tpu.memref_slice %arg3[%mul3A_6, %dma_start3A_113] : memref<2560x128xi32, #tpu.memory_space<hbm>> -> memref<80x128xi32, #tpu.memory_space<hbm>>
      tpu.enqueue_dma source(%dma_start3A_114 : memref<80x128xi32, #tpu.memory_space<hbm>>) target(%arg9 : memref<80x128xi32, #tpu.memory_space<vmem>>) target_semaphore(%run_scoped3A : memref<!tpu.dma_semaphore, #tpu.memory_space<semaphore_mem>>)
      %dma_wait3A_115 = arith.constant 0 : i32
      %dma_wait3A_116 = tpu.memref_slice %arg3[%mul3A_6, %dma_wait3A_115] : memref<2560x128xi32, #tpu.memory_space<hbm>> -> memref<80x128xi32, #tpu.memory_space<hbm>>
      %dma_wait3A_117 = arith.constant 0 : i32
      %dma_wait3A_118 = tpu.memref_slice %arg3[%mul3A_6, %dma_wait3A_117] : memref<2560x128xi32, #tpu.memory_space<hbm>> -> memref<80x128xi32, #tpu.memory_space<hbm>>
      tpu.wait_dma2 semaphore(%run_scoped3A : memref<!tpu.dma_semaphore, #tpu.memory_space<semaphore_mem>>) src(%dma_wait3A_118 : memref<80x128xi32, #tpu.memory_space<hbm>>) dst(%arg9 : memref<80x128xi32, #tpu.memory_space<vmem>>)
      tpu.yield
    }) : () -> ()
    "tpu.region"() ({
      %run_scoped3A = tpu.sem_alloc : memref<!tpu.dma_semaphore, #tpu.memory_space<semaphore_mem>>
      tpu.enqueue_dma source(%arg4 : memref<10240xf32, #tpu.memory_space<hbm>>) target(%arg10 : memref<10240xf32, #tpu.memory_space<vmem>>) target_semaphore(%run_scoped3A : memref<!tpu.dma_semaphore, #tpu.memory_space<semaphore_mem>>)
      tpu.wait_dma2 semaphore(%run_scoped3A : memref<!tpu.dma_semaphore, #tpu.memory_space<semaphore_mem>>) src(%arg4 : memref<10240xf32, #tpu.memory_space<hbm>>) dst(%arg10 : memref<10240xf32, #tpu.memory_space<vmem>>)
      tpu.yield
    }) : () -> ()
    "tpu.region"() ({
      %run_scoped3A = tpu.sem_alloc : memref<!tpu.dma_semaphore, #tpu.memory_space<semaphore_mem>>
      tpu.enqueue_dma source(%arg5 : memref<10240xf32, #tpu.memory_space<hbm>>) target(%arg11 : memref<10240xf32, #tpu.memory_space<vmem>>) target_semaphore(%run_scoped3A : memref<!tpu.dma_semaphore, #tpu.memory_space<semaphore_mem>>)
      tpu.wait_dma2 semaphore(%run_scoped3A : memref<!tpu.dma_semaphore, #tpu.memory_space<semaphore_mem>>) src(%arg5 : memref<10240xf32, #tpu.memory_space<hbm>>) dst(%arg11 : memref<10240xf32, #tpu.memory_space<vmem>>)
      tpu.yield
    }) : () -> ()
    %broadcast_in_dim3A = arith.constant 0.000000e+00 : f32
    %broadcast_in_dim3A_7 = vector.broadcast %broadcast_in_dim3A : f32 to vector<16xf32>
    %scan3A = arith.constant 0 : i32
    %scan3A_8 = arith.constant 0 : i32
    %scan3A_9 = arith.constant 128 : i32
    %scan3A_10 = arith.addi %scan3A_8, %scan3A_9 : i32
    %scan3A_11 = arith.constant 1 : i32
    %scan3A_12 = scf.for %scan3A_112 = %scan3A_8 to %scan3A_10 step %scan3A_11 iter_args(%scan3A_113 = %scan3A) -> (i32)  : i32 {
      %swap3A_114 = arith.index_cast %scan3A_112 : i32 to index
      %swap3A_115 = arith.constant 0 : index
      %swap3A_116 = tpu.vector_load %arg14[%swap3A_114, %swap3A_115] {strides = array<i32>} : memref<128x80xf32, #tpu.memory_space<vmem>>, vector<16xf32>,
      tpu.vector_store %arg14[%swap3A_114, %swap3A_115], %broadcast_in_dim3A_7 {strides = array<i32>} : memref<128x80xf32, #tpu.memory_space<vmem>>, vector<16xf32>,
      %swap3A_117 = arith.index_cast %scan3A_112 : i32 to index
      %swap3A_118 = arith.constant 16 : index
      %swap3A_119 = tpu.vector_load %arg14[%swap3A_117, %swap3A_118] {strides = array<i32>} : memref<128x80xf32, #tpu.memory_space<vmem>>, vector<16xf32>,
      tpu.vector_store %arg14[%swap3A_117, %swap3A_118], %broadcast_in_dim3A_7 {strides = array<i32>} : memref<128x80xf32, #tpu.memory_space<vmem>>, vector<16xf32>,
      %swap3A_120 = arith.index_cast %scan3A_112 : i32 to index
      %swap3A_121 = arith.constant 32 : index
      %swap3A_122 = tpu.vector_load %arg14[%swap3A_120, %swap3A_121] {strides = array<i32>} : memref<128x80xf32, #tpu.memory_space<vmem>>, vector<16xf32>,
      tpu.vector_store %arg14[%swap3A_120, %swap3A_121], %broadcast_in_dim3A_7 {strides = array<i32>} : memref<128x80xf32, #tpu.memory_space<vmem>>, vector<16xf32>,
      %swap3A_123 = arith.index_cast %scan3A_112 : i32 to index
      %swap3A_124 = arith.constant 48 : index
      %swap3A_125 = tpu.vector_load %arg14[%swap3A_123, %swap3A_124] {strides = array<i32>} : memref<128x80xf32, #tpu.memory_space<vmem>>, vector<16xf32>,
      tpu.vector_store %arg14[%swap3A_123, %swap3A_124], %broadcast_in_dim3A_7 {strides = array<i32>} : memref<128x80xf32, #tpu.memory_space<vmem>>, vector<16xf32>,
      %swap3A_126 = arith.index_cast %scan3A_112 : i32 to index
      %swap3A_127 = arith.constant 64 : index
      %swap3A_128 = tpu.vector_load %arg14[%swap3A_126, %swap3A_127] {strides = array<i32>} : memref<128x80xf32, #tpu.memory_space<vmem>>, vector<16xf32>,
      tpu.vector_store %arg14[%swap3A_126, %swap3A_127], %broadcast_in_dim3A_7 {strides = array<i32>} : memref<128x80xf32, #tpu.memory_space<vmem>>, vector<16xf32>,
      %scan3A_129 = arith.constant 0 : i32
      scf.yield %scan3A_129 : i32
    }
    %scan3A_13 = arith.constant 128 : i32
    %add3A_14 = arith.constant 0 : i32
    %add3A_15 = arith.addi %mul3A_2, %add3A_14 : i32
    "tpu.region"() ({
      %run_scoped3A = tpu.sem_alloc : memref<!tpu.dma_semaphore, #tpu.memory_space<semaphore_mem>>
      %dma_start3A = arith.constant 0 : i32
      %dma_start3A_112 = tpu.memref_slice %arg16[%add3A_15, %dma_start3A] : memref<10240x80xf32, #tpu.memory_space<vmem_shared>> -> memref<128x80xf32, #tpu.memory_space<vmem_shared>>
      %dma_start3A_113 = arith.constant 0 : i32
      %dma_start3A_114 = tpu.memref_slice %arg16[%add3A_15, %dma_start3A_113] : memref<10240x80xf32, #tpu.memory_space<vmem_shared>> -> memref<128x80xf32, #tpu.memory_space<vmem_shared>>
      tpu.enqueue_dma source(%arg14 : memref<128x80xf32, #tpu.memory_space<vmem>>) target(%dma_start3A_114 : memref<128x80xf32, #tpu.memory_space<vmem_shared>>) target_semaphore(%run_scoped3A : memref<!tpu.dma_semaphore, #tpu.memory_space<semaphore_mem>>)
      %dma_wait3A_115 = arith.constant 0 : i32
      %dma_wait3A_116 = tpu.memref_slice %arg16[%add3A_15, %dma_wait3A_115] : memref<10240x80xf32, #tpu.memory_space<vmem_shared>> -> memref<128x80xf32, #tpu.memory_space<vmem_shared>>
      %dma_wait3A_117 = arith.constant 0 : i32
      %dma_wait3A_118 = tpu.memref_slice %arg16[%add3A_15, %dma_wait3A_117] : memref<10240x80xf32, #tpu.memory_space<vmem_shared>> -> memref<128x80xf32, #tpu.memory_space<vmem_shared>>
      tpu.wait_dma2 semaphore(%run_scoped3A : memref<!tpu.dma_semaphore, #tpu.memory_space<semaphore_mem>>) src(%arg14 : memref<128x80xf32, #tpu.memory_space<vmem>>) dst(%dma_wait3A_118 : memref<128x80xf32, #tpu.memory_space<vmem_shared>>)
      tpu.yield
    }) : () -> ()
    %add3A_16 = arith.constant 128 : i32
    %add3A_17 = arith.addi %mul3A_2, %add3A_16 : i32
    "tpu.region"() ({
      %run_scoped3A = tpu.sem_alloc : memref<!tpu.dma_semaphore, #tpu.memory_space<semaphore_mem>>
      %dma_start3A = arith.constant 0 : i32
      %dma_start3A_112 = tpu.memref_slice %arg16[%add3A_17, %dma_start3A] : memref<10240x80xf32, #tpu.memory_space<vmem_shared>> -> memref<128x80xf32, #tpu.memory_space<vmem_shared>>
      %dma_start3A_113 = arith.constant 0 : i32
      %dma_start3A_114 = tpu.memref_slice %arg16[%add3A_17, %dma_start3A_113] : memref<10240x80xf32, #tpu.memory_space<vmem_shared>> -> memref<128x80xf32, #tpu.memory_space<vmem_shared>>
      tpu.enqueue_dma source(%arg14 : memref<128x80xf32, #tpu.memory_space<vmem>>) target(%dma_start3A_114 : memref<128x80xf32, #tpu.memory_space<vmem_shared>>) target_semaphore(%run_scoped3A : memref<!tpu.dma_semaphore, #tpu.memory_space<semaphore_mem>>)
      %dma_wait3A_115 = arith.constant 0 : i32
      %dma_wait3A_116 = tpu.memref_slice %arg16[%add3A_17, %dma_wait3A_115] : memref<10240x80xf32, #tpu.memory_space<vmem_shared>> -> memref<128x80xf32, #tpu.memory_space<vmem_shared>>
      %dma_wait3A_117 = arith.constant 0 : i32
      %dma_wait3A_118 = tpu.memref_slice %arg16[%add3A_17, %dma_wait3A_117] : memref<10240x80xf32, #tpu.memory_space<vmem_shared>> -> memref<128x80xf32, #tpu.memory_space<vmem_shared>>
      tpu.wait_dma2 semaphore(%run_scoped3A : memref<!tpu.dma_semaphore, #tpu.memory_space<semaphore_mem>>) src(%arg14 : memref<128x80xf32, #tpu.memory_space<vmem>>) dst(%dma_wait3A_118 : memref<128x80xf32, #tpu.memory_space<vmem_shared>>)
      tpu.yield
    }) : () -> ()
    %add3A_18 = arith.constant 256 : i32
    %add3A_19 = arith.addi %mul3A_2, %add3A_18 : i32
    "tpu.region"() ({
      %run_scoped3A = tpu.sem_alloc : memref<!tpu.dma_semaphore, #tpu.memory_space<semaphore_mem>>
      %dma_start3A = arith.constant 0 : i32
      %dma_start3A_112 = tpu.memref_slice %arg16[%add3A_19, %dma_start3A] : memref<10240x80xf32, #tpu.memory_space<vmem_shared>> -> memref<128x80xf32, #tpu.memory_space<vmem_shared>>
      %dma_start3A_113 = arith.constant 0 : i32
      %dma_start3A_114 = tpu.memref_slice %arg16[%add3A_19, %dma_start3A_113] : memref<10240x80xf32, #tpu.memory_space<vmem_shared>> -> memref<128x80xf32, #tpu.memory_space<vmem_shared>>
      tpu.enqueue_dma source(%arg14 : memref<128x80xf32, #tpu.memory_space<vmem>>) target(%dma_start3A_114 : memref<128x80xf32, #tpu.memory_space<vmem_shared>>) target_semaphore(%run_scoped3A : memref<!tpu.dma_semaphore, #tpu.memory_space<semaphore_mem>>)
      %dma_wait3A_115 = arith.constant 0 : i32
      %dma_wait3A_116 = tpu.memref_slice %arg16[%add3A_19, %dma_wait3A_115] : memref<10240x80xf32, #tpu.memory_space<vmem_shared>> -> memref<128x80xf32, #tpu.memory_space<vmem_shared>>
      %dma_wait3A_117 = arith.constant 0 : i32
      %dma_wait3A_118 = tpu.memref_slice %arg16[%add3A_19, %dma_wait3A_117] : memref<10240x80xf32, #tpu.memory_space<vmem_shared>> -> memref<128x80xf32, #tpu.memory_space<vmem_shared>>
      tpu.wait_dma2 semaphore(%run_scoped3A : memref<!tpu.dma_semaphore, #tpu.memory_space<semaphore_mem>>) src(%arg14 : memref<128x80xf32, #tpu.memory_space<vmem>>) dst(%dma_wait3A_118 : memref<128x80xf32, #tpu.memory_space<vmem_shared>>)
      tpu.yield
    }) : () -> ()
    %add3A_20 = arith.constant 384 : i32
    %add3A_21 = arith.addi %mul3A_2, %add3A_20 : i32
    "tpu.region"() ({
      %run_scoped3A = tpu.sem_alloc : memref<!tpu.dma_semaphore, #tpu.memory_space<semaphore_mem>>
      %dma_start3A = arith.constant 0 : i32
      %dma_start3A_112 = tpu.memref_slice %arg16[%add3A_21, %dma_start3A] : memref<10240x80xf32, #tpu.memory_space<vmem_shared>> -> memref<128x80xf32, #tpu.memory_space<vmem_shared>>
      %dma_start3A_113 = arith.constant 0 : i32
      %dma_start3A_114 = tpu.memref_slice %arg16[%add3A_21, %dma_start3A_113] : memref<10240x80xf32, #tpu.memory_space<vmem_shared>> -> memref<128x80xf32, #tpu.memory_space<vmem_shared>>
      tpu.enqueue_dma source(%arg14 : memref<128x80xf32, #tpu.memory_space<vmem>>) target(%dma_start3A_114 : memref<128x80xf32, #tpu.memory_space<vmem_shared>>) target_semaphore(%run_scoped3A : memref<!tpu.dma_semaphore, #tpu.memory_space<semaphore_mem>>)
      %dma_wait3A_115 = arith.constant 0 : i32
      %dma_wait3A_116 = tpu.memref_slice %arg16[%add3A_21, %dma_wait3A_115] : memref<10240x80xf32, #tpu.memory_space<vmem_shared>> -> memref<128x80xf32, #tpu.memory_space<vmem_shared>>
      %dma_wait3A_117 = arith.constant 0 : i32
      %dma_wait3A_118 = tpu.memref_slice %arg16[%add3A_21, %dma_wait3A_117] : memref<10240x80xf32, #tpu.memory_space<vmem_shared>> -> memref<128x80xf32, #tpu.memory_space<vmem_shared>>
      tpu.wait_dma2 semaphore(%run_scoped3A : memref<!tpu.dma_semaphore, #tpu.memory_space<semaphore_mem>>) src(%arg14 : memref<128x80xf32, #tpu.memory_space<vmem>>) dst(%dma_wait3A_118 : memref<128x80xf32, #tpu.memory_space<vmem_shared>>)
      tpu.yield
    }) : () -> ()
    %add3A_22 = arith.constant 512 : i32
    %add3A_23 = arith.addi %mul3A_2, %add3A_22 : i32
    "tpu.region"() ({
      %run_scoped3A = tpu.sem_alloc : memref<!tpu.dma_semaphore, #tpu.memory_space<semaphore_mem>>
      %dma_start3A = arith.constant 0 : i32
      %dma_start3A_112 = tpu.memref_slice %arg16[%add3A_23, %dma_start3A] : memref<10240x80xf32, #tpu.memory_space<vmem_shared>> -> memref<128x80xf32, #tpu.memory_space<vmem_shared>>
      %dma_start3A_113 = arith.constant 0 : i32
      %dma_start3A_114 = tpu.memref_slice %arg16[%add3A_23, %dma_start3A_113] : memref<10240x80xf32, #tpu.memory_space<vmem_shared>> -> memref<128x80xf32, #tpu.memory_space<vmem_shared>>
      tpu.enqueue_dma source(%arg14 : memref<128x80xf32, #tpu.memory_space<vmem>>) target(%dma_start3A_114 : memref<128x80xf32, #tpu.memory_space<vmem_shared>>) target_semaphore(%run_scoped3A : memref<!tpu.dma_semaphore, #tpu.memory_space<semaphore_mem>>)
      %dma_wait3A_115 = arith.constant 0 : i32
      %dma_wait3A_116 = tpu.memref_slice %arg16[%add3A_23, %dma_wait3A_115] : memref<10240x80xf32, #tpu.memory_space<vmem_shared>> -> memref<128x80xf32, #tpu.memory_space<vmem_shared>>
      %dma_wait3A_117 = arith.constant 0 : i32
      %dma_wait3A_118 = tpu.memref_slice %arg16[%add3A_23, %dma_wait3A_117] : memref<10240x80xf32, #tpu.memory_space<vmem_shared>> -> memref<128x80xf32, #tpu.memory_space<vmem_shared>>
      tpu.wait_dma2 semaphore(%run_scoped3A : memref<!tpu.dma_semaphore, #tpu.memory_space<semaphore_mem>>) src(%arg14 : memref<128x80xf32, #tpu.memory_space<vmem>>) dst(%dma_wait3A_118 : memref<128x80xf32, #tpu.memory_space<vmem_shared>>)
      tpu.yield
    }) : () -> ()
    %broadcast_in_dim3A_24 = arith.constant -3.000000e+38 : f32
    %broadcast_in_dim3A_25 = vector.broadcast %broadcast_in_dim3A_24 : f32 to vector<16xf32>
    %scan3A_26 = arith.constant 0 : i32
    %scan3A_27 = arith.constant 640 : i32
    %scan3A_28 = arith.addi %scan3A_26, %scan3A_27 : i32
    %scan3A_29 = arith.constant 1 : i32
    %scan3A_30:2 = scf.for %scan3A_112 = %scan3A_26 to %scan3A_28 step %scan3A_29 iter_args(%scan3A_113 = %broadcast_in_dim3A_25, %scan3A_114 = %broadcast_in_dim3A_25) -> (vector<16xf32>, vector<16xf32>)  : i32 {
      %mul3A_115 = arith.constant 16 : i32
      %mul3A_116 = arith.muli %scan3A_112, %mul3A_115 : i32
      %get3A = arith.index_cast %mul3A_116 : i32 to index
      %get3A_117 = tpu.vector_load %arg10[%get3A] {strides = array<i32>} : memref<10240xf32, #tpu.memory_space<vmem>>, vector<16xf32>,
      %max3A_118 = arith.maximumf %scan3A_113, %get3A_117 : vector<16xf32>
      %get3A_119 = arith.index_cast %mul3A_116 : i32 to index
      %get3A_120 = tpu.vector_load %arg11[%get3A_119] {strides = array<i32>} : memref<10240xf32, #tpu.memory_space<vmem>>, vector<16xf32>,
      %max3A_121 = arith.maximumf %scan3A_114, %get3A_120 : vector<16xf32>
      scf.yield %max3A_118, %max3A_121 : vector<16xf32>, vector<16xf32>
    }
    %scan3A_31 = arith.constant 640 : i32
    %iota3A = tpu.iota {dimensions = array<i32: 0>} : vector<16xi32>
    %swap3A = arith.constant 0 : index
    %swap3A_32 = tpu.vector_load %arg15[%swap3A] {strides = array<i32>} : memref<16xf32, #tpu.memory_space<vmem>>, vector<16xf32>,
    tpu.vector_store %arg15[%swap3A], %scan3A_30#0 {strides = array<i32>} : memref<16xf32, #tpu.memory_space<vmem>>, vector<16xf32>,
    %broadcast_in_dim3A_33 = arith.constant 8 : i32
    %broadcast_in_dim3A_34 = vector.broadcast %broadcast_in_dim3A_33 : i32 to vector<16xi32>
    %xor3A = arith.xori %iota3A, %broadcast_in_dim3A_34 : vector<16xi32>
    %gather3A = tpu.vector_load_idx %arg15[%xor3A] : memref<16xf32, #tpu.memory_space<vmem>>[vector<16xi32>], vector<16xf32>,
    %max3A = arith.maximumf %scan3A_30#0, %gather3A : vector<16xf32>
    %swap3A_35 = arith.constant 0 : index
    %swap3A_36 = tpu.vector_load %arg15[%swap3A_35] {strides = array<i32>} : memref<16xf32, #tpu.memory_space<vmem>>, vector<16xf32>,
    tpu.vector_store %arg15[%swap3A_35], %max3A {strides = array<i32>} : memref<16xf32, #tpu.memory_space<vmem>>, vector<16xf32>,
    %broadcast_in_dim3A_37 = arith.constant 4 : i32
    %broadcast_in_dim3A_38 = vector.broadcast %broadcast_in_dim3A_37 : i32 to vector<16xi32>
    %xor3A_39 = arith.xori %iota3A, %broadcast_in_dim3A_38 : vector<16xi32>
    %gather3A_40 = tpu.vector_load_idx %arg15[%xor3A_39] : memref<16xf32, #tpu.memory_space<vmem>>[vector<16xi32>], vector<16xf32>,
    %max3A_41 = arith.maximumf %max3A, %gather3A_40 : vector<16xf32>
    %swap3A_42 = arith.constant 0 : index
    %swap3A_43 = tpu.vector_load %arg15[%swap3A_42] {strides = array<i32>} : memref<16xf32, #tpu.memory_space<vmem>>, vector<16xf32>,
    tpu.vector_store %arg15[%swap3A_42], %max3A_41 {strides = array<i32>} : memref<16xf32, #tpu.memory_space<vmem>>, vector<16xf32>,
    %broadcast_in_dim3A_44 = arith.constant 2 : i32
    %broadcast_in_dim3A_45 = vector.broadcast %broadcast_in_dim3A_44 : i32 to vector<16xi32>
    %xor3A_46 = arith.xori %iota3A, %broadcast_in_dim3A_45 : vector<16xi32>
    %gather3A_47 = tpu.vector_load_idx %arg15[%xor3A_46] : memref<16xf32, #tpu.memory_space<vmem>>[vector<16xi32>], vector<16xf32>,
    %max3A_48 = arith.maximumf %max3A_41, %gather3A_47 : vector<16xf32>
    %swap3A_49 = arith.constant 0 : index
    %swap3A_50 = tpu.vector_load %arg15[%swap3A_49] {strides = array<i32>} : memref<16xf32, #tpu.memory_space<vmem>>, vector<16xf32>,
    tpu.vector_store %arg15[%swap3A_49], %max3A_48 {strides = array<i32>} : memref<16xf32, #tpu.memory_space<vmem>>, vector<16xf32>,
    %broadcast_in_dim3A_51 = arith.constant 1 : i32
    %broadcast_in_dim3A_52 = vector.broadcast %broadcast_in_dim3A_51 : i32 to vector<16xi32>
    %xor3A_53 = arith.xori %iota3A, %broadcast_in_dim3A_52 : vector<16xi32>
    %gather3A_54 = tpu.vector_load_idx %arg15[%xor3A_53] : memref<16xf32, #tpu.memory_space<vmem>>[vector<16xi32>], vector<16xf32>,
    %max3A_55 = arith.maximumf %max3A_48, %gather3A_54 : vector<16xf32>
    %swap3A_56 = arith.constant 0 : index
    %swap3A_57 = tpu.vector_load %arg15[%swap3A_56] {strides = array<i32>} : memref<16xf32, #tpu.memory_space<vmem>>, vector<16xf32>,
    tpu.vector_store %arg15[%swap3A_56], %scan3A_30#1 {strides = array<i32>} : memref<16xf32, #tpu.memory_space<vmem>>, vector<16xf32>,
    %broadcast_in_dim3A_58 = arith.constant 8 : i32
    %broadcast_in_dim3A_59 = vector.broadcast %broadcast_in_dim3A_58 : i32 to vector<16xi32>
    %xor3A_60 = arith.xori %iota3A, %broadcast_in_dim3A_59 : vector<16xi32>
    %gather3A_61 = tpu.vector_load_idx %arg15[%xor3A_60] : memref<16xf32, #tpu.memory_space<vmem>>[vector<16xi32>], vector<16xf32>,
    %max3A_62 = arith.maximumf %scan3A_30#1, %gather3A_61 : vector<16xf32>
    %swap3A_63 = arith.constant 0 : index
    %swap3A_64 = tpu.vector_load %arg15[%swap3A_63] {strides = array<i32>} : memref<16xf32, #tpu.memory_space<vmem>>, vector<16xf32>,
    tpu.vector_store %arg15[%swap3A_63], %max3A_62 {strides = array<i32>} : memref<16xf32, #tpu.memory_space<vmem>>, vector<16xf32>,
    %broadcast_in_dim3A_65 = arith.constant 4 : i32
    %broadcast_in_dim3A_66 = vector.broadcast %broadcast_in_dim3A_65 : i32 to vector<16xi32>
    %xor3A_67 = arith.xori %iota3A, %broadcast_in_dim3A_66 : vector<16xi32>
    %gather3A_68 = tpu.vector_load_idx %arg15[%xor3A_67] : memref<16xf32, #tpu.memory_space<vmem>>[vector<16xi32>], vector<16xf32>,
    %max3A_69 = arith.maximumf %max3A_62, %gather3A_68 : vector<16xf32>
    %swap3A_70 = arith.constant 0 : index
    %swap3A_71 = tpu.vector_load %arg15[%swap3A_70] {strides = array<i32>} : memref<16xf32, #tpu.memory_space<vmem>>, vector<16xf32>,
    tpu.vector_store %arg15[%swap3A_70], %max3A_69 {strides = array<i32>} : memref<16xf32, #tpu.memory_space<vmem>>, vector<16xf32>,
    %broadcast_in_dim3A_72 = arith.constant 2 : i32
    %broadcast_in_dim3A_73 = vector.broadcast %broadcast_in_dim3A_72 : i32 to vector<16xi32>
    %xor3A_74 = arith.xori %iota3A, %broadcast_in_dim3A_73 : vector<16xi32>
    %gather3A_75 = tpu.vector_load_idx %arg15[%xor3A_74] : memref<16xf32, #tpu.memory_space<vmem>>[vector<16xi32>], vector<16xf32>,
    %max3A_76 = arith.maximumf %max3A_69, %gather3A_75 : vector<16xf32>
    %swap3A_77 = arith.constant 0 : index
    %swap3A_78 = tpu.vector_load %arg15[%swap3A_77] {strides = array<i32>} : memref<16xf32, #tpu.memory_space<vmem>>, vector<16xf32>,
    tpu.vector_store %arg15[%swap3A_77], %max3A_76 {strides = array<i32>} : memref<16xf32, #tpu.memory_space<vmem>>, vector<16xf32>,
    %broadcast_in_dim3A_79 = arith.constant 1 : i32
    %broadcast_in_dim3A_80 = vector.broadcast %broadcast_in_dim3A_79 : i32 to vector<16xi32>
    %xor3A_81 = arith.xori %iota3A, %broadcast_in_dim3A_80 : vector<16xi32>
    %gather3A_82 = tpu.vector_load_idx %arg15[%xor3A_81] : memref<16xf32, #tpu.memory_space<vmem>>[vector<16xi32>], vector<16xf32>,
    %max3A_83 = arith.maximumf %max3A_76, %gather3A_82 : vector<16xf32>
    %add3A_84 = arith.addf %max3A_55, %max3A_83 : vector<16xf32>
    %max3A_85 = arith.constant 0.000000e+00 : f32
    %max3A_86 = vector.broadcast %max3A_85 : f32 to vector<16xf32>
    %max3A_87 = arith.maximumf %add3A_84, %max3A_86 : vector<16xf32>
    %eq3A = arith.constant 0 : i32
    %eq3A_88 = vector.broadcast %eq3A : i32 to vector<16xi32>
    %eq3A_89 = arith.cmpi eq, %iota3A, %eq3A_88 : vector<16xi32>
    %jit3A = arith.constant 1.000000e+00 : f32
    %jit3A_90 = arith.constant 0.000000e+00 : f32
    %broadcast_in_dim3A_91 = vector.broadcast %jit3A : f32 to vector<16xf32>
    %broadcast_in_dim3A_92 = vector.broadcast %jit3A_90 : f32 to vector<16xf32>
    %select_n3A = arith.select %eq3A_89, %broadcast_in_dim3A_91, %broadcast_in_dim3A_92 : vector<16xi1>, vector<16xf32>
    %broadcast_in_dim3A_93 = arith.constant 0 : i32
    %broadcast_in_dim3A_94 = vector.broadcast %broadcast_in_dim3A_93 : i32 to vector<16xi32>
    %barrier3A = arith.constant 0 : index
    tpu.barrier barrier_id(%barrier3A)
    %scan3A_95 = arith.constant 0 : i32
    %scan3A_96 = arith.constant 0 : i32
    %scan3A_97 = arith.constant 0 : i32
    %scan3A_98 = arith.constant 80 : i32
    %scan3A_99 = arith.addi %scan3A_97, %scan3A_98 : i32
    %scan3A_100 = arith.constant 1 : i32
    %scan3A_101 = scf.for %scan3A_112 = %scan3A_97 to %scan3A_99 step %scan3A_100 iter_args(%scan3A_113 = %scan3A_96) -> (i32)  : i32 {
      %mul3A_114 = arith.constant 128 : i32
      %mul3A_115 = arith.muli %scan3A_112, %mul3A_114 : i32
      %dma_start3A = tpu.memref_slice %arg8[%mul3A_115] : memref<10240xi32, #tpu.memory_space<vmem>> -> memref<128xi32, #tpu.memory_space<vmem>>
      %dma_start3A_116 = arith.constant 0 : i32
      %dma_start3A_117 = arith.constant 0 : i32
      %dma_start3A_118 = tpu.memref_slice %arg6[%dma_start3A_116, %dma_start3A_117] : memref<10240x64xf32, #tpu.memory_space<hbm>> -> memref<10240x64xf32, #tpu.memory_space<hbm>>
      tpu.enqueue_indirect_dma source(%dma_start3A_118 : memref<10240x64xf32, #tpu.memory_space<hbm>>) target(%arg13 : memref<128x64xf32, #tpu.memory_space<vmem>>) offsets(%dma_start3A : memref<128xi32, #tpu.memory_space<vmem>>) semaphore(%arg17 : memref<!tpu.dma_semaphore, #tpu.memory_space<semaphore_mem>>)
      %scan3A_119 = arith.constant 0 : i32
      %scan3A_120 = arith.constant 0 : i32
      %scan3A_121 = arith.constant 8 : i32
      %scan3A_122 = arith.addi %scan3A_120, %scan3A_121 : i32
      %scan3A_123 = arith.constant 1 : i32
      %scan3A_124 = scf.for %scan3A_146 = %scan3A_120 to %scan3A_122 step %scan3A_123 iter_args(%scan3A_147 = %scan3A_119) -> (i32)  : i32 {
        %mul3A_148 = arith.constant 16 : i32
        %mul3A_149 = arith.muli %scan3A_146, %mul3A_148 : i32
        %add3A_150 = arith.addi %mul3A_115, %mul3A_149 : i32
        %mul3A_151 = arith.constant 16 : i32
        %mul3A_152 = arith.muli %scan3A_146, %mul3A_151 : i32
        %get3A = arith.index_cast %add3A_150 : i32 to index
        %get3A_153 = tpu.vector_load %arg8[%get3A] {strides = array<i32>} : memref<10240xi32, #tpu.memory_space<vmem>>, vector<16xi32>,
        %get3A_154 = arith.index_cast %scan3A_112 : i32 to index
        %get3A_155 = arith.index_cast %mul3A_152 : i32 to index
        %get3A_156 = tpu.vector_load %arg9[%get3A_154, %get3A_155] {strides = array<i32>} : memref<80x128xi32, #tpu.memory_space<vmem>>, vector<16xi32>,
        %gather3A_157 = tpu.vector_load_idx %arg10[%get3A_153] : memref<10240xf32, #tpu.memory_space<vmem>>[vector<16xi32>], vector<16xf32>,
        %gather3A_158 = tpu.vector_load_idx %arg11[%get3A_156] : memref<10240xf32, #tpu.memory_space<vmem>>[vector<16xi32>], vector<16xf32>,
        %add3A_159 = arith.addf %gather3A_157, %gather3A_158 : vector<16xf32>
        %gt3A_160 = arith.constant 0.000000e+00 : f32
        %gt3A_161 = vector.broadcast %gt3A_160 : f32 to vector<16xf32>
        %gt3A_162 = arith.cmpf ogt, %add3A_159, %gt3A_161 : vector<16xf32>
        %mul3A_163 = arith.constant 2.000000e-01 : f32
        %mul3A_164 = vector.broadcast %mul3A_163 : f32 to vector<16xf32>
        %mul3A_165 = arith.mulf %mul3A_164, %add3A_159 : vector<16xf32>
        %select_n3A_166 = arith.select %gt3A_162, %add3A_159, %mul3A_165 : vector<16xi1>, vector<16xf32>
        %sub3A = arith.subf %select_n3A_166, %max3A_87 : vector<16xf32>
        %exp3A = math.exp %sub3A : vector<16xf32>
        %swap3A_167 = arith.index_cast %mul3A_152 : i32 to index
        %swap3A_168 = tpu.vector_load %arg12[%swap3A_167] {strides = array<i32>} : memref<128xf32, #tpu.memory_space<vmem>>, vector<16xf32>,
        tpu.vector_store %arg12[%swap3A_167], %exp3A {strides = array<i32>} : memref<128xf32, #tpu.memory_space<vmem>>, vector<16xf32>,
        %scan3A_169 = arith.constant 0 : i32
        scf.yield %scan3A_169 : i32
      }
      %scan3A_125 = arith.constant 8 : i32
      %dma_wait3A_126 = tpu.memref_slice %arg8[%mul3A_115] : memref<10240xi32, #tpu.memory_space<vmem>> -> memref<128xi32, #tpu.memory_space<vmem>>
      %dma_wait3A_127 = arith.constant 0 : i32
      %dma_wait3A_128 = arith.constant 0 : i32
      %dma_wait3A_129 = tpu.memref_slice %arg6[%dma_wait3A_127, %dma_wait3A_128] : memref<10240x64xf32, #tpu.memory_space<hbm>> -> memref<10240x64xf32, #tpu.memory_space<hbm>>
      tpu.wait_indirect_dma semaphore(%arg17 : memref<!tpu.dma_semaphore, #tpu.memory_space<semaphore_mem>>) src(%dma_wait3A_129 : memref<10240x64xf32, #tpu.memory_space<hbm>>) dst(%arg13 : memref<128x64xf32, #tpu.memory_space<vmem>>)
      %gt3A = arith.constant 0 : i32
      %gt3A_130 = arith.cmpi sgt, %scan3A_112, %gt3A : i32
      %convert_element_type3A = arith.extui %gt3A_130 : i1 to i32
      %cond3A = arith.constant 0 : i32
      %cond3A_131 = arith.cmpi ne, %convert_element_type3A, %cond3A : i32
      scf.if %cond3A_131 {
        %dma_wait3A_146 = arith.constant 0 : i32
        %dma_wait3A_147 = arith.constant 0 : i32
        %dma_wait3A_148 = tpu.memref_slice %arg7[%scan3A_95, %dma_wait3A_146, %dma_wait3A_147] : memref<2x10240x80xf32, #tpu.memory_space<hbm>> -> memref<1x128x80xf32, #tpu.memory_space<hbm>>
        %dma_wait3A_149 = tpu.memref_squeeze %dma_wait3A_148 : memref<1x128x80xf32, #tpu.memory_space<hbm>> -> memref<128x80xf32, #tpu.memory_space<hbm>>
        %dma_wait3A_150 = arith.constant 0 : i32
        %dma_wait3A_151 = arith.constant 0 : i32
        %dma_wait3A_152 = tpu.memref_slice %arg7[%scan3A_95, %dma_wait3A_150, %dma_wait3A_151] : memref<2x10240x80xf32, #tpu.memory_space<hbm>> -> memref<1x128x80xf32, #tpu.memory_space<hbm>>
        %dma_wait3A_153 = tpu.memref_squeeze %dma_wait3A_152 : memref<1x128x80xf32, #tpu.memory_space<hbm>> -> memref<128x80xf32, #tpu.memory_space<hbm>>
        tpu.wait_dma2 semaphore(%arg18 : memref<!tpu.dma_semaphore, #tpu.memory_space<semaphore_mem>>) src(%dma_wait3A_153 : memref<128x80xf32, #tpu.memory_space<hbm>>) dst(%arg14 : memref<128x80xf32, #tpu.memory_space<vmem>>)
      } else {
      }
      %scan3A_132 = arith.constant 0 : i32
      %scan3A_133 = arith.constant 0 : i32
      %scan3A_134 = arith.constant 128 : i32
      %scan3A_135 = arith.addi %scan3A_133, %scan3A_134 : i32
      %scan3A_136 = arith.constant 1 : i32
      %scan3A_137 = scf.for %scan3A_146 = %scan3A_133 to %scan3A_135 step %scan3A_136 iter_args(%scan3A_147 = %scan3A_132) -> (i32)  : i32 {
        %add3A_148 = vector.broadcast %scan3A_146 : i32 to vector<16xi32>
        %add3A_149 = arith.addi %broadcast_in_dim3A_94, %add3A_148 : vector<16xi32>
        %gather3A_150 = tpu.vector_load_idx %arg12[%add3A_149] : memref<128xf32, #tpu.memory_space<vmem>>[vector<16xi32>], vector<16xf32>,
        %get3A = arith.index_cast %scan3A_146 : i32 to index
        %get3A_151 = arith.constant 0 : index
        %get3A_152 = tpu.vector_load %arg13[%get3A, %get3A_151] {strides = array<i32>} : memref<128x64xf32, #tpu.memory_space<vmem>>, vector<16xf32>,
        %mul3A_153 = arith.mulf %get3A_152, %gather3A_150 : vector<16xf32>
        %swap3A_154 = arith.index_cast %scan3A_146 : i32 to index
        %swap3A_155 = arith.constant 0 : index
        %swap3A_156 = tpu.vector_load %arg14[%swap3A_154, %swap3A_155] {strides = array<i32>} : memref<128x80xf32, #tpu.memory_space<vmem>>, vector<16xf32>,
        tpu.vector_store %arg14[%swap3A_154, %swap3A_155], %mul3A_153 {strides = array<i32>} : memref<128x80xf32, #tpu.memory_space<vmem>>, vector<16xf32>,
        %get3A_157 = arith.index_cast %scan3A_146 : i32 to index
        %get3A_158 = arith.constant 16 : index
        %get3A_159 = tpu.vector_load %arg13[%get3A_157, %get3A_158] {strides = array<i32>} : memref<128x64xf32, #tpu.memory_space<vmem>>, vector<16xf32>,
        %mul3A_160 = arith.mulf %get3A_159, %gather3A_150 : vector<16xf32>
        %swap3A_161 = arith.index_cast %scan3A_146 : i32 to index
        %swap3A_162 = arith.constant 16 : index
        %swap3A_163 = tpu.vector_load %arg14[%swap3A_161, %swap3A_162] {strides = array<i32>} : memref<128x80xf32, #tpu.memory_space<vmem>>, vector<16xf32>,
        tpu.vector_store %arg14[%swap3A_161, %swap3A_162], %mul3A_160 {strides = array<i32>} : memref<128x80xf32, #tpu.memory_space<vmem>>, vector<16xf32>,
        %get3A_164 = arith.index_cast %scan3A_146 : i32 to index
        %get3A_165 = arith.constant 32 : index
        %get3A_166 = tpu.vector_load %arg13[%get3A_164, %get3A_165] {strides = array<i32>} : memref<128x64xf32, #tpu.memory_space<vmem>>, vector<16xf32>,
        %mul3A_167 = arith.mulf %get3A_166, %gather3A_150 : vector<16xf32>
        %swap3A_168 = arith.index_cast %scan3A_146 : i32 to index
        %swap3A_169 = arith.constant 32 : index
        %swap3A_170 = tpu.vector_load %arg14[%swap3A_168, %swap3A_169] {strides = array<i32>} : memref<128x80xf32, #tpu.memory_space<vmem>>, vector<16xf32>,
        tpu.vector_store %arg14[%swap3A_168, %swap3A_169], %mul3A_167 {strides = array<i32>} : memref<128x80xf32, #tpu.memory_space<vmem>>, vector<16xf32>,
        %get3A_171 = arith.index_cast %scan3A_146 : i32 to index
        %get3A_172 = arith.constant 48 : index
        %get3A_173 = tpu.vector_load %arg13[%get3A_171, %get3A_172] {strides = array<i32>} : memref<128x64xf32, #tpu.memory_space<vmem>>, vector<16xf32>,
        %mul3A_174 = arith.mulf %get3A_173, %gather3A_150 : vector<16xf32>
        %swap3A_175 = arith.index_cast %scan3A_146 : i32 to index
        %swap3A_176 = arith.constant 48 : index
        %swap3A_177 = tpu.vector_load %arg14[%swap3A_175, %swap3A_176] {strides = array<i32>} : memref<128x80xf32, #tpu.memory_space<vmem>>, vector<16xf32>,
        tpu.vector_store %arg14[%swap3A_175, %swap3A_176], %mul3A_174 {strides = array<i32>} : memref<128x80xf32, #tpu.memory_space<vmem>>, vector<16xf32>,
        %mul3A_178 = arith.mulf %gather3A_150, %select_n3A : vector<16xf32>
        %swap3A_179 = arith.index_cast %scan3A_146 : i32 to index
        %swap3A_180 = arith.constant 64 : index
        %swap3A_181 = tpu.vector_load %arg14[%swap3A_179, %swap3A_180] {strides = array<i32>} : memref<128x80xf32, #tpu.memory_space<vmem>>, vector<16xf32>,
        tpu.vector_store %arg14[%swap3A_179, %swap3A_180], %mul3A_178 {strides = array<i32>} : memref<128x80xf32, #tpu.memory_space<vmem>>, vector<16xf32>,
        %scan3A_182 = arith.constant 0 : i32
        scf.yield %scan3A_182 : i32
      }
      %scan3A_138 = arith.constant 128 : i32
      %dma_start3A_139 = arith.constant 0 : i32
      %dma_start3A_140 = tpu.memref_slice %arg9[%scan3A_112, %dma_start3A_139] : memref<80x128xi32, #tpu.memory_space<vmem>> -> memref<1x128xi32, #tpu.memory_space<vmem>>
      %dma_start3A_141 = tpu.memref_squeeze %dma_start3A_140 : memref<1x128xi32, #tpu.memory_space<vmem>> -> memref<128xi32, #tpu.memory_space<vmem>>
      %dma_start3A_142 = arith.constant 0 : i32
      %dma_start3A_143 = arith.constant 0 : i32
      %dma_start3A_144 = tpu.memref_slice %arg16[%dma_start3A_142, %dma_start3A_143] : memref<10240x80xf32, #tpu.memory_space<vmem_shared>> -> memref<10240x80xf32, #tpu.memory_space<vmem_shared>>
      tpu.enqueue_indirect_dma source(%arg14 : memref<128x80xf32, #tpu.memory_space<vmem>>) target(%dma_start3A_144 : memref<10240x80xf32, #tpu.memory_space<vmem_shared>>) offsets(%dma_start3A_141 : memref<128xi32, #tpu.memory_space<vmem>>) semaphore(%arg18 : memref<!tpu.dma_semaphore, #tpu.memory_space<semaphore_mem>>) {add = true}
      %scan3A_145 = arith.constant 0 : i32
      scf.yield %scan3A_145 : i32
    }
    %scan3A_102 = arith.constant 80 : i32
    %dma_wait3A = arith.constant 0 : i32
    %dma_wait3A_103 = arith.constant 0 : i32
    %dma_wait3A_104 = arith.constant 0 : i32
    %dma_wait3A_105 = tpu.memref_slice %arg7[%dma_wait3A, %dma_wait3A_103, %dma_wait3A_104] : memref<2x10240x80xf32, #tpu.memory_space<hbm>> -> memref<1x128x80xf32, #tpu.memory_space<hbm>>
    %dma_wait3A_106 = tpu.memref_squeeze %dma_wait3A_105 : memref<1x128x80xf32, #tpu.memory_space<hbm>> -> memref<128x80xf32, #tpu.memory_space<hbm>>
    %dma_wait3A_107 = arith.constant 0 : i32
    %dma_wait3A_108 = arith.constant 0 : i32
    %dma_wait3A_109 = tpu.memref_slice %arg7[%dma_wait3A, %dma_wait3A_107, %dma_wait3A_108] : memref<2x10240x80xf32, #tpu.memory_space<hbm>> -> memref<1x128x80xf32, #tpu.memory_space<hbm>>
    %dma_wait3A_110 = tpu.memref_squeeze %dma_wait3A_109 : memref<1x128x80xf32, #tpu.memory_space<hbm>> -> memref<128x80xf32, #tpu.memory_space<hbm>>
    tpu.wait_dma2 semaphore(%arg18 : memref<!tpu.dma_semaphore, #tpu.memory_space<semaphore_mem>>) src(%dma_wait3A_110 : memref<128x80xf32, #tpu.memory_space<hbm>>) dst(%arg14 : memref<128x80xf32, #tpu.memory_space<vmem>>)
    %barrier3A_111 = arith.constant 0 : index
    tpu.barrier barrier_id(%barrier3A_111)
    "tpu.region"() ({
      %run_scoped3A = tpu.sem_alloc : memref<!tpu.dma_semaphore, #tpu.memory_space<semaphore_mem>>
      %dma_start3A = arith.constant 0 : i32
      %dma_start3A_112 = tpu.memref_slice %arg7[%arg0, %mul3A_2, %dma_start3A] : memref<2x10240x80xf32, #tpu.memory_space<hbm>> -> memref<1x640x80xf32, #tpu.memory_space<hbm>>
      %dma_start3A_113 = tpu.memref_squeeze %dma_start3A_112 : memref<1x640x80xf32, #tpu.memory_space<hbm>> -> memref<640x80xf32, #tpu.memory_space<hbm>>
      %dma_start3A_114 = arith.constant 0 : i32
      %dma_start3A_115 = tpu.memref_slice %arg16[%mul3A_2, %dma_start3A_114] : memref<10240x80xf32, #tpu.memory_space<vmem_shared>> -> memref<640x80xf32, #tpu.memory_space<vmem_shared>>
      tpu.enqueue_dma source(%dma_start3A_115 : memref<640x80xf32, #tpu.memory_space<vmem_shared>>) target(%dma_start3A_113 : memref<640x80xf32, #tpu.memory_space<hbm>>) target_semaphore(%run_scoped3A : memref<!tpu.dma_semaphore, #tpu.memory_space<semaphore_mem>>)
      %dma_wait3A_116 = arith.constant 0 : i32
      %dma_wait3A_117 = tpu.memref_slice %arg7[%arg0, %mul3A_2, %dma_wait3A_116] : memref<2x10240x80xf32, #tpu.memory_space<hbm>> -> memref<1x640x80xf32, #tpu.memory_space<hbm>>
      %dma_wait3A_118 = tpu.memref_squeeze %dma_wait3A_117 : memref<1x640x80xf32, #tpu.memory_space<hbm>> -> memref<640x80xf32, #tpu.memory_space<hbm>>
      %dma_wait3A_119 = arith.constant 0 : i32
      %dma_wait3A_120 = tpu.memref_slice %arg16[%mul3A_2, %dma_wait3A_119] : memref<10240x80xf32, #tpu.memory_space<vmem_shared>> -> memref<640x80xf32, #tpu.memory_space<vmem_shared>>
      tpu.wait_dma2 semaphore(%run_scoped3A : memref<!tpu.dma_semaphore, #tpu.memory_space<semaphore_mem>>) src(%dma_wait3A_120 : memref<640x80xf32, #tpu.memory_space<vmem_shared>>) dst(%dma_wait3A_118 : memref<640x80xf32, #tpu.memory_space<hbm>>)
      tpu.yield
    }) : () -> ()
    return
  }
}

#map = affine_map<(d0, d1) -> (0)>
#map1 = affine_map<(d0, d1) -> (0, 0)>
#map2 = affine_map<(d0, d1) -> (0, 0, 0)>
module attributes {stable_mosaic.version = 14 : i64} {
  func.func @k(%arg0: i32, %arg1: i32, %arg2: memref<327680xi32, #tpu.memory_space<hbm>>, %arg3: memref<2560x128xi32, #tpu.memory_space<hbm>>, %arg4: memref<10240xf32, #tpu.memory_space<hbm>>, %arg5: memref<10240xf32, #tpu.memory_space<hbm>>, %arg6: memref<10240x64xf32, #tpu.memory_space<hbm>>, %arg7: memref<2x10240x80xf32, #tpu.memory_space<hbm>>, %arg8: memref<10240xi32, #tpu.memory_space<vmem>>, %arg9: memref<80x128xi32, #tpu.memory_space<vmem>>, %arg10: memref<10240xf32, #tpu.memory_space<vmem>>, %arg11: memref<10240xf32, #tpu.memory_space<vmem>>, %arg12: memref<128xf32, #tpu.memory_space<vmem>>, %arg13: memref<128x64xf32, #tpu.memory_space<vmem>>, %arg14: memref<128x80xf32, #tpu.memory_space<vmem>>, %arg15: memref<16xf32, #tpu.memory_space<vmem>>, %arg16: memref<10240x80xf32, #tpu.memory_space<vmem_shared>>, %arg17: memref<!tpu.dma_semaphore, #tpu.memory_space<semaphore_mem>>, %arg18: memref<!tpu.dma_semaphore, #tpu.memory_space<semaphore_mem>>) attributes {dimension_semantics = [#tpu.dimension_semantics<core_parallel>, #tpu.dimension_semantics<subcore_parallel>], iteration_bounds = array<i64: 2, 16>, scalar_prefetch = 0 : i64, scratch_operands = 11 : i64, tpu.core_type = #tpu.core_type<sc_vector_subcore>, window_params = [{transform_indices = #map}, {transform_indices = #map1}, {transform_indices = #map}, {transform_indices = #map}, {transform_indices = #map1}, {transform_indices = #map2}]} {
    %mul3A = arith.constant 16 : i32
    %mul3A_0 = arith.muli %arg0, %mul3A : i32
    %add3A = arith.addi %mul3A_0, %arg1 : i32
    %mul3A_1 = arith.constant 640 : i32
    %mul3A_2 = arith.muli %arg1, %mul3A_1 : i32
    %mul3A_3 = arith.constant 10240 : i32
    %mul3A_4 = arith.muli %add3A, %mul3A_3 : i32
    "tpu.region"() ({
      %run_scoped3A = tpu.sem_alloc : memref<!tpu.dma_semaphore, #tpu.memory_space<semaphore_mem>>
      %dma_start3A = tpu.memref_slice %arg2[%mul3A_4] : memref<327680xi32, #tpu.memory_space<hbm>> -> memref<10240xi32, #tpu.memory_space<hbm>>
      %dma_start3A_112 = tpu.memref_slice %arg2[%mul3A_4] : memref<327680xi32, #tpu.memory_space<hbm>> -> memref<10240xi32, #tpu.memory_space<hbm>>
      tpu.enqueue_dma source(%dma_start3A_112 : memref<10240xi32, #tpu.memory_space<hbm>>) target(%arg8 : memref<10240xi32, #tpu.memory_space<vmem>>) target_semaphore(%run_scoped3A : memref<!tpu.dma_semaphore, #tpu.memory_space<semaphore_mem>>)
      %dma_wait3A_113 = tpu.memref_slice %arg2[%mul3A_4] : memref<327680xi32, #tpu.memory_space<hbm>> -> memref<10240xi32, #tpu.memory_space<hbm>>
      %dma_wait3A_114 = tpu.memref_slice %arg2[%mul3A_4] : memref<327680xi32, #tpu.memory_space<hbm>> -> memref<10240xi32, #tpu.memory_space<hbm>>
      tpu.wait_dma2 semaphore(%run_scoped3A : memref<!tpu.dma_semaphore, #tpu.memory_space<semaphore_mem>>) src(%dma_wait3A_114 : memref<10240xi32, #tpu.memory_space<hbm>>) dst(%arg8 : memref<10240xi32, #tpu.memory_space<vmem>>)
      tpu.yield
    }) : () -> ()
    %mul3A_5 = arith.constant 80 : i32
    %mul3A_6 = arith.muli %add3A, %mul3A_5 : i32
    "tpu.region"() ({
      %run_scoped3A = tpu.sem_alloc : memref<!tpu.dma_semaphore, #tpu.memory_space<semaphore_mem>>
      %dma_start3A = arith.constant 0 : i32
      %dma_start3A_112 = tpu.memref_slice %arg3[%mul3A_6, %dma_start3A] : memref<2560x128xi32, #tpu.memory_space<hbm>> -> memref<80x128xi32, #tpu.memory_space<hbm>>
      %dma_start3A_113 = arith.constant 0 : i32
      %dma_start3A_114 = tpu.memref_slice %arg3[%mul3A_6, %dma_start3A_113] : memref<2560x128xi32, #tpu.memory_space<hbm>> -> memref<80x128xi32, #tpu.memory_space<hbm>>
      tpu.enqueue_dma source(%dma_start3A_114 : memref<80x128xi32, #tpu.memory_space<hbm>>) target(%arg9 : memref<80x128xi32, #tpu.memory_space<vmem>>) target_semaphore(%run_scoped3A : memref<!tpu.dma_semaphore, #tpu.memory_space<semaphore_mem>>)
      %dma_wait3A_115 = arith.constant 0 : i32
      %dma_wait3A_116 = tpu.memref_slice %arg3[%mul3A_6, %dma_wait3A_115] : memref<2560x128xi32, #tpu.memory_space<hbm>> -> memref<80x128xi32, #tpu.memory_space<hbm>>
      %dma_wait3A_117 = arith.constant 0 : i32
      %dma_wait3A_118 = tpu.memref_slice %arg3[%mul3A_6, %dma_wait3A_117] : memref<2560x128xi32, #tpu.memory_space<hbm>> -> memref<80x128xi32, #tpu.memory_space<hbm>>
      tpu.wait_dma2 semaphore(%run_scoped3A : memref<!tpu.dma_semaphore, #tpu.memory_space<semaphore_mem>>) src(%dma_wait3A_118 : memref<80x128xi32, #tpu.memory_space<hbm>>) dst(%arg9 : memref<80x128xi32, #tpu.memory_space<vmem>>)
      tpu.yield
    }) : () -> ()
    "tpu.region"() ({
      %run_scoped3A = tpu.sem_alloc : memref<!tpu.dma_semaphore, #tpu.memory_space<semaphore_mem>>
      tpu.enqueue_dma source(%arg4 : memref<10240xf32, #tpu.memory_space<hbm>>) target(%arg10 : memref<10240xf32, #tpu.memory_space<vmem>>) target_semaphore(%run_scoped3A : memref<!tpu.dma_semaphore, #tpu.memory_space<semaphore_mem>>)
      tpu.wait_dma2 semaphore(%run_scoped3A : memref<!tpu.dma_semaphore, #tpu.memory_space<semaphore_mem>>) src(%arg4 : memref<10240xf32, #tpu.memory_space<hbm>>) dst(%arg10 : memref<10240xf32, #tpu.memory_space<vmem>>)
      tpu.yield
    }) : () -> ()
    "tpu.region"() ({
      %run_scoped3A = tpu.sem_alloc : memref<!tpu.dma_semaphore, #tpu.memory_space<semaphore_mem>>
      tpu.enqueue_dma source(%arg5 : memref<10240xf32, #tpu.memory_space<hbm>>) target(%arg11 : memref<10240xf32, #tpu.memory_space<vmem>>) target_semaphore(%run_scoped3A : memref<!tpu.dma_semaphore, #tpu.memory_space<semaphore_mem>>)
      tpu.wait_dma2 semaphore(%run_scoped3A : memref<!tpu.dma_semaphore, #tpu.memory_space<semaphore_mem>>) src(%arg5 : memref<10240xf32, #tpu.memory_space<hbm>>) dst(%arg11 : memref<10240xf32, #tpu.memory_space<vmem>>)
      tpu.yield
    }) : () -> ()
    %broadcast_in_dim3A = arith.constant 0.000000e+00 : f32
    %broadcast_in_dim3A_7 = vector.broadcast %broadcast_in_dim3A : f32 to vector<16xf32>
    %scan3A = arith.constant 0 : i32
    %scan3A_8 = arith.constant 0 : i32
    %scan3A_9 = arith.constant 128 : i32
    %scan3A_10 = arith.addi %scan3A_8, %scan3A_9 : i32
    %scan3A_11 = arith.constant 1 : i32
    %scan3A_12 = scf.for %scan3A_112 = %scan3A_8 to %scan3A_10 step %scan3A_11 iter_args(%scan3A_113 = %scan3A) -> (i32)  : i32 {
      %swap3A_114 = arith.index_cast %scan3A_112 : i32 to index
      %swap3A_115 = arith.constant 0 : index
      %swap3A_116 = tpu.vector_load %arg14[%swap3A_114, %swap3A_115] {strides = array<i32>} : memref<128x80xf32, #tpu.memory_space<vmem>>, vector<16xf32>,
      tpu.vector_store %arg14[%swap3A_114, %swap3A_115], %broadcast_in_dim3A_7 {strides = array<i32>} : memref<128x80xf32, #tpu.memory_space<vmem>>, vector<16xf32>,
      %swap3A_117 = arith.index_cast %scan3A_112 : i32 to index
      %swap3A_118 = arith.constant 16 : index
      %swap3A_119 = tpu.vector_load %arg14[%swap3A_117, %swap3A_118] {strides = array<i32>} : memref<128x80xf32, #tpu.memory_space<vmem>>, vector<16xf32>,
      tpu.vector_store %arg14[%swap3A_117, %swap3A_118], %broadcast_in_dim3A_7 {strides = array<i32>} : memref<128x80xf32, #tpu.memory_space<vmem>>, vector<16xf32>,
      %swap3A_120 = arith.index_cast %scan3A_112 : i32 to index
      %swap3A_121 = arith.constant 32 : index
      %swap3A_122 = tpu.vector_load %arg14[%swap3A_120, %swap3A_121] {strides = array<i32>} : memref<128x80xf32, #tpu.memory_space<vmem>>, vector<16xf32>,
      tpu.vector_store %arg14[%swap3A_120, %swap3A_121], %broadcast_in_dim3A_7 {strides = array<i32>} : memref<128x80xf32, #tpu.memory_space<vmem>>, vector<16xf32>,
      %swap3A_123 = arith.index_cast %scan3A_112 : i32 to index
      %swap3A_124 = arith.constant 48 : index
      %swap3A_125 = tpu.vector_load %arg14[%swap3A_123, %swap3A_124] {strides = array<i32>} : memref<128x80xf32, #tpu.memory_space<vmem>>, vector<16xf32>,
      tpu.vector_store %arg14[%swap3A_123, %swap3A_124], %broadcast_in_dim3A_7 {strides = array<i32>} : memref<128x80xf32, #tpu.memory_space<vmem>>, vector<16xf32>,
      %swap3A_126 = arith.index_cast %scan3A_112 : i32 to index
      %swap3A_127 = arith.constant 64 : index
      %swap3A_128 = tpu.vector_load %arg14[%swap3A_126, %swap3A_127] {strides = array<i32>} : memref<128x80xf32, #tpu.memory_space<vmem>>, vector<16xf32>,
      tpu.vector_store %arg14[%swap3A_126, %swap3A_127], %broadcast_in_dim3A_7 {strides = array<i32>} : memref<128x80xf32, #tpu.memory_space<vmem>>, vector<16xf32>,
      %scan3A_129 = arith.constant 0 : i32
      scf.yield %scan3A_129 : i32
    }
    %scan3A_13 = arith.constant 128 : i32
    %add3A_14 = arith.constant 0 : i32
    %add3A_15 = arith.addi %mul3A_2, %add3A_14 : i32
    "tpu.region"() ({
      %run_scoped3A = tpu.sem_alloc : memref<!tpu.dma_semaphore, #tpu.memory_space<semaphore_mem>>
      %dma_start3A = arith.constant 0 : i32
      %dma_start3A_112 = tpu.memref_slice %arg16[%add3A_15, %dma_start3A] : memref<10240x80xf32, #tpu.memory_space<vmem_shared>> -> memref<128x80xf32, #tpu.memory_space<vmem_shared>>
      %dma_start3A_113 = arith.constant 0 : i32
      %dma_start3A_114 = tpu.memref_slice %arg16[%add3A_15, %dma_start3A_113] : memref<10240x80xf32, #tpu.memory_space<vmem_shared>> -> memref<128x80xf32, #tpu.memory_space<vmem_shared>>
      tpu.enqueue_dma source(%arg14 : memref<128x80xf32, #tpu.memory_space<vmem>>) target(%dma_start3A_114 : memref<128x80xf32, #tpu.memory_space<vmem_shared>>) target_semaphore(%run_scoped3A : memref<!tpu.dma_semaphore, #tpu.memory_space<semaphore_mem>>)
      %dma_wait3A_115 = arith.constant 0 : i32
      %dma_wait3A_116 = tpu.memref_slice %arg16[%add3A_15, %dma_wait3A_115] : memref<10240x80xf32, #tpu.memory_space<vmem_shared>> -> memref<128x80xf32, #tpu.memory_space<vmem_shared>>
      %dma_wait3A_117 = arith.constant 0 : i32
      %dma_wait3A_118 = tpu.memref_slice %arg16[%add3A_15, %dma_wait3A_117] : memref<10240x80xf32, #tpu.memory_space<vmem_shared>> -> memref<128x80xf32, #tpu.memory_space<vmem_shared>>
      tpu.wait_dma2 semaphore(%run_scoped3A : memref<!tpu.dma_semaphore, #tpu.memory_space<semaphore_mem>>) src(%arg14 : memref<128x80xf32, #tpu.memory_space<vmem>>) dst(%dma_wait3A_118 : memref<128x80xf32, #tpu.memory_space<vmem_shared>>)
      tpu.yield
    }) : () -> ()
    %add3A_16 = arith.constant 128 : i32
    %add3A_17 = arith.addi %mul3A_2, %add3A_16 : i32
    "tpu.region"() ({
      %run_scoped3A = tpu.sem_alloc : memref<!tpu.dma_semaphore, #tpu.memory_space<semaphore_mem>>
      %dma_start3A = arith.constant 0 : i32
      %dma_start3A_112 = tpu.memref_slice %arg16[%add3A_17, %dma_start3A] : memref<10240x80xf32, #tpu.memory_space<vmem_shared>> -> memref<128x80xf32, #tpu.memory_space<vmem_shared>>
      %dma_start3A_113 = arith.constant 0 : i32
      %dma_start3A_114 = tpu.memref_slice %arg16[%add3A_17, %dma_start3A_113] : memref<10240x80xf32, #tpu.memory_space<vmem_shared>> -> memref<128x80xf32, #tpu.memory_space<vmem_shared>>
      tpu.enqueue_dma source(%arg14 : memref<128x80xf32, #tpu.memory_space<vmem>>) target(%dma_start3A_114 : memref<128x80xf32, #tpu.memory_space<vmem_shared>>) target_semaphore(%run_scoped3A : memref<!tpu.dma_semaphore, #tpu.memory_space<semaphore_mem>>)
      %dma_wait3A_115 = arith.constant 0 : i32
      %dma_wait3A_116 = tpu.memref_slice %arg16[%add3A_17, %dma_wait3A_115] : memref<10240x80xf32, #tpu.memory_space<vmem_shared>> -> memref<128x80xf32, #tpu.memory_space<vmem_shared>>
      %dma_wait3A_117 = arith.constant 0 : i32
      %dma_wait3A_118 = tpu.memref_slice %arg16[%add3A_17, %dma_wait3A_117] : memref<10240x80xf32, #tpu.memory_space<vmem_shared>> -> memref<128x80xf32, #tpu.memory_space<vmem_shared>>
      tpu.wait_dma2 semaphore(%run_scoped3A : memref<!tpu.dma_semaphore, #tpu.memory_space<semaphore_mem>>) src(%arg14 : memref<128x80xf32, #tpu.memory_space<vmem>>) dst(%dma_wait3A_118 : memref<128x80xf32, #tpu.memory_space<vmem_shared>>)
      tpu.yield
    }) : () -> ()
    %add3A_18 = arith.constant 256 : i32
    %add3A_19 = arith.addi %mul3A_2, %add3A_18 : i32
    "tpu.region"() ({
      %run_scoped3A = tpu.sem_alloc : memref<!tpu.dma_semaphore, #tpu.memory_space<semaphore_mem>>
      %dma_start3A = arith.constant 0 : i32
      %dma_start3A_112 = tpu.memref_slice %arg16[%add3A_19, %dma_start3A] : memref<10240x80xf32, #tpu.memory_space<vmem_shared>> -> memref<128x80xf32, #tpu.memory_space<vmem_shared>>
      %dma_start3A_113 = arith.constant 0 : i32
      %dma_start3A_114 = tpu.memref_slice %arg16[%add3A_19, %dma_start3A_113] : memref<10240x80xf32, #tpu.memory_space<vmem_shared>> -> memref<128x80xf32, #tpu.memory_space<vmem_shared>>
      tpu.enqueue_dma source(%arg14 : memref<128x80xf32, #tpu.memory_space<vmem>>) target(%dma_start3A_114 : memref<128x80xf32, #tpu.memory_space<vmem_shared>>) target_semaphore(%run_scoped3A : memref<!tpu.dma_semaphore, #tpu.memory_space<semaphore_mem>>)
      %dma_wait3A_115 = arith.constant 0 : i32
      %dma_wait3A_116 = tpu.memref_slice %arg16[%add3A_19, %dma_wait3A_115] : memref<10240x80xf32, #tpu.memory_space<vmem_shared>> -> memref<128x80xf32, #tpu.memory_space<vmem_shared>>
      %dma_wait3A_117 = arith.constant 0 : i32
      %dma_wait3A_118 = tpu.memref_slice %arg16[%add3A_19, %dma_wait3A_117] : memref<10240x80xf32, #tpu.memory_space<vmem_shared>> -> memref<128x80xf32, #tpu.memory_space<vmem_shared>>
      tpu.wait_dma2 semaphore(%run_scoped3A : memref<!tpu.dma_semaphore, #tpu.memory_space<semaphore_mem>>) src(%arg14 : memref<128x80xf32, #tpu.memory_space<vmem>>) dst(%dma_wait3A_118 : memref<128x80xf32, #tpu.memory_space<vmem_shared>>)
      tpu.yield
    }) : () -> ()
    %add3A_20 = arith.constant 384 : i32
    %add3A_21 = arith.addi %mul3A_2, %add3A_20 : i32
    "tpu.region"() ({
      %run_scoped3A = tpu.sem_alloc : memref<!tpu.dma_semaphore, #tpu.memory_space<semaphore_mem>>
      %dma_start3A = arith.constant 0 : i32
      %dma_start3A_112 = tpu.memref_slice %arg16[%add3A_21, %dma_start3A] : memref<10240x80xf32, #tpu.memory_space<vmem_shared>> -> memref<128x80xf32, #tpu.memory_space<vmem_shared>>
      %dma_start3A_113 = arith.constant 0 : i32
      %dma_start3A_114 = tpu.memref_slice %arg16[%add3A_21, %dma_start3A_113] : memref<10240x80xf32, #tpu.memory_space<vmem_shared>> -> memref<128x80xf32, #tpu.memory_space<vmem_shared>>
      tpu.enqueue_dma source(%arg14 : memref<128x80xf32, #tpu.memory_space<vmem>>) target(%dma_start3A_114 : memref<128x80xf32, #tpu.memory_space<vmem_shared>>) target_semaphore(%run_scoped3A : memref<!tpu.dma_semaphore, #tpu.memory_space<semaphore_mem>>)
      %dma_wait3A_115 = arith.constant 0 : i32
      %dma_wait3A_116 = tpu.memref_slice %arg16[%add3A_21, %dma_wait3A_115] : memref<10240x80xf32, #tpu.memory_space<vmem_shared>> -> memref<128x80xf32, #tpu.memory_space<vmem_shared>>
      %dma_wait3A_117 = arith.constant 0 : i32
      %dma_wait3A_118 = tpu.memref_slice %arg16[%add3A_21, %dma_wait3A_117] : memref<10240x80xf32, #tpu.memory_space<vmem_shared>> -> memref<128x80xf32, #tpu.memory_space<vmem_shared>>
      tpu.wait_dma2 semaphore(%run_scoped3A : memref<!tpu.dma_semaphore, #tpu.memory_space<semaphore_mem>>) src(%arg14 : memref<128x80xf32, #tpu.memory_space<vmem>>) dst(%dma_wait3A_118 : memref<128x80xf32, #tpu.memory_space<vmem_shared>>)
      tpu.yield
    }) : () -> ()
    %add3A_22 = arith.constant 512 : i32
    %add3A_23 = arith.addi %mul3A_2, %add3A_22 : i32
    "tpu.region"() ({
      %run_scoped3A = tpu.sem_alloc : memref<!tpu.dma_semaphore, #tpu.memory_space<semaphore_mem>>
      %dma_start3A = arith.constant 0 : i32
      %dma_start3A_112 = tpu.memref_slice %arg16[%add3A_23, %dma_start3A] : memref<10240x80xf32, #tpu.memory_space<vmem_shared>> -> memref<128x80xf32, #tpu.memory_space<vmem_shared>>
      %dma_start3A_113 = arith.constant 0 : i32
      %dma_start3A_114 = tpu.memref_slice %arg16[%add3A_23, %dma_start3A_113] : memref<10240x80xf32, #tpu.memory_space<vmem_shared>> -> memref<128x80xf32, #tpu.memory_space<vmem_shared>>
      tpu.enqueue_dma source(%arg14 : memref<128x80xf32, #tpu.memory_space<vmem>>) target(%dma_start3A_114 : memref<128x80xf32, #tpu.memory_space<vmem_shared>>) target_semaphore(%run_scoped3A : memref<!tpu.dma_semaphore, #tpu.memory_space<semaphore_mem>>)
      %dma_wait3A_115 = arith.constant 0 : i32
      %dma_wait3A_116 = tpu.memref_slice %arg16[%add3A_23, %dma_wait3A_115] : memref<10240x80xf32, #tpu.memory_space<vmem_shared>> -> memref<128x80xf32, #tpu.memory_space<vmem_shared>>
      %dma_wait3A_117 = arith.constant 0 : i32
      %dma_wait3A_118 = tpu.memref_slice %arg16[%add3A_23, %dma_wait3A_117] : memref<10240x80xf32, #tpu.memory_space<vmem_shared>> -> memref<128x80xf32, #tpu.memory_space<vmem_shared>>
      tpu.wait_dma2 semaphore(%run_scoped3A : memref<!tpu.dma_semaphore, #tpu.memory_space<semaphore_mem>>) src(%arg14 : memref<128x80xf32, #tpu.memory_space<vmem>>) dst(%dma_wait3A_118 : memref<128x80xf32, #tpu.memory_space<vmem_shared>>)
      tpu.yield
    }) : () -> ()
    %broadcast_in_dim3A_24 = arith.constant -3.000000e+38 : f32
    %broadcast_in_dim3A_25 = vector.broadcast %broadcast_in_dim3A_24 : f32 to vector<16xf32>
    %scan3A_26 = arith.constant 0 : i32
    %scan3A_27 = arith.constant 640 : i32
    %scan3A_28 = arith.addi %scan3A_26, %scan3A_27 : i32
    %scan3A_29 = arith.constant 1 : i32
    %scan3A_30:2 = scf.for %scan3A_112 = %scan3A_26 to %scan3A_28 step %scan3A_29 iter_args(%scan3A_113 = %broadcast_in_dim3A_25, %scan3A_114 = %broadcast_in_dim3A_25) -> (vector<16xf32>, vector<16xf32>)  : i32 {
      %mul3A_115 = arith.constant 16 : i32
      %mul3A_116 = arith.muli %scan3A_112, %mul3A_115 : i32
      %get3A = arith.index_cast %mul3A_116 : i32 to index
      %get3A_117 = tpu.vector_load %arg10[%get3A] {strides = array<i32>} : memref<10240xf32, #tpu.memory_space<vmem>>, vector<16xf32>,
      %max3A_118 = arith.maximumf %scan3A_113, %get3A_117 : vector<16xf32>
      %get3A_119 = arith.index_cast %mul3A_116 : i32 to index
      %get3A_120 = tpu.vector_load %arg11[%get3A_119] {strides = array<i32>} : memref<10240xf32, #tpu.memory_space<vmem>>, vector<16xf32>,
      %max3A_121 = arith.maximumf %scan3A_114, %get3A_120 : vector<16xf32>
      scf.yield %max3A_118, %max3A_121 : vector<16xf32>, vector<16xf32>
    }
    %scan3A_31 = arith.constant 640 : i32
    %iota3A = tpu.iota {dimensions = array<i32: 0>} : vector<16xi32>
    %swap3A = arith.constant 0 : index
    %swap3A_32 = tpu.vector_load %arg15[%swap3A] {strides = array<i32>} : memref<16xf32, #tpu.memory_space<vmem>>, vector<16xf32>,
    tpu.vector_store %arg15[%swap3A], %scan3A_30#0 {strides = array<i32>} : memref<16xf32, #tpu.memory_space<vmem>>, vector<16xf32>,
    %broadcast_in_dim3A_33 = arith.constant 8 : i32
    %broadcast_in_dim3A_34 = vector.broadcast %broadcast_in_dim3A_33 : i32 to vector<16xi32>
    %xor3A = arith.xori %iota3A, %broadcast_in_dim3A_34 : vector<16xi32>
    %gather3A = tpu.vector_load_idx %arg15[%xor3A] : memref<16xf32, #tpu.memory_space<vmem>>[vector<16xi32>], vector<16xf32>,
    %max3A = arith.maximumf %scan3A_30#0, %gather3A : vector<16xf32>
    %swap3A_35 = arith.constant 0 : index
    %swap3A_36 = tpu.vector_load %arg15[%swap3A_35] {strides = array<i32>} : memref<16xf32, #tpu.memory_space<vmem>>, vector<16xf32>,
    tpu.vector_store %arg15[%swap3A_35], %max3A {strides = array<i32>} : memref<16xf32, #tpu.memory_space<vmem>>, vector<16xf32>,
    %broadcast_in_dim3A_37 = arith.constant 4 : i32
    %broadcast_in_dim3A_38 = vector.broadcast %broadcast_in_dim3A_37 : i32 to vector<16xi32>
    %xor3A_39 = arith.xori %iota3A, %broadcast_in_dim3A_38 : vector<16xi32>
    %gather3A_40 = tpu.vector_load_idx %arg15[%xor3A_39] : memref<16xf32, #tpu.memory_space<vmem>>[vector<16xi32>], vector<16xf32>,
    %max3A_41 = arith.maximumf %max3A, %gather3A_40 : vector<16xf32>
    %swap3A_42 = arith.constant 0 : index
    %swap3A_43 = tpu.vector_load %arg15[%swap3A_42] {strides = array<i32>} : memref<16xf32, #tpu.memory_space<vmem>>, vector<16xf32>,
    tpu.vector_store %arg15[%swap3A_42], %max3A_41 {strides = array<i32>} : memref<16xf32, #tpu.memory_space<vmem>>, vector<16xf32>,
    %broadcast_in_dim3A_44 = arith.constant 2 : i32
    %broadcast_in_dim3A_45 = vector.broadcast %broadcast_in_dim3A_44 : i32 to vector<16xi32>
    %xor3A_46 = arith.xori %iota3A, %broadcast_in_dim3A_45 : vector<16xi32>
    %gather3A_47 = tpu.vector_load_idx %arg15[%xor3A_46] : memref<16xf32, #tpu.memory_space<vmem>>[vector<16xi32>], vector<16xf32>,
    %max3A_48 = arith.maximumf %max3A_41, %gather3A_47 : vector<16xf32>
    %swap3A_49 = arith.constant 0 : index
    %swap3A_50 = tpu.vector_load %arg15[%swap3A_49] {strides = array<i32>} : memref<16xf32, #tpu.memory_space<vmem>>, vector<16xf32>,
    tpu.vector_store %arg15[%swap3A_49], %max3A_48 {strides = array<i32>} : memref<16xf32, #tpu.memory_space<vmem>>, vector<16xf32>,
    %broadcast_in_dim3A_51 = arith.constant 1 : i32
    %broadcast_in_dim3A_52 = vector.broadcast %broadcast_in_dim3A_51 : i32 to vector<16xi32>
    %xor3A_53 = arith.xori %iota3A, %broadcast_in_dim3A_52 : vector<16xi32>
    %gather3A_54 = tpu.vector_load_idx %arg15[%xor3A_53] : memref<16xf32, #tpu.memory_space<vmem>>[vector<16xi32>], vector<16xf32>,
    %max3A_55 = arith.maximumf %max3A_48, %gather3A_54 : vector<16xf32>
    %swap3A_56 = arith.constant 0 : index
    %swap3A_57 = tpu.vector_load %arg15[%swap3A_56] {strides = array<i32>} : memref<16xf32, #tpu.memory_space<vmem>>, vector<16xf32>,
    tpu.vector_store %arg15[%swap3A_56], %scan3A_30#1 {strides = array<i32>} : memref<16xf32, #tpu.memory_space<vmem>>, vector<16xf32>,
    %broadcast_in_dim3A_58 = arith.constant 8 : i32
    %broadcast_in_dim3A_59 = vector.broadcast %broadcast_in_dim3A_58 : i32 to vector<16xi32>
    %xor3A_60 = arith.xori %iota3A, %broadcast_in_dim3A_59 : vector<16xi32>
    %gather3A_61 = tpu.vector_load_idx %arg15[%xor3A_60] : memref<16xf32, #tpu.memory_space<vmem>>[vector<16xi32>], vector<16xf32>,
    %max3A_62 = arith.maximumf %scan3A_30#1, %gather3A_61 : vector<16xf32>
    %swap3A_63 = arith.constant 0 : index
    %swap3A_64 = tpu.vector_load %arg15[%swap3A_63] {strides = array<i32>} : memref<16xf32, #tpu.memory_space<vmem>>, vector<16xf32>,
    tpu.vector_store %arg15[%swap3A_63], %max3A_62 {strides = array<i32>} : memref<16xf32, #tpu.memory_space<vmem>>, vector<16xf32>,
    %broadcast_in_dim3A_65 = arith.constant 4 : i32
    %broadcast_in_dim3A_66 = vector.broadcast %broadcast_in_dim3A_65 : i32 to vector<16xi32>
    %xor3A_67 = arith.xori %iota3A, %broadcast_in_dim3A_66 : vector<16xi32>
    %gather3A_68 = tpu.vector_load_idx %arg15[%xor3A_67] : memref<16xf32, #tpu.memory_space<vmem>>[vector<16xi32>], vector<16xf32>,
    %max3A_69 = arith.maximumf %max3A_62, %gather3A_68 : vector<16xf32>
    %swap3A_70 = arith.constant 0 : index
    %swap3A_71 = tpu.vector_load %arg15[%swap3A_70] {strides = array<i32>} : memref<16xf32, #tpu.memory_space<vmem>>, vector<16xf32>,
    tpu.vector_store %arg15[%swap3A_70], %max3A_69 {strides = array<i32>} : memref<16xf32, #tpu.memory_space<vmem>>, vector<16xf32>,
    %broadcast_in_dim3A_72 = arith.constant 2 : i32
    %broadcast_in_dim3A_73 = vector.broadcast %broadcast_in_dim3A_72 : i32 to vector<16xi32>
    %xor3A_74 = arith.xori %iota3A, %broadcast_in_dim3A_73 : vector<16xi32>
    %gather3A_75 = tpu.vector_load_idx %arg15[%xor3A_74] : memref<16xf32, #tpu.memory_space<vmem>>[vector<16xi32>], vector<16xf32>,
    %max3A_76 = arith.maximumf %max3A_69, %gather3A_75 : vector<16xf32>
    %swap3A_77 = arith.constant 0 : index
    %swap3A_78 = tpu.vector_load %arg15[%swap3A_77] {strides = array<i32>} : memref<16xf32, #tpu.memory_space<vmem>>, vector<16xf32>,
    tpu.vector_store %arg15[%swap3A_77], %max3A_76 {strides = array<i32>} : memref<16xf32, #tpu.memory_space<vmem>>, vector<16xf32>,
    %broadcast_in_dim3A_79 = arith.constant 1 : i32
    %broadcast_in_dim3A_80 = vector.broadcast %broadcast_in_dim3A_79 : i32 to vector<16xi32>
    %xor3A_81 = arith.xori %iota3A, %broadcast_in_dim3A_80 : vector<16xi32>
    %gather3A_82 = tpu.vector_load_idx %arg15[%xor3A_81] : memref<16xf32, #tpu.memory_space<vmem>>[vector<16xi32>], vector<16xf32>,
    %max3A_83 = arith.maximumf %max3A_76, %gather3A_82 : vector<16xf32>
    %add3A_84 = arith.addf %max3A_55, %max3A_83 : vector<16xf32>
    %max3A_85 = arith.constant 0.000000e+00 : f32
    %max3A_86 = vector.broadcast %max3A_85 : f32 to vector<16xf32>
    %max3A_87 = arith.maximumf %add3A_84, %max3A_86 : vector<16xf32>
    %eq3A = arith.constant 0 : i32
    %eq3A_88 = vector.broadcast %eq3A : i32 to vector<16xi32>
    %eq3A_89 = arith.cmpi eq, %iota3A, %eq3A_88 : vector<16xi32>
    %jit3A = arith.constant 1.000000e+00 : f32
    %jit3A_90 = arith.constant 0.000000e+00 : f32
    %broadcast_in_dim3A_91 = vector.broadcast %jit3A : f32 to vector<16xf32>
    %broadcast_in_dim3A_92 = vector.broadcast %jit3A_90 : f32 to vector<16xf32>
    %select_n3A = arith.select %eq3A_89, %broadcast_in_dim3A_91, %broadcast_in_dim3A_92 : vector<16xi1>, vector<16xf32>
    %broadcast_in_dim3A_93 = arith.constant 0 : i32
    %broadcast_in_dim3A_94 = vector.broadcast %broadcast_in_dim3A_93 : i32 to vector<16xi32>
    %barrier3A = arith.constant 0 : index
    tpu.barrier barrier_id(%barrier3A)
    %scan3A_95 = arith.constant 0 : i32
    %scan3A_96 = arith.constant 0 : i32
    %scan3A_97 = arith.constant 0 : i32
    %scan3A_98 = arith.constant 80 : i32
    %scan3A_99 = arith.addi %scan3A_97, %scan3A_98 : i32
    %scan3A_100 = arith.constant 1 : i32
    %scan3A_101 = scf.for %scan3A_112 = %scan3A_97 to %scan3A_99 step %scan3A_100 iter_args(%scan3A_113 = %scan3A_96) -> (i32)  : i32 {
      %mul3A_114 = arith.constant 128 : i32
      %mul3A_115 = arith.muli %scan3A_112, %mul3A_114 : i32
      %dma_start3A = tpu.memref_slice %arg8[%mul3A_115] : memref<10240xi32, #tpu.memory_space<vmem>> -> memref<128xi32, #tpu.memory_space<vmem>>
      %dma_start3A_116 = arith.constant 0 : i32
      %dma_start3A_117 = arith.constant 0 : i32
      %dma_start3A_118 = tpu.memref_slice %arg6[%dma_start3A_116, %dma_start3A_117] : memref<10240x64xf32, #tpu.memory_space<hbm>> -> memref<10240x64xf32, #tpu.memory_space<hbm>>
      tpu.enqueue_indirect_dma source(%dma_start3A_118 : memref<10240x64xf32, #tpu.memory_space<hbm>>) target(%arg13 : memref<128x64xf32, #tpu.memory_space<vmem>>) offsets(%dma_start3A : memref<128xi32, #tpu.memory_space<vmem>>) semaphore(%arg17 : memref<!tpu.dma_semaphore, #tpu.memory_space<semaphore_mem>>)
      %scan3A_119 = arith.constant 0 : i32
      %scan3A_120 = arith.constant 0 : i32
      %scan3A_121 = arith.constant 8 : i32
      %scan3A_122 = arith.addi %scan3A_120, %scan3A_121 : i32
      %scan3A_123 = arith.constant 1 : i32
      %scan3A_124 = scf.for %scan3A_146 = %scan3A_120 to %scan3A_122 step %scan3A_123 iter_args(%scan3A_147 = %scan3A_119) -> (i32)  : i32 {
        %mul3A_148 = arith.constant 16 : i32
        %mul3A_149 = arith.muli %scan3A_146, %mul3A_148 : i32
        %add3A_150 = arith.addi %mul3A_115, %mul3A_149 : i32
        %mul3A_151 = arith.constant 16 : i32
        %mul3A_152 = arith.muli %scan3A_146, %mul3A_151 : i32
        %get3A = arith.index_cast %add3A_150 : i32 to index
        %get3A_153 = tpu.vector_load %arg8[%get3A] {strides = array<i32>} : memref<10240xi32, #tpu.memory_space<vmem>>, vector<16xi32>,
        %get3A_154 = arith.index_cast %scan3A_112 : i32 to index
        %get3A_155 = arith.index_cast %mul3A_152 : i32 to index
        %get3A_156 = tpu.vector_load %arg9[%get3A_154, %get3A_155] {strides = array<i32>} : memref<80x128xi32, #tpu.memory_space<vmem>>, vector<16xi32>,
        %gather3A_157 = tpu.vector_load_idx %arg10[%get3A_153] : memref<10240xf32, #tpu.memory_space<vmem>>[vector<16xi32>], vector<16xf32>,
        %gather3A_158 = tpu.vector_load_idx %arg11[%get3A_156] : memref<10240xf32, #tpu.memory_space<vmem>>[vector<16xi32>], vector<16xf32>,
        %add3A_159 = arith.addf %gather3A_157, %gather3A_158 : vector<16xf32>
        %gt3A_160 = arith.constant 0.000000e+00 : f32
        %gt3A_161 = vector.broadcast %gt3A_160 : f32 to vector<16xf32>
        %gt3A_162 = arith.cmpf ogt, %add3A_159, %gt3A_161 : vector<16xf32>
        %mul3A_163 = arith.constant 2.000000e-01 : f32
        %mul3A_164 = vector.broadcast %mul3A_163 : f32 to vector<16xf32>
        %mul3A_165 = arith.mulf %mul3A_164, %add3A_159 : vector<16xf32>
        %select_n3A_166 = arith.select %gt3A_162, %add3A_159, %mul3A_165 : vector<16xi1>, vector<16xf32>
        %sub3A = arith.subf %select_n3A_166, %max3A_87 : vector<16xf32>
        %exp3A = math.exp %sub3A : vector<16xf32>
        %swap3A_167 = arith.index_cast %mul3A_152 : i32 to index
        %swap3A_168 = tpu.vector_load %arg12[%swap3A_167] {strides = array<i32>} : memref<128xf32, #tpu.memory_space<vmem>>, vector<16xf32>,
        tpu.vector_store %arg12[%swap3A_167], %exp3A {strides = array<i32>} : memref<128xf32, #tpu.memory_space<vmem>>, vector<16xf32>,
        %scan3A_169 = arith.constant 0 : i32
        scf.yield %scan3A_169 : i32
      }
      %scan3A_125 = arith.constant 8 : i32
      %dma_wait3A_126 = tpu.memref_slice %arg8[%mul3A_115] : memref<10240xi32, #tpu.memory_space<vmem>> -> memref<128xi32, #tpu.memory_space<vmem>>
      %dma_wait3A_127 = arith.constant 0 : i32
      %dma_wait3A_128 = arith.constant 0 : i32
      %dma_wait3A_129 = tpu.memref_slice %arg6[%dma_wait3A_127, %dma_wait3A_128] : memref<10240x64xf32, #tpu.memory_space<hbm>> -> memref<10240x64xf32, #tpu.memory_space<hbm>>
      tpu.wait_indirect_dma semaphore(%arg17 : memref<!tpu.dma_semaphore, #tpu.memory_space<semaphore_mem>>) src(%dma_wait3A_129 : memref<10240x64xf32, #tpu.memory_space<hbm>>) dst(%arg13 : memref<128x64xf32, #tpu.memory_space<vmem>>)
      %gt3A = arith.constant 0 : i32
      %gt3A_130 = arith.cmpi sgt, %scan3A_112, %gt3A : i32
      %convert_element_type3A = arith.extui %gt3A_130 : i1 to i32
      %cond3A = arith.constant 0 : i32
      %cond3A_131 = arith.cmpi ne, %convert_element_type3A, %cond3A : i32
      scf.if %cond3A_131 {
        %dma_wait3A_146 = arith.constant 0 : i32
        %dma_wait3A_147 = arith.constant 0 : i32
        %dma_wait3A_148 = tpu.memref_slice %arg7[%scan3A_95, %dma_wait3A_146, %dma_wait3A_147] : memref<2x10240x80xf32, #tpu.memory_space<hbm>> -> memref<1x128x80xf32, #tpu.memory_space<hbm>>
        %dma_wait3A_149 = tpu.memref_squeeze %dma_wait3A_148 : memref<1x128x80xf32, #tpu.memory_space<hbm>> -> memref<128x80xf32, #tpu.memory_space<hbm>>
        %dma_wait3A_150 = arith.constant 0 : i32
        %dma_wait3A_151 = arith.constant 0 : i32
        %dma_wait3A_152 = tpu.memref_slice %arg7[%scan3A_95, %dma_wait3A_150, %dma_wait3A_151] : memref<2x10240x80xf32, #tpu.memory_space<hbm>> -> memref<1x128x80xf32, #tpu.memory_space<hbm>>
        %dma_wait3A_153 = tpu.memref_squeeze %dma_wait3A_152 : memref<1x128x80xf32, #tpu.memory_space<hbm>> -> memref<128x80xf32, #tpu.memory_space<hbm>>
        tpu.wait_dma2 semaphore(%arg18 : memref<!tpu.dma_semaphore, #tpu.memory_space<semaphore_mem>>) src(%dma_wait3A_153 : memref<128x80xf32, #tpu.memory_space<hbm>>) dst(%arg14 : memref<128x80xf32, #tpu.memory_space<vmem>>)
      } else {
      }
      %scan3A_132 = arith.constant 0 : i32
      %scan3A_133 = arith.constant 0 : i32
      %scan3A_134 = arith.constant 128 : i32
      %scan3A_135 = arith.addi %scan3A_133, %scan3A_134 : i32
      %scan3A_136 = arith.constant 1 : i32
      %scan3A_137 = scf.for %scan3A_146 = %scan3A_133 to %scan3A_135 step %scan3A_136 iter_args(%scan3A_147 = %scan3A_132) -> (i32)  : i32 {
        %add3A_148 = vector.broadcast %scan3A_146 : i32 to vector<16xi32>
        %add3A_149 = arith.addi %broadcast_in_dim3A_94, %add3A_148 : vector<16xi32>
        %gather3A_150 = tpu.vector_load_idx %arg12[%add3A_149] : memref<128xf32, #tpu.memory_space<vmem>>[vector<16xi32>], vector<16xf32>,
        %get3A = arith.index_cast %scan3A_146 : i32 to index
        %get3A_151 = arith.constant 0 : index
        %get3A_152 = tpu.vector_load %arg13[%get3A, %get3A_151] {strides = array<i32>} : memref<128x64xf32, #tpu.memory_space<vmem>>, vector<16xf32>,
        %mul3A_153 = arith.mulf %get3A_152, %gather3A_150 : vector<16xf32>
        %swap3A_154 = arith.index_cast %scan3A_146 : i32 to index
        %swap3A_155 = arith.constant 0 : index
        %swap3A_156 = tpu.vector_load %arg14[%swap3A_154, %swap3A_155] {strides = array<i32>} : memref<128x80xf32, #tpu.memory_space<vmem>>, vector<16xf32>,
        tpu.vector_store %arg14[%swap3A_154, %swap3A_155], %mul3A_153 {strides = array<i32>} : memref<128x80xf32, #tpu.memory_space<vmem>>, vector<16xf32>,
        %get3A_157 = arith.index_cast %scan3A_146 : i32 to index
        %get3A_158 = arith.constant 16 : index
        %get3A_159 = tpu.vector_load %arg13[%get3A_157, %get3A_158] {strides = array<i32>} : memref<128x64xf32, #tpu.memory_space<vmem>>, vector<16xf32>,
        %mul3A_160 = arith.mulf %get3A_159, %gather3A_150 : vector<16xf32>
        %swap3A_161 = arith.index_cast %scan3A_146 : i32 to index
        %swap3A_162 = arith.constant 16 : index
        %swap3A_163 = tpu.vector_load %arg14[%swap3A_161, %swap3A_162] {strides = array<i32>} : memref<128x80xf32, #tpu.memory_space<vmem>>, vector<16xf32>,
        tpu.vector_store %arg14[%swap3A_161, %swap3A_162], %mul3A_160 {strides = array<i32>} : memref<128x80xf32, #tpu.memory_space<vmem>>, vector<16xf32>,
        %get3A_164 = arith.index_cast %scan3A_146 : i32 to index
        %get3A_165 = arith.constant 32 : index
        %get3A_166 = tpu.vector_load %arg13[%get3A_164, %get3A_165] {strides = array<i32>} : memref<128x64xf32, #tpu.memory_space<vmem>>, vector<16xf32>,
        %mul3A_167 = arith.mulf %get3A_166, %gather3A_150 : vector<16xf32>
        %swap3A_168 = arith.index_cast %scan3A_146 : i32 to index
        %swap3A_169 = arith.constant 32 : index
        %swap3A_170 = tpu.vector_load %arg14[%swap3A_168, %swap3A_169] {strides = array<i32>} : memref<128x80xf32, #tpu.memory_space<vmem>>, vector<16xf32>,
        tpu.vector_store %arg14[%swap3A_168, %swap3A_169], %mul3A_167 {strides = array<i32>} : memref<128x80xf32, #tpu.memory_space<vmem>>, vector<16xf32>,
        %get3A_171 = arith.index_cast %scan3A_146 : i32 to index
        %get3A_172 = arith.constant 48 : index
        %get3A_173 = tpu.vector_load %arg13[%get3A_171, %get3A_172] {strides = array<i32>} : memref<128x64xf32, #tpu.memory_space<vmem>>, vector<16xf32>,
        %mul3A_174 = arith.mulf %get3A_173, %gather3A_150 : vector<16xf32>
        %swap3A_175 = arith.index_cast %scan3A_146 : i32 to index
        %swap3A_176 = arith.constant 48 : index
        %swap3A_177 = tpu.vector_load %arg14[%swap3A_175, %swap3A_176] {strides = array<i32>} : memref<128x80xf32, #tpu.memory_space<vmem>>, vector<16xf32>,
        tpu.vector_store %arg14[%swap3A_175, %swap3A_176], %mul3A_174 {strides = array<i32>} : memref<128x80xf32, #tpu.memory_space<vmem>>, vector<16xf32>,
        %mul3A_178 = arith.mulf %gather3A_150, %select_n3A : vector<16xf32>
        %swap3A_179 = arith.index_cast %scan3A_146 : i32 to index
        %swap3A_180 = arith.constant 64 : index
        %swap3A_181 = tpu.vector_load %arg14[%swap3A_179, %swap3A_180] {strides = array<i32>} : memref<128x80xf32, #tpu.memory_space<vmem>>, vector<16xf32>,
        tpu.vector_store %arg14[%swap3A_179, %swap3A_180], %mul3A_178 {strides = array<i32>} : memref<128x80xf32, #tpu.memory_space<vmem>>, vector<16xf32>,
        %scan3A_182 = arith.constant 0 : i32
        scf.yield %scan3A_182 : i32
      }
      %scan3A_138 = arith.constant 128 : i32
      %dma_start3A_139 = arith.constant 0 : i32
      %dma_start3A_140 = tpu.memref_slice %arg9[%scan3A_112, %dma_start3A_139] : memref<80x128xi32, #tpu.memory_space<vmem>> -> memref<1x128xi32, #tpu.memory_space<vmem>>
      %dma_start3A_141 = tpu.memref_squeeze %dma_start3A_140 : memref<1x128xi32, #tpu.memory_space<vmem>> -> memref<128xi32, #tpu.memory_space<vmem>>
      %dma_start3A_142 = arith.constant 0 : i32
      %dma_start3A_143 = arith.constant 0 : i32
      %dma_start3A_144 = tpu.memref_slice %arg16[%dma_start3A_142, %dma_start3A_143] : memref<10240x80xf32, #tpu.memory_space<vmem_shared>> -> memref<10240x80xf32, #tpu.memory_space<vmem_shared>>
      tpu.enqueue_indirect_dma source(%arg14 : memref<128x80xf32, #tpu.memory_space<vmem>>) target(%dma_start3A_144 : memref<10240x80xf32, #tpu.memory_space<vmem_shared>>) offsets(%dma_start3A_141 : memref<128xi32, #tpu.memory_space<vmem>>) semaphore(%arg18 : memref<!tpu.dma_semaphore, #tpu.memory_space<semaphore_mem>>) {add = true}
      %scan3A_145 = arith.constant 0 : i32
      scf.yield %scan3A_145 : i32
    }
    %scan3A_102 = arith.constant 80 : i32
    %dma_wait3A = arith.constant 0 : i32
    %dma_wait3A_103 = arith.constant 0 : i32
    %dma_wait3A_104 = arith.constant 0 : i32
    %dma_wait3A_105 = tpu.memref_slice %arg7[%dma_wait3A, %dma_wait3A_103, %dma_wait3A_104] : memref<2x10240x80xf32, #tpu.memory_space<hbm>> -> memref<1x128x80xf32, #tpu.memory_space<hbm>>
    %dma_wait3A_106 = tpu.memref_squeeze %dma_wait3A_105 : memref<1x128x80xf32, #tpu.memory_space<hbm>> -> memref<128x80xf32, #tpu.memory_space<hbm>>
    %dma_wait3A_107 = arith.constant 0 : i32
    %dma_wait3A_108 = arith.constant 0 : i32
    %dma_wait3A_109 = tpu.memref_slice %arg7[%dma_wait3A, %dma_wait3A_107, %dma_wait3A_108] : memref<2x10240x80xf32, #tpu.memory_space<hbm>> -> memref<1x128x80xf32, #tpu.memory_space<hbm>>
    %dma_wait3A_110 = tpu.memref_squeeze %dma_wait3A_109 : memref<1x128x80xf32, #tpu.memory_space<hbm>> -> memref<128x80xf32, #tpu.memory_space<hbm>>
    tpu.wait_dma2 semaphore(%arg18 : memref<!tpu.dma_semaphore, #tpu.memory_space<semaphore_mem>>) src(%dma_wait3A_110 : memref<128x80xf32, #tpu.memory_space<hbm>>) dst(%arg14 : memref<128x80xf32, #tpu.memory_space<vmem>>)
    %barrier3A_111 = arith.constant 0 : index
    tpu.barrier barrier_id(%barrier3A_111)
    "tpu.region"() ({
      %run_scoped3A = tpu.sem_alloc : memref<!tpu.dma_semaphore, #tpu.memory_space<semaphore_mem>>
      %dma_start3A = arith.constant 0 : i32
      %dma_start3A_112 = tpu.memref_slice %arg7[%arg0, %mul3A_2, %dma_start3A] : memref<2x10240x80xf32, #tpu.memory_space<hbm>> -> memref<1x640x80xf32, #tpu.memory_space<hbm>>
      %dma_start3A_113 = tpu.memref_squeeze %dma_start3A_112 : memref<1x640x80xf32, #tpu.memory_space<hbm>> -> memref<640x80xf32, #tpu.memory_space<hbm>>
      %dma_start3A_114 = arith.constant 0 : i32
      %dma_start3A_115 = tpu.memref_slice %arg16[%mul3A_2, %dma_start3A_114] : memref<10240x80xf32, #tpu.memory_space<vmem_shared>> -> memref<640x80xf32, #tpu.memory_space<vmem_shared>>
      tpu.enqueue_dma source(%dma_start3A_115 : memref<640x80xf32, #tpu.memory_space<vmem_shared>>) target(%dma_start3A_113 : memref<640x80xf32, #tpu.memory_space<hbm>>) target_semaphore(%run_scoped3A : memref<!tpu.dma_semaphore, #tpu.memory_space<semaphore_mem>>)
      %dma_wait3A_116 = arith.constant 0 : i32
      %dma_wait3A_117 = tpu.memref_slice %arg7[%arg0, %mul3A_2, %dma_wait3A_116] : memref<2x10240x80xf32, #tpu.memory_space<hbm>> -> memref<1x640x80xf32, #tpu.memory_space<hbm>>
      %dma_wait3A_118 = tpu.memref_squeeze %dma_wait3A_117 : memref<1x640x80xf32, #tpu.memory_space<hbm>> -> memref<640x80xf32, #tpu.memory_space<hbm>>
      %dma_wait3A_119 = arith.constant 0 : i32
      %dma_wait3A_120 = tpu.memref_slice %arg16[%mul3A_2, %dma_wait3A_119] : memref<10240x80xf32, #tpu.memory_space<vmem_shared>> -> memref<640x80xf32, #tpu.memory_space<vmem_shared>>
      tpu.wait_dma2 semaphore(%run_scoped3A : memref<!tpu.dma_semaphore, #tpu.memory_space<semaphore_mem>>) src(%dma_wait3A_120 : memref<640x80xf32, #tpu.memory_space<vmem_shared>>) dst(%dma_wait3A_118 : memref<640x80xf32, #tpu.memory_space<hbm>>)
      tpu.yield
    }) : () -> ()
    return
  }
}

module attributes {stable_mosaic.version = 14 : i64} {
  func.func @_tc0_body(%arg0: i32, %arg1: memref<640x128xf32, #tpu.memory_space<vmem>>, %arg2: memref<128x64xf32, #tpu.memory_space<vmem>>, %arg3: memref<64x1xf32, #tpu.memory_space<vmem>>, %arg4: memref<64x1xf32, #tpu.memory_space<vmem>>, %arg5: memref<640x64xf32, #tpu.memory_space<vmem>>, %arg6: memref<640x1xf32, #tpu.memory_space<vmem>>, %arg7: memref<640x1xf32, #tpu.memory_space<vmem>>) attributes {dimension_semantics = [#tpu.dimension_semantics<arbitrary>], iteration_bounds = array<i64: 16>, scalar_prefetch = 0 : i64, scratch_operands = 0 : i64, tpu.core_type = #tpu.core_type<tc>, window_params = [{transform_indices = @transform_0, window_bounds = array<i64: 640, 128>}, {pipeline_mode = #tpu.pipeline_mode<synchronous>, transform_indices = @transform_1, window_bounds = array<i64: 128, 64>}, {pipeline_mode = #tpu.pipeline_mode<synchronous>, transform_indices = @transform_2, window_bounds = array<i64: 64, 1>}, {pipeline_mode = #tpu.pipeline_mode<synchronous>, transform_indices = @transform_3, window_bounds = array<i64: 64, 1>}, {transform_indices = @transform_4, window_bounds = array<i64: 640, 64>}, {transform_indices = @transform_5, window_bounds = array<i64: 640, 1>}, {transform_indices = @transform_6, window_bounds = array<i64: 640, 1>}]} {
    %get3A = arith.constant 0 : index
    %get3A_0 = arith.constant 0 : index
    %get3A_1 = vector.load %arg1[%get3A, %get3A_0] : memref<640x128xf32, #tpu.memory_space<vmem>>, vector<640x128xf32>
    %get3A_2 = arith.constant 0 : index
    %get3A_3 = arith.constant 0 : index
    %get3A_4 = vector.load %arg2[%get3A_2, %get3A_3] : memref<128x64xf32, #tpu.memory_space<vmem>>, vector<128x64xf32>
    %dot_general3A = arith.constant dense<0.000000e+00> : vector<640x64xf32>
    %dot_general3A_5 = tpu.matmul %get3A_1, %get3A_4, %dot_general3A {dimension_numbers = #tpu.dot_dimension_numbers<[1], [0], [0], [1], [0, 0, 1, 1], [], []>, transpose_lhs_hint = false} : vector<640x128xf32>, vector<128x64xf32>, vector<640x64xf32> -> vector<640x64xf32>
    %swap3A = arith.constant 0 : index
    %swap3A_6 = arith.constant 0 : index
    %swap3A_7 = vector.load %arg5[%swap3A, %swap3A_6] : memref<640x64xf32, #tpu.memory_space<vmem>>, vector<640x64xf32>
    tpu.vector_store %arg5[%swap3A, %swap3A_6], %dot_general3A_5 {strides = array<i32>} : memref<640x64xf32, #tpu.memory_space<vmem>>, vector<640x64xf32>,
    %get3A_8 = arith.constant 0 : index
    %get3A_9 = arith.constant 0 : index
    %get3A_10 = vector.load %arg3[%get3A_8, %get3A_9] : memref<64x1xf32, #tpu.memory_space<vmem>>, vector<64x1xf32>
    %dot_general3A_11 = arith.constant dense<0.000000e+00> : vector<640x1xf32>
    %dot_general3A_12 = tpu.matmul %dot_general3A_5, %get3A_10, %dot_general3A_11 {dimension_numbers = #tpu.dot_dimension_numbers<[1], [0], [0], [1], [0, 0, 1, 1], [], []>, transpose_lhs_hint = false} : vector<640x64xf32>, vector<64x1xf32>, vector<640x1xf32> -> vector<640x1xf32>
    %swap3A_13 = arith.constant 0 : index
    %swap3A_14 = arith.constant 0 : index
    %swap3A_15 = vector.load %arg6[%swap3A_13, %swap3A_14] : memref<640x1xf32, #tpu.memory_space<vmem>>, vector<640x1xf32>
    tpu.vector_store %arg6[%swap3A_13, %swap3A_14], %dot_general3A_12 {strides = array<i32>} : memref<640x1xf32, #tpu.memory_space<vmem>>, vector<640x1xf32>,
    %get3A_16 = arith.constant 0 : index
    %get3A_17 = arith.constant 0 : index
    %get3A_18 = vector.load %arg4[%get3A_16, %get3A_17] : memref<64x1xf32, #tpu.memory_space<vmem>>, vector<64x1xf32>
    %dot_general3A_19 = arith.constant dense<0.000000e+00> : vector<640x1xf32>
    %dot_general3A_20 = tpu.matmul %dot_general3A_5, %get3A_18, %dot_general3A_19 {dimension_numbers = #tpu.dot_dimension_numbers<[1], [0], [0], [1], [0, 0, 1, 1], [], []>, transpose_lhs_hint = false} : vector<640x64xf32>, vector<64x1xf32>, vector<640x1xf32> -> vector<640x1xf32>
    %swap3A_21 = arith.constant 0 : index
    %swap3A_22 = arith.constant 0 : index
    %swap3A_23 = vector.load %arg7[%swap3A_21, %swap3A_22] : memref<640x1xf32, #tpu.memory_space<vmem>>, vector<640x1xf32>
    tpu.vector_store %arg7[%swap3A_21, %swap3A_22], %dot_general3A_20 {strides = array<i32>} : memref<640x1xf32, #tpu.memory_space<vmem>>, vector<640x1xf32>,
    return
  }
  func.func @transform_0(%arg0: i32) -> (i32, i32) {
    %c0_i32 = arith.constant 0 : i32
    %c0_i32_0 = arith.constant 0 : i32
    return %arg0, %c0_i32 : i32, i32
  }
  func.func @transform_1(%arg0: i32) -> (i32, i32) {
    %c0_i32 = arith.constant 0 : i32
    %c0_i32_0 = arith.constant 0 : i32
    %c0_i32_1 = arith.constant 0 : i32
    return %c0_i32, %c0_i32_0 : i32, i32
  }
  func.func @transform_2(%arg0: i32) -> (i32, i32) {
    %c0_i32 = arith.constant 0 : i32
    %c0_i32_0 = arith.constant 0 : i32
    %c0_i32_1 = arith.constant 0 : i32
    return %c0_i32, %c0_i32_0 : i32, i32
  }
  func.func @transform_3(%arg0: i32) -> (i32, i32) {
    %c0_i32 = arith.constant 0 : i32
    %c0_i32_0 = arith.constant 0 : i32
    %c0_i32_1 = arith.constant 0 : i32
    return %c0_i32, %c0_i32_0 : i32, i32
  }
  func.func @transform_4(%arg0: i32) -> (i32, i32) {
    %c0_i32 = arith.constant 0 : i32
    %c0_i32_0 = arith.constant 0 : i32
    return %arg0, %c0_i32 : i32, i32
  }
  func.func @transform_5(%arg0: i32) -> (i32, i32) {
    %c0_i32 = arith.constant 0 : i32
    %c0_i32_0 = arith.constant 0 : i32
    return %arg0, %c0_i32 : i32, i32
  }
  func.func @transform_6(%arg0: i32) -> (i32, i32) {
    %c0_i32 = arith.constant 0 : i32
    %c0_i32_0 = arith.constant 0 : i32
    return %arg0, %c0_i32 : i32, i32
  }
}

module attributes {stable_mosaic.version = 14 : i64} {
  func.func @_tcmid_body(%arg0: i32, %arg1: memref<2x640x80xf32, #tpu.memory_space<vmem>>, %arg2: memref<1x64xf32, #tpu.memory_space<vmem>>, %arg3: memref<128x64xf32, #tpu.memory_space<vmem>>, %arg4: memref<64x1xf32, #tpu.memory_space<vmem>>, %arg5: memref<64x1xf32, #tpu.memory_space<vmem>>, %arg6: memref<640x64xf32, #tpu.memory_space<vmem>>, %arg7: memref<640x1xf32, #tpu.memory_space<vmem>>, %arg8: memref<640x1xf32, #tpu.memory_space<vmem>>) attributes {dimension_semantics = [#tpu.dimension_semantics<arbitrary>], iteration_bounds = array<i64: 16>, scalar_prefetch = 0 : i64, scratch_operands = 0 : i64, tpu.core_type = #tpu.core_type<tc>, window_params = [{transform_indices = @transform_0, window_bounds = array<i64: 2, 640, 80>}, {pipeline_mode = #tpu.pipeline_mode<synchronous>, transform_indices = @transform_1, window_bounds = array<i64: 1, 64>}, {pipeline_mode = #tpu.pipeline_mode<synchronous>, transform_indices = @transform_2, window_bounds = array<i64: 128, 64>}, {pipeline_mode = #tpu.pipeline_mode<synchronous>, transform_indices = @transform_3, window_bounds = array<i64: 64, 1>}, {pipeline_mode = #tpu.pipeline_mode<synchronous>, transform_indices = @transform_4, window_bounds = array<i64: 64, 1>}, {transform_indices = @transform_5, window_bounds = array<i64: 640, 64>}, {transform_indices = @transform_6, window_bounds = array<i64: 640, 1>}, {transform_indices = @transform_7, window_bounds = array<i64: 640, 1>}]} {
    %get3A = arith.constant 0 : index
    %get3A_0 = arith.constant 0 : index
    %get3A_1 = arith.constant 0 : index
    %get3A_2 = vector.load %arg1[%get3A, %get3A_0, %get3A_1] : memref<2x640x80xf32, #tpu.memory_space<vmem>>, vector<1x640x64xf32>
    %get3A_3 = vector.shape_cast %get3A_2 : vector<1x640x64xf32> to vector<640x64xf32>
    %get3A_4 = arith.constant 1 : index
    %get3A_5 = arith.constant 0 : index
    %get3A_6 = arith.constant 0 : index
    %get3A_7 = vector.load %arg1[%get3A_4, %get3A_5, %get3A_6] : memref<2x640x80xf32, #tpu.memory_space<vmem>>, vector<1x640x64xf32>
    %get3A_8 = vector.shape_cast %get3A_7 : vector<1x640x64xf32> to vector<640x64xf32>
    %add3A = arith.addf %get3A_3, %get3A_8 : vector<640x64xf32>
    %get3A_9 = arith.constant 0 : index
    %get3A_10 = arith.constant 0 : index
    %get3A_11 = arith.constant 64 : index
    %get3A_12 = vector.load %arg1[%get3A_9, %get3A_10, %get3A_11] : memref<2x640x80xf32, #tpu.memory_space<vmem>>, vector<1x640x1xf32>
    %get3A_13 = vector.shape_cast %get3A_12 : vector<1x640x1xf32> to vector<640x1xf32>
    %get3A_14 = arith.constant 1 : index
    %get3A_15 = arith.constant 0 : index
    %get3A_16 = arith.constant 64 : index
    %get3A_17 = vector.load %arg1[%get3A_14, %get3A_15, %get3A_16] : memref<2x640x80xf32, #tpu.memory_space<vmem>>, vector<1x640x1xf32>
    %get3A_18 = vector.shape_cast %get3A_17 : vector<1x640x1xf32> to vector<640x1xf32>
    %add3A_19 = arith.addf %get3A_13, %get3A_18 : vector<640x1xf32>
    %div3A = arith.constant 1.000000e+00 : f32
    %div3A_20 = vector.broadcast %div3A : f32 to vector<640x1xf32>
    %div3A_21 = arith.divf %div3A_20, %add3A_19 : vector<640x1xf32>
    %mul3A = arith.mulf %add3A_19, %div3A_21 : vector<640x1xf32>
    %sub3A = arith.constant 2.000000e+00 : f32
    %sub3A_22 = vector.broadcast %sub3A : f32 to vector<640x1xf32>
    %sub3A_23 = arith.subf %sub3A_22, %mul3A : vector<640x1xf32>
    %mul3A_24 = arith.mulf %div3A_21, %sub3A_23 : vector<640x1xf32>
    %mul3A_25 = arith.mulf %add3A_19, %mul3A_24 : vector<640x1xf32>
    %sub3A_26 = arith.constant 2.000000e+00 : f32
    %sub3A_27 = vector.broadcast %sub3A_26 : f32 to vector<640x1xf32>
    %sub3A_28 = arith.subf %sub3A_27, %mul3A_25 : vector<640x1xf32>
    %mul3A_29 = arith.mulf %mul3A_24, %sub3A_28 : vector<640x1xf32>
    %gt3A = arith.constant 0.000000e+00 : f32
    %gt3A_30 = vector.broadcast %gt3A : f32 to vector<640x1xf32>
    %gt3A_31 = arith.cmpf ogt, %add3A_19, %gt3A_30 : vector<640x1xf32>
    %jit3A = arith.constant 0.000000e+00 : f32
    %broadcast_in_dim3A = vector.broadcast %jit3A : f32 to vector<640x1xf32>
    %select_n3A = arith.select %gt3A_31, %mul3A_29, %broadcast_in_dim3A : vector<640x1xi1>, vector<640x1xf32>
    %mul3A_32 = vector.broadcast %select_n3A : vector<640x1xf32> to vector<640x64xf32>
    %mul3A_33 = arith.mulf %add3A, %mul3A_32 : vector<640x64xf32>
    %get3A_34 = arith.constant 0 : index
    %get3A_35 = arith.constant 0 : index
    %get3A_36 = vector.load %arg2[%get3A_34, %get3A_35] : memref<1x64xf32, #tpu.memory_space<vmem>>, vector<1x64xf32>
    %add3A_37 = vector.broadcast %get3A_36 : vector<1x64xf32> to vector<640x64xf32>
    %add3A_38 = arith.addf %mul3A_33, %add3A_37 : vector<640x64xf32>
    %max3A = arith.constant 0.000000e+00 : f32
    %max3A_39 = vector.broadcast %max3A : f32 to vector<640x64xf32>
    %max3A_40 = arith.maximumf %add3A_38, %max3A_39 : vector<640x64xf32>
    %concatenate3A = tpu.concatenate %max3A_40, %max3A_40 in 1 : vector<640x64xf32>, vector<640x64xf32> -> vector<640x128xf32>
    %get3A_41 = arith.constant 0 : index
    %get3A_42 = arith.constant 0 : index
    %get3A_43 = vector.load %arg3[%get3A_41, %get3A_42] : memref<128x64xf32, #tpu.memory_space<vmem>>, vector<128x64xf32>
    %dot_general3A = arith.constant dense<0.000000e+00> : vector<640x64xf32>
    %dot_general3A_44 = tpu.matmul %concatenate3A, %get3A_43, %dot_general3A {dimension_numbers = #tpu.dot_dimension_numbers<[1], [0], [0], [1], [0, 0, 1, 1], [], []>, transpose_lhs_hint = false} : vector<640x128xf32>, vector<128x64xf32>, vector<640x64xf32> -> vector<640x64xf32>
    %swap3A = arith.constant 0 : index
    %swap3A_45 = arith.constant 0 : index
    %swap3A_46 = vector.load %arg6[%swap3A, %swap3A_45] : memref<640x64xf32, #tpu.memory_space<vmem>>, vector<640x64xf32>
    tpu.vector_store %arg6[%swap3A, %swap3A_45], %dot_general3A_44 {strides = array<i32>} : memref<640x64xf32, #tpu.memory_space<vmem>>, vector<640x64xf32>,
    %get3A_47 = arith.constant 0 : index
    %get3A_48 = arith.constant 0 : index
    %get3A_49 = vector.load %arg4[%get3A_47, %get3A_48] : memref<64x1xf32, #tpu.memory_space<vmem>>, vector<64x1xf32>
    %dot_general3A_50 = arith.constant dense<0.000000e+00> : vector<640x1xf32>
    %dot_general3A_51 = tpu.matmul %dot_general3A_44, %get3A_49, %dot_general3A_50 {dimension_numbers = #tpu.dot_dimension_numbers<[1], [0], [0], [1], [0, 0, 1, 1], [], []>, transpose_lhs_hint = false} : vector<640x64xf32>, vector<64x1xf32>, vector<640x1xf32> -> vector<640x1xf32>
    %swap3A_52 = arith.constant 0 : index
    %swap3A_53 = arith.constant 0 : index
    %swap3A_54 = vector.load %arg7[%swap3A_52, %swap3A_53] : memref<640x1xf32, #tpu.memory_space<vmem>>, vector<640x1xf32>
    tpu.vector_store %arg7[%swap3A_52, %swap3A_53], %dot_general3A_51 {strides = array<i32>} : memref<640x1xf32, #tpu.memory_space<vmem>>, vector<640x1xf32>,
    %get3A_55 = arith.constant 0 : index
    %get3A_56 = arith.constant 0 : index
    %get3A_57 = vector.load %arg5[%get3A_55, %get3A_56] : memref<64x1xf32, #tpu.memory_space<vmem>>, vector<64x1xf32>
    %dot_general3A_58 = arith.constant dense<0.000000e+00> : vector<640x1xf32>
    %dot_general3A_59 = tpu.matmul %dot_general3A_44, %get3A_57, %dot_general3A_58 {dimension_numbers = #tpu.dot_dimension_numbers<[1], [0], [0], [1], [0, 0, 1, 1], [], []>, transpose_lhs_hint = false} : vector<640x64xf32>, vector<64x1xf32>, vector<640x1xf32> -> vector<640x1xf32>
    %swap3A_60 = arith.constant 0 : index
    %swap3A_61 = arith.constant 0 : index
    %swap3A_62 = vector.load %arg8[%swap3A_60, %swap3A_61] : memref<640x1xf32, #tpu.memory_space<vmem>>, vector<640x1xf32>
    tpu.vector_store %arg8[%swap3A_60, %swap3A_61], %dot_general3A_59 {strides = array<i32>} : memref<640x1xf32, #tpu.memory_space<vmem>>, vector<640x1xf32>,
    return
  }
  func.func @transform_0(%arg0: i32) -> (i32, i32, i32) {
    %c0_i32 = arith.constant 0 : i32
    %c0_i32_0 = arith.constant 0 : i32
    %c0_i32_1 = arith.constant 0 : i32
    return %c0_i32, %arg0, %c0_i32_0 : i32, i32, i32
  }
  func.func @transform_1(%arg0: i32) -> (i32, i32) {
    %c0_i32 = arith.constant 0 : i32
    %c0_i32_0 = arith.constant 0 : i32
    %c0_i32_1 = arith.constant 0 : i32
    return %c0_i32, %c0_i32_0 : i32, i32
  }
  func.func @transform_2(%arg0: i32) -> (i32, i32) {
    %c0_i32 = arith.constant 0 : i32
    %c0_i32_0 = arith.constant 0 : i32
    %c0_i32_1 = arith.constant 0 : i32
    return %c0_i32, %c0_i32_0 : i32, i32
  }
  func.func @transform_3(%arg0: i32) -> (i32, i32) {
    %c0_i32 = arith.constant 0 : i32
    %c0_i32_0 = arith.constant 0 : i32
    %c0_i32_1 = arith.constant 0 : i32
    return %c0_i32, %c0_i32_0 : i32, i32
  }
  func.func @transform_4(%arg0: i32) -> (i32, i32) {
    %c0_i32 = arith.constant 0 : i32
    %c0_i32_0 = arith.constant 0 : i32
    %c0_i32_1 = arith.constant 0 : i32
    return %c0_i32, %c0_i32_0 : i32, i32
  }
  func.func @transform_5(%arg0: i32) -> (i32, i32) {
    %c0_i32 = arith.constant 0 : i32
    %c0_i32_0 = arith.constant 0 : i32
    return %arg0, %c0_i32 : i32, i32
  }
  func.func @transform_6(%arg0: i32) -> (i32, i32) {
    %c0_i32 = arith.constant 0 : i32
    %c0_i32_0 = arith.constant 0 : i32
    return %arg0, %c0_i32 : i32, i32
  }
  func.func @transform_7(%arg0: i32) -> (i32, i32) {
    %c0_i32 = arith.constant 0 : i32
    %c0_i32_0 = arith.constant 0 : i32
    return %arg0, %c0_i32 : i32, i32
  }
}

module attributes {stable_mosaic.version = 14 : i64} {
  func.func @_tcfin_body(%arg0: i32, %arg1: memref<2x640x80xf32, #tpu.memory_space<vmem>>, %arg2: memref<1x64xf32, #tpu.memory_space<vmem>>, %arg3: memref<640x1xi32, #tpu.memory_space<vmem>>, %arg4: memref<128x1xf32, #tpu.memory_space<vmem>>, %arg5: memref<1x1xf32, #tpu.memory_space<vmem>>, %arg6: memref<64x1xf32, #tpu.memory_space<vmem>>, %arg7: memref<64x64xf32, #tpu.memory_space<vmem>>) attributes {dimension_semantics = [#tpu.dimension_semantics<arbitrary>], iteration_bounds = array<i64: 16>, scalar_prefetch = 0 : i64, scratch_operands = 1 : i64, tpu.core_type = #tpu.core_type<tc>, window_params = [{transform_indices = @transform_0, window_bounds = array<i64: 2, 640, 80>}, {pipeline_mode = #tpu.pipeline_mode<synchronous>, transform_indices = @transform_1, window_bounds = array<i64: 1, 64>}, {transform_indices = @transform_2, window_bounds = array<i64: 640, 1>}, {pipeline_mode = #tpu.pipeline_mode<synchronous>, transform_indices = @transform_3, window_bounds = array<i64: 128, 1>}, {pipeline_mode = #tpu.pipeline_mode<synchronous>, transform_indices = @transform_4, window_bounds = array<i64: 1, 1>}, {pipeline_mode = #tpu.pipeline_mode<synchronous>, transform_indices = @transform_5, window_bounds = array<i64: 64, 1>}]} {
    %get3A = arith.constant 0 : index
    %get3A_0 = arith.constant 0 : index
    %get3A_1 = arith.constant 0 : index
    %get3A_2 = vector.load %arg1[%get3A, %get3A_0, %get3A_1] : memref<2x640x80xf32, #tpu.memory_space<vmem>>, vector<1x640x64xf32>
    %get3A_3 = vector.shape_cast %get3A_2 : vector<1x640x64xf32> to vector<640x64xf32>
    %get3A_4 = arith.constant 1 : index
    %get3A_5 = arith.constant 0 : index
    %get3A_6 = arith.constant 0 : index
    %get3A_7 = vector.load %arg1[%get3A_4, %get3A_5, %get3A_6] : memref<2x640x80xf32, #tpu.memory_space<vmem>>, vector<1x640x64xf32>
    %get3A_8 = vector.shape_cast %get3A_7 : vector<1x640x64xf32> to vector<640x64xf32>
    %add3A = arith.addf %get3A_3, %get3A_8 : vector<640x64xf32>
    %get3A_9 = arith.constant 0 : index
    %get3A_10 = arith.constant 0 : index
    %get3A_11 = arith.constant 64 : index
    %get3A_12 = vector.load %arg1[%get3A_9, %get3A_10, %get3A_11] : memref<2x640x80xf32, #tpu.memory_space<vmem>>, vector<1x640x1xf32>
    %get3A_13 = vector.shape_cast %get3A_12 : vector<1x640x1xf32> to vector<640x1xf32>
    %get3A_14 = arith.constant 1 : index
    %get3A_15 = arith.constant 0 : index
    %get3A_16 = arith.constant 64 : index
    %get3A_17 = vector.load %arg1[%get3A_14, %get3A_15, %get3A_16] : memref<2x640x80xf32, #tpu.memory_space<vmem>>, vector<1x640x1xf32>
    %get3A_18 = vector.shape_cast %get3A_17 : vector<1x640x1xf32> to vector<640x1xf32>
    %add3A_19 = arith.addf %get3A_13, %get3A_18 : vector<640x1xf32>
    %div3A = arith.constant 1.000000e+00 : f32
    %div3A_20 = vector.broadcast %div3A : f32 to vector<640x1xf32>
    %div3A_21 = arith.divf %div3A_20, %add3A_19 : vector<640x1xf32>
    %mul3A = arith.mulf %add3A_19, %div3A_21 : vector<640x1xf32>
    %sub3A = arith.constant 2.000000e+00 : f32
    %sub3A_22 = vector.broadcast %sub3A : f32 to vector<640x1xf32>
    %sub3A_23 = arith.subf %sub3A_22, %mul3A : vector<640x1xf32>
    %mul3A_24 = arith.mulf %div3A_21, %sub3A_23 : vector<640x1xf32>
    %mul3A_25 = arith.mulf %add3A_19, %mul3A_24 : vector<640x1xf32>
    %sub3A_26 = arith.constant 2.000000e+00 : f32
    %sub3A_27 = vector.broadcast %sub3A_26 : f32 to vector<640x1xf32>
    %sub3A_28 = arith.subf %sub3A_27, %mul3A_25 : vector<640x1xf32>
    %mul3A_29 = arith.mulf %mul3A_24, %sub3A_28 : vector<640x1xf32>
    %gt3A = arith.constant 0.000000e+00 : f32
    %gt3A_30 = vector.broadcast %gt3A : f32 to vector<640x1xf32>
    %gt3A_31 = arith.cmpf ogt, %add3A_19, %gt3A_30 : vector<640x1xf32>
    %jit3A = arith.constant 0.000000e+00 : f32
    %broadcast_in_dim3A = vector.broadcast %jit3A : f32 to vector<640x1xf32>
    %select_n3A = arith.select %gt3A_31, %mul3A_29, %broadcast_in_dim3A : vector<640x1xi1>, vector<640x1xf32>
    %mul3A_32 = vector.broadcast %select_n3A : vector<640x1xf32> to vector<640x64xf32>
    %mul3A_33 = arith.mulf %add3A, %mul3A_32 : vector<640x64xf32>
    %get3A_34 = arith.constant 0 : index
    %get3A_35 = arith.constant 0 : index
    %get3A_36 = vector.load %arg2[%get3A_34, %get3A_35] : memref<1x64xf32, #tpu.memory_space<vmem>>, vector<1x64xf32>
    %add3A_37 = vector.broadcast %get3A_36 : vector<1x64xf32> to vector<640x64xf32>
    %add3A_38 = arith.addf %mul3A_33, %add3A_37 : vector<640x64xf32>
    %max3A = arith.constant 0.000000e+00 : f32
    %max3A_39 = vector.broadcast %max3A : f32 to vector<640x64xf32>
    %max3A_40 = arith.maximumf %add3A_38, %max3A_39 : vector<640x64xf32>
    %get3A_41 = arith.constant 0 : index
    %get3A_42 = arith.constant 0 : index
    %get3A_43 = vector.load %arg3[%get3A_41, %get3A_42] : memref<640x1xi32, #tpu.memory_space<vmem>>, vector<640x1xi32>
    %iota3A = tpu.iota {dimensions = array<i32: 1>} : vector<640x64xi32>
    %eq3A = vector.broadcast %get3A_43 : vector<640x1xi32> to vector<640x64xi32>
    %eq3A_44 = arith.cmpi eq, %eq3A, %iota3A : vector<640x64xi32>
    %jit3A_45 = arith.constant 1.000000e+00 : f32
    %jit3A_46 = arith.constant 0.000000e+00 : f32
    %broadcast_in_dim3A_47 = vector.broadcast %jit3A_45 : f32 to vector<640x64xf32>
    %broadcast_in_dim3A_48 = vector.broadcast %jit3A_46 : f32 to vector<640x64xf32>
    %select_n3A_49 = arith.select %eq3A_44, %broadcast_in_dim3A_47, %broadcast_in_dim3A_48 : vector<640x64xi1>, vector<640x64xf32>
    %dot_general3A = arith.constant dense<0.000000e+00> : vector<64x64xf32>
    %dot_general3A_50 = tpu.matmul %select_n3A_49, %max3A_40, %dot_general3A {dimension_numbers = #tpu.dot_dimension_numbers<[0], [0], [1], [1], [0, 1, 1, 1], [], []>, precision = #tpu.contract_precision<fp32>, transpose_lhs_hint = false} : vector<640x64xf32>, vector<640x64xf32>, vector<64x64xf32> -> vector<64x64xf32>
    %eq3A_51 = arith.constant 0 : i32
    %eq3A_52 = arith.cmpi eq, %arg0, %eq3A_51 : i32
    %convert_element_type3A = arith.extui %eq3A_52 : i1 to i32
    %cond3A = arith.constant 0 : i32
    %cond3A_53 = arith.cmpi ne, %convert_element_type3A, %cond3A : i32
    scf.if %cond3A_53 {
      %swap3A = arith.constant 0 : index
      %swap3A_64 = arith.constant 0 : index
      %swap3A_65 = vector.load %arg7[%swap3A, %swap3A_64] : memref<64x64xf32, #tpu.memory_space<vmem>>, vector<64x64xf32>
      tpu.vector_store %arg7[%swap3A, %swap3A_64], %dot_general3A_50 {strides = array<i32>} : memref<64x64xf32, #tpu.memory_space<vmem>>, vector<64x64xf32>,
    } else {
    }
    %gt3A_54 = arith.constant 0 : i32
    %gt3A_55 = arith.cmpi sgt, %arg0, %gt3A_54 : i32
    %convert_element_type3A_56 = arith.extui %gt3A_55 : i1 to i32
    %cond3A_57 = arith.constant 0 : i32
    %cond3A_58 = arith.cmpi ne, %convert_element_type3A_56, %cond3A_57 : i32
    scf.if %cond3A_58 {
      %get3A_64 = arith.constant 0 : index
      %get3A_65 = arith.constant 0 : index
      %get3A_66 = vector.load %arg7[%get3A_64, %get3A_65] : memref<64x64xf32, #tpu.memory_space<vmem>>, vector<64x64xf32>
      %add3A_67 = arith.addf %get3A_66, %dot_general3A_50 : vector<64x64xf32>
      %swap3A = arith.constant 0 : index
      %swap3A_68 = arith.constant 0 : index
      %swap3A_69 = vector.load %arg7[%swap3A, %swap3A_68] : memref<64x64xf32, #tpu.memory_space<vmem>>, vector<64x64xf32>
      tpu.vector_store %arg7[%swap3A, %swap3A_68], %add3A_67 {strides = array<i32>} : memref<64x64xf32, #tpu.memory_space<vmem>>, vector<64x64xf32>,
    } else {
    }
    %eq3A_59 = arith.constant 15 : i32
    %eq3A_60 = arith.cmpi eq, %arg0, %eq3A_59 : i32
    %convert_element_type3A_61 = arith.extui %eq3A_60 : i1 to i32
    %cond3A_62 = arith.constant 0 : i32
    %cond3A_63 = arith.cmpi ne, %convert_element_type3A_61, %cond3A_62 : i32
    scf.if %cond3A_63 {
      %get3A_64 = arith.constant 0 : index
      %get3A_65 = arith.constant 0 : index
      %get3A_66 = vector.load %arg7[%get3A_64, %get3A_65] : memref<64x64xf32, #tpu.memory_space<vmem>>, vector<64x64xf32>
      %get3A_67 = arith.constant 0 : index
      %get3A_68 = arith.constant 0 : index
      %get3A_69 = vector.load %arg7[%get3A_67, %get3A_68] : memref<64x64xf32, #tpu.memory_space<vmem>>, vector<64x64xf32>
      %concatenate3A = tpu.concatenate %get3A_66, %get3A_69 in 1 : vector<64x64xf32>, vector<64x64xf32> -> vector<64x128xf32>
      %get3A_70 = arith.constant 0 : index
      %get3A_71 = arith.constant 0 : index
      %get3A_72 = vector.load %arg4[%get3A_70, %get3A_71] : memref<128x1xf32, #tpu.memory_space<vmem>>, vector<128x1xf32>
      %dot_general3A_73 = arith.constant dense<0.000000e+00> : vector<64x1xf32>
      %dot_general3A_74 = tpu.matmul %concatenate3A, %get3A_72, %dot_general3A_73 {dimension_numbers = #tpu.dot_dimension_numbers<[1], [0], [0], [1], [0, 0, 1, 1], [], []>, transpose_lhs_hint = false} : vector<64x128xf32>, vector<128x1xf32>, vector<64x1xf32> -> vector<64x1xf32>
      %get3A_75 = arith.constant 0 : index
      %get3A_76 = arith.constant 0 : index
      %get3A_77 = vector.load %arg5[%get3A_75, %get3A_76] : memref<1x1xf32, #tpu.memory_space<vmem>>, vector<1x1xf32>
      %add3A_78 = vector.broadcast %get3A_77 : vector<1x1xf32> to vector<64x1xf32>
      %add3A_79 = arith.addf %dot_general3A_74, %add3A_78 : vector<64x1xf32>
      %swap3A = arith.constant 0 : index
      %swap3A_80 = arith.constant 0 : index
      %swap3A_81 = vector.load %arg6[%swap3A, %swap3A_80] : memref<64x1xf32, #tpu.memory_space<vmem>>, vector<64x1xf32>
      tpu.vector_store %arg6[%swap3A, %swap3A_80], %add3A_79 {strides = array<i32>} : memref<64x1xf32, #tpu.memory_space<vmem>>, vector<64x1xf32>,
    } else {
    }
    return
  }
  func.func @transform_0(%arg0: i32) -> (i32, i32, i32) {
    %c0_i32 = arith.constant 0 : i32
    %c0_i32_0 = arith.constant 0 : i32
    %c0_i32_1 = arith.constant 0 : i32
    return %c0_i32, %arg0, %c0_i32_0 : i32, i32, i32
  }
  func.func @transform_1(%arg0: i32) -> (i32, i32) {
    %c0_i32 = arith.constant 0 : i32
    %c0_i32_0 = arith.constant 0 : i32
    %c0_i32_1 = arith.constant 0 : i32
    return %c0_i32, %c0_i32_0 : i32, i32
  }
  func.func @transform_2(%arg0: i32) -> (i32, i32) {
    %c0_i32 = arith.constant 0 : i32
    %c0_i32_0 = arith.constant 0 : i32
    return %arg0, %c0_i32 : i32, i32
  }
  func.func @transform_3(%arg0: i32) -> (i32, i32) {
    %c0_i32 = arith.constant 0 : i32
    %c0_i32_0 = arith.constant 0 : i32
    %c0_i32_1 = arith.constant 0 : i32
    return %c0_i32, %c0_i32_0 : i32, i32
  }
  func.func @transform_4(%arg0: i32) -> (i32, i32) {
    %c0_i32 = arith.constant 0 : i32
    %c0_i32_0 = arith.constant 0 : i32
    %c0_i32_1 = arith.constant 0 : i32
    return %c0_i32, %c0_i32_0 : i32, i32
  }
  func.func @transform_5(%arg0: i32) -> (i32, i32) {
    %c0_i32 = arith.constant 0 : i32
    %c0_i32_0 = arith.constant 0 : i32
    %c0_i32_1 = arith.constant 0 : i32
    return %c0_i32, %c0_i32_0 : i32, i32
  }
}

</mosaic_0001>

<sc_bundles>
// kernel: kernel.12.cloned.1.call-start
scs
__scs_entry_jumppad:
0x0: {  	(pc) =	sbr.rel $0x88, $3  }
0x1: {  	(tag) =	ssettag $0x0;
	lr =	simm.s32 $0x1  }
0x2: {  	[smem:$0x3F90] =	sst lr;
	_ =	strace $0xD0000000  }
0x3: {  	_ = 	snop  }
0x4: {  	_ = 	snop  }
0x5: {  	_ = 	snop  }
0x6: {  	_ = 	snop  }
0x7: {  	_ = 	snop  }
__scs_overlays_trampoline_lowered:
0x8: {  	[smem:$0x3F9F] =	sst s0  }
0x9: {  	[smem:$0x3FA0] =	sst s1  }
0xa: {  	[smem:$0x3FA1] =	sst s2  }
0xb: {  	[smem:$0x3FA2] =	sst s3  }
0xc: {  	[smem:$0x3FA3] =	sst s4  }
0xd: {  	[smem:$0x3FA4] =	sst s5  }
0xe: {  	[smem:$0x3FA5] =	sst s6  }
0xf: {  	[smem:$0x3FA6] =	sst s7  }
0x10: {  	[smem:$0x3FA7] =	sst s8  }
0x11: {  	[smem:$0x3FA8] =	sst s9;
	s0 =	simm.s32 @!p0 $0x0  }
0x12: {  	s1 =	sld [smem:$0x3F8E];
	s0 =	simm.s32 @p0 $0x1  }
0x13: {  	[smem:$0x3FA9] =	sst s0;
	s0 =	simm.s32 @!p1 $0x0  }
0x14: {  	s2 =	sld [smem:$0x3F8D];
	s0 =	simm.s32 @p1 $0x1  }
0x15: {  	[smem:$0x3FAA] =	sst s0;
	s0 =	simm.s32 @!p2 $0x0  }
0x16: {  	s3 =	sld [smem:$0x3FDB];
	s0 =	simm.s32 @p2 $0x1  }
0x17: {  	s4 =	simm.s32 $0x1BF5;
	[smem:$0x3FAC] =	sst s0  }
0x18: {  	s0 =	sld [smem:$0x3F8F];
	_ =	swait.ge [sflag:s4], $0x0  }
0x19: {  	s7 =	sld [smem:$0x3F90]  }
0x1a: {  	s8 =	sadd.s32 $0xFFFFE003, lr  }
0x1b: {  	s9 =	sadd.s32 $0xFFFFFEF7, lr;
	s5 =	simm.s32 $0xFFFFFFFF;
	p2 =	slt.u32 s8, $0xFFFFF086  }
0x1c: {  	p1 =	slt.u32 s9, $0xF7A;
	s5 =	simm.s32 @!p2 $0x0  }
0x1d: {  	s5 =	simm.s32 @p1 $0x1;
	p0 =	seq.s32 s7, s2  }
0x1e: {  	s7 =	smul.u32 @!p0 $0xF7A, s2;
	p2 =	seq.s32 @!p0 s5, $0x0  }
0x1f: {  	s9 =	smul.u32 $0xF7A, s1;
	s8 =	simm.s32 @!p0 $0x1BF5;
	p2 =	por !p2, p0  }
0x20: {  	[sflag:s8] =	ssyncset.s32 @!p0 $0xFFFFF086;
	s6 =	sadd.s32 @!p0 s3, s7;
	s7 =	simm.s32 @!p0 $0x108  }
0x21: {  	s3 =	sadd.s32 s3, s9;
	s6 =	sadd.s32 @!p0 $0x88, s6;
	s7 =	simm.s32 @p2 $0x1082  }
0x22: {  	[simem:s7], [sflag:s8] =	dma.local @!p0 [hbm:s6], $0xF7A  }
0x23: {  	s9 =	sor.u32 $0xD0000000, s2;
	s6 =	simm.s32 $0x108;
	_ =	swait.ge @!p0 [sflag:s8], $0x0  }
0x24: {  	s3 =	sadd.s32 $0x88, s3;
	s6 =	simm.s32 @!p1 $0x1082;
	[sflag:s4] =	ssyncset.s32 $0xFFFFF086  }
0x25: {  	[simem:s6], [sflag:s4] =	dma.local [hbm:s3], $0xF7A  }
0x26: {  	[smem:$0x3F90] =	sst s1;
	(tag) =	ssettag s2;
	_ =	strace s9  }
0x27: {  	s1 =	sld [smem:$0x3FA0]  }
0x28: {  	s2 =	sld [smem:$0x3FA1]  }
0x29: {  	s4 =	sld [smem:$0x3FA3]  }
0x2a: {  	p0 =	seq.s32 s5, $0x0;
	s5 =	sld [smem:$0x3FA4]  }
0x2b: {  	s6 =	sld [smem:$0x3FA5]  }
0x2c: {  	s7 =	sld [smem:$0x3FA6]  }
0x2d: {  	s3 =	simm.s32 $0x108;
	s8 =	sld [smem:$0x3FA7]  }
0x2e: {  	s3 =	simm.s32 @!p0 $0x1082;
	s9 =	sld [smem:$0x3FA8]  }
0x2f: {  	lr =	sadd.s32 s0, s3;
	s0 =	sld [smem:$0x3F9F]  }
0x30: {  	s3 =	sld [smem:$0x3FA2]  }
0x31: {  	[smem:$0x3FAB] =	sst s10  }
0x32: {  	s10 =	sld [smem:$0x3FA9];
	_ =	sdelay $0x3  }
0x33: {  	p0 =	seq.s32 s10, $0x1;
	s10 =	sld [smem:$0x3FAB];
	_ =	sdelay $0x3  }
0x34: {  	[smem:$0x3FAB] =	sst s10  }
0x35: {  	s10 =	sld [smem:$0x3FAA];
	_ =	sdelay $0x3  }
0x36: {  	p1 =	seq.s32 s10, $0x1;
	s10 =	sld [smem:$0x3FAB];
	_ =	sdelay $0x3  }
0x37: {  	[smem:$0x3FAB] =	sst s10  }
0x38: {  	s10 =	sld [smem:$0x3FAC]  }
0x39: {  	_ = 	snop;
	(pc) =	sbr.ind lr, $3  }
0x3a: {  	_ = 	snop  }
0x3b: {  	_ = 	snop  }
0x3c: {  	p2 =	seq.s32 s10, $0x1;
	s10 =	sld [smem:$0x3FAB]  }
0x3d: {  	_ =	shalt  }
0x3e: {  	_ =	shalt  }
0x3f: {  	_ =	shalt  }
0x40: {  	_ =	shalt  }
0x41: {  	_ =	shalt  }
0x42: {  	_ =	shalt  }
0x43: {  	_ =	shalt  }
0x44: {  	_ =	shalt  }
0x45: {  	_ =	shalt  }
0x46: {  	_ =	shalt  }
0x47: {  	_ =	shalt  }
0x48: {  	_ =	shalt  }
0x49: {  	_ =	shalt  }
0x4a: {  	_ =	shalt  }
0x4b: {  	_ =	shalt  }
0x4c: {  	_ =	shalt  }
0x4d: {  	_ =	shalt  }
0x4e: {  	_ =	shalt  }
0x4f: {  	_ =	shalt  }
0x50: {  	_ =	shalt  }
0x51: {  	_ =	shalt  }
0x52: {  	_ =	shalt  }
0x53: {  	_ =	shalt  }
0x54: {  	_ =	shalt  }
0x55: {  	_ =	shalt  }
0x56: {  	_ =	shalt  }
0x57: {  	_ =	shalt  }
0x58: {  	_ =	shalt  }
0x59: {  	_ =	shalt  }
0x5a: {  	_ =	shalt  }
0x5b: {  	_ =	shalt  }
0x5c: {  	_ =	shalt  }
0x5d: {  	_ =	shalt  }
0x5e: {  	_ =	shalt  }
0x5f: {  	_ =	shalt  }
0x60: {  	_ =	shalt  }
0x61: {  	_ =	shalt  }
0x62: {  	_ =	shalt  }
0x63: {  	_ =	shalt  }
0x64: {  	_ =	shalt  }
0x65: {  	_ =	shalt  }
0x66: {  	_ =	shalt  }
0x67: {  	_ =	shalt  }
0x68: {  	_ =	shalt  }
0x69: {  	_ =	shalt  }
0x6a: {  	_ =	shalt  }
0x6b: {  	_ =	shalt  }
0x6c: {  	_ =	shalt  }
0x6d: {  	_ =	shalt  }
0x6e: {  	_ =	shalt  }
0x6f: {  	_ =	shalt  }
0x70: {  	_ =	shalt  }
0x71: {  	_ =	shalt  }
0x72: {  	_ =	shalt  }
0x73: {  	_ =	shalt  }
0x74: {  	_ =	shalt  }
0x75: {  	_ =	shalt  }
0x76: {  	_ =	shalt  }
0x77: {  	_ =	shalt  }
0x78: {  	_ =	shalt  }
0x79: {  	_ =	shalt  }
0x7a: {  	_ =	shalt  }
0x7b: {  	_ =	shalt  }
0x7c: {  	_ =	shalt  }
0x7d: {  	_ =	shalt  }
0x7e: {  	_ =	shalt  }
0x7f: {  	_ =	shalt  }
0x80: {  	_ =	shalt  }
0x81: {  	_ =	shalt  }
0x82: {  	_ =	shalt  }
0x83: {  	_ =	shalt  }
0x84: {  	_ =	shalt  }
0x85: {  	_ =	shalt  }
0x86: {  	_ =	shalt  }
0x87: {  	_ =	shalt  }
.Lfunc_end0:
.L_simem_size_0:
called_computation.1_lowered:
.L_overlay_start_0:
0x88: {  	s2 =	sld [smem:$0x3FD9]  }
0x89: {  	s3 =	sld [smem:$0x3FFE];
	_ =	sdelay $0x1  }
0x8a: {  	s1 =	srdreg.scid  }
0x8b: {  	s0 =	sand.u32 $0x1, s1  }
0x8c: {  	s16 =	sshll.u32 s0, $0xA;
	s2 =	sadd.s32 s3, s2  }
0x8d: {  	s2 =	sadd.s32 s2, s16  }
0x8e: {  	[smem:$0x3FB7] =	sst s2  }
0x8f: {  	_ = 	snop  }
0x90: {  	(tm) =	ssettm $0x1  }
0x91: {  	s17 =	sld [smem:$0x3FFB];
	_ =	sdelay $0x3  }
0x92: {  	_ =	strace s17  }
0x93: {  	s2 =	sld [smem:$0x3FFC];
	_ =	sdelay $0x3  }
0x94: {  	_ =	strace s2  }
0x95: {  	s2 =	sld [smem:$0x3FFD];
	_ =	sdelay $0x3  }
0x96: {  	_ =	strace s2  }
0x97: {  	_ =	strace $0x8FFFFFFF  }
0x98: {  	s18 =	sld [smem:$0x3FDB];
	_ =	sdelay $0x1  }
0x99: {  	s19 =	simm.s32 $_scs_section_size  }
0x9a: {  	s4 =	simm.s32 $_size__tile_overlayer_lowered;
	s5 =	simm.s32 $_tile_overlayer_lowered  }
0x9b: {  	s22 =	simm.s32 $0x1BFF;
	s21 =	sshll.u32 s5, $0x1;
	s2 =	sadd.s32 s19, s18  }
0x9c: {  	s6 =	simm.s32 $0x0;
	s20 =	sshll.u32 s4, $0x1;
	s4 =	sadd.s32 s21, s2  }
0x9d: {  	[timem:s6], [sflag:s22] =	dma.local [hbm:s4], s20  }
0x9e: {  	_ =	swait.ge [sflag:s22], s20  }
0x9f: {  	s3 =	ssub.s32 $0x0, s20;
	[sflag:s22] =	ssyncset.done $0x0  }
0xa0: {  	[sflag:s22] =	ssyncadd.s32 s3;
	_ =	sdelay $0x1  }
0xa1: {  	s23 =	simm.s32 $0x1B8B  }
0xa2: {  	_ =	swait.ge [sflag:s23], $0x1  }
0xa3: {  	[sflag:s23] =	ssyncset.done $0x0  }
0xa4: {  	s25 =	simm.s32 $0x1B8E;
	s24 =	sld [smem:$0x3FFE];
	[sflag:s23] =	ssyncadd.s32 $0xFFFFFFFF  }
0xa5: {  	s26 =	simm.s32 $execute0_lowered;
	[smem:$0x3FD2] =	sst s25  }
0xa6: {  	s4 =	sshll.u32 s26, $0x1;
	_ =	strace $0x80000049;
	[dreg:$0x1] =	wrdreg $0xFFFFFFFF  }
0xa7: {  	s28 =	simm.s32 $_size_execute0_lowered;
	s2 =	sadd.s32 s2, s4;
	[dreg:$0x0] =	wrdreg $0x0  }
0xa8: {  	s4 =	sshll.u32 s28, $0x1;
	[dreg:$0x2] =	wrdreg s2  }
0xa9: {  	[dreg:$0x3] =	wrdreg s4  }
0xaa: {  	[dreg:$0x4] =	wrdreg $0xC0  }
0xab: {  	_ =	task [dreg:s6], $0x5FFFF  }
0xac: {  	[dreg:$0x1] =	wrdreg $0xFFFFFFFF  }
0xad: {  	[dreg:$0x0] =	wrdreg $0x60  }
0xae: {  	[dreg:$0x2] =	wrdreg s24  }
0xaf: {  	[dreg:$0x3] =	wrdreg $0xE8900  }
0xb0: {  	[dreg:$0x4] =	wrdreg $0x9  }
0xb1: {  	_ =	task.clear_ibuf [dreg:s6], $0x5FFFF;
	_ =	strace $0x90000049  }
0xb2: {  	s29 =	simm.s32 $0x9;
	_ =	strace $0x8000004B  }
0xb3: {  	_ =	swait.ge [sflag:s29], $0x1  }
0xb4: {  	[sflag:s29] =	ssyncadd.s32 $0xFFFFFFFF  }
0xb5: {  	_ =	strace $0x9000004B  }
0xb6: {  	_ =	sfence  }
0xb7: {  	s30 =	sld [smem:$0x0];
	_ =	sdelay $0x2  }
0xb8: {  	s31 =	sshll.u32 s1, $0xD;
	s1 =	sshrl.u32 s1, $0x2  }
0xb9: {  	s3 =	sand.u32 $0x4000, s31;
	s1 =	sadd.s32 s1, s30  }
0xba: {  	s0 =	sor.u32 s3, s0;
	s1 =	sshll.u32 s1, $0x11  }
0xbb: {  	s0 =	sor.u32 s1, s0  }
0xbc: {  	s0 =	sadd.s32 $0x8F2B, s0  }
0xbd: {  	[sflag:s0] =	ssyncadd.remote.s32 $0x1  }
0xbe: {  	_ =	sfence.sel $0xFFFF  }
0xbf: {  	[dreg:$0x0] =	wrdreg $0xFFFFFFFF;
	(pc) =	sbr.abs _section_cstart, $3  }
0xc0: {  	[dreg:$0x1] =	wrdreg $0xFFFFFFFF  }
0xc1: {  	_ =	task.clear_ibuf [dreg:s6], $0x2FFFF;
	_ =	strace $0x9FFFFFFF  }
0xc2: {  	(tm) =	ssettm $0x7FFFFFFF  }
0xc3: {  	_ =	shalt  }
tec
execute0_lowered:
.L_overlay_start_1:
0x0: {  	(tag) =	ssettag $0x1  }
0x1: {  	s0 =	rddreg [dreg:$0x0]  }
0x2: {  	s2 =	rddreg [dreg:$0x1];
	s3 =	simm.s32 $0x0;
	s1 =	srdreg.scid  }
0x3: {  	s10 =	stileid.u32;
	v0 =	vimm.s32 $0x76543210;
	s16 =	simm.s32 $0x3;
	s18 =	simm.s32 $0x5000  }
0x4: {  	v1 =	vimm.s32 $0xFEDCBA98;
	s19 =	simm.s32 $0x7800;
	s20 =	simm.s32 $0xC080;
	s21 =	simm.s32 $0xE880  }
0x5: {  	v2 =	vimm.s32 $0xBA98FEDC;
	v3 =	vimm.s32 $0x32107654;
	s22 =	simm.s32 $0x80;
	s23 =	simm.s32 $0xA080;
	s24 =	simm.s32 $0x1  }
0x6: {  	v4 =	vimm.s32 $0xDCFE98BA;
	v5 =	vimm.s32 $0x54761032;
	s25 =	simm.s32 $0xA000;
	s26 =	simm.s32 $0x2;
	s28 =	simm.s32 $0x0  }
0x7: {  	v6 =	vimm.s32 $0xEFCDAB89;
	v7 =	vimm.s32 $0x67452301;
	s29 =	simm.s32 $0x0;
	[smem:$0x7FF] =	sst s3;
	s1 =	sand.u32 $0x1, s1  }
0x8: {  	s9 =	smul.u32 $0xC800, s10;
	s4 =	sadd.s32 $0x28600, s0;
	v0 =	vunpack.c.l.s4.s8 v0;
	v1 =	vunpack.c.l.s4.s8 v1;
	v2 =	vunpack.c.l.s4.s8 v2;
	_ =	strace $0x8000004A  }
0x9: {  	v3 =	vunpack.c.l.s4.s8 v3;
	v4 =	vunpack.c.l.s4.s8 v4;
	v5 =	vunpack.c.l.s4.s8 v5;
	s6 =	smul.u32 $0xC8000, s1;
	s5 =	sshll.u32 s1, $0x4;
	s1 =	ssub.s32 $0x2, s1  }
0xa: {  	v6 =	vunpack.c.l.s4.s8 v6;
	v7 =	vunpack.c.l.s4.s8 v7;
	s7 =	sor.u32 s10, s5;
	s5 =	sadd.s32 $0x28000, s0;
	s10 =	smul.u32 $0x32000, s10;
	v2 =	vunpack.c.0.s8.s32 v2  }
0xb: {  	s30 =	sshrl.u32 s1, $0x1;
	v3 =	vunpack.c.0.s8.s32 v3;
	v4 =	vunpack.c.0.s8.s32 v4;
	v5 =	vunpack.c.0.s8.s32 v5;
	s6 =	sadd.s32 s9, s6;
	s7 =	smul.u32 $0x500, s7  }
0xc: {  	v1 =	vunpack.c.0.s8.s32 v1;
	v6 =	vunpack.c.0.s8.s32 v6;
	v7 =	vunpack.c.0.s8.s32 v7;
	s1 =	ssub.s32 s1, s30;
	s9 =	sadd.s32 s9, s2;
	s8 =	sshrl.u32 s6, $0x3  }
0xd: {  	s6 =	sadd.s32 $0x14000, s0;
	s31 =	sshrl.u32 s10, $0x2;
	s15 =	smax.u32 s1, $0x1;
	v2 =	vcombine.low v3, v2;
	v3 =	vcombine.low v5, v4;
	v4 =	vunpack.c.0.s8.s32 v0  }
0xe: {  	vm0 =	vcmask $0x300;
	v5 =	vcombine.low v7, v6;
	v1 =	vand.u32 $0xF, v1;
	s14 =	sadd.s32 s8, s0;
	s7 =	sadd.s32 s0, s7;
	s0 =	sadd.s32 s31, s2  }
0xf: {  	v0 =	vimm.f32 $0.0e+00;
	s8 =	sadd.s32 $0xA000, s7;
	s10 =	sadd.s32 $0x2800, s0;
	s11 =	sadd.s32 $0x5000, s0;
	v1 =	vcombine.low v1, v4;
	v2 =	vand.u32 $0xF, v2  }
0x10: {  	s12 =	sadd.s32 $0x7800, s0;
	s13 =	sadd.s32 $0xA000, s0;
	s14 =	sadd.s32 $0x28C00, s14;
	v3 =	vand.u32 $0xF, v3;
	v4 =	vand.u32 $0xF, v5;
	v5 =	vsel vm0, $0x3F800000, v0  }
.LBB2_1:
0x11: {  	[tilespmem:s3], [sflag:$0x3] =	stream.linear.gather [hbm4b:s8+s3], $0x2800, $0x38;
	[tilespmem:$0x1B090] =	vst v63  }
0x12: {  	_ =	swait.ge [sflag:s16], $0x2800  }
0x13: {  	[sflag:s16] =	ssyncset.done $0x0  }
0x14: {  	s0 =	simm.s32 $0x2800;
	[sflag:s16] =	ssyncadd.s32 $0xFFFFD800  }
0x15: {  	[tilespmem:s0], [sflag:$0x3] =	stream.linear.gather [hbm4b:s7+s3], $0x2800, $0x38;
	[tilespmem:$0x1B090] =	vst v63  }
0x16: {  	_ =	swait.ge [sflag:s16], $0x2800  }
0x17: {  	[sflag:s16] =	ssyncset.done $0x0  }
0x18: {  	[sflag:s16] =	ssyncadd.s32 $0xFFFFD800  }
0x19: {  	[tilespmem:s18], [sflag:$0x3] =	stream.linear.gather [hbm4b:s4+s3], $0x2800, $0x38;
	[tilespmem:$0x1B090] =	vst v63  }
0x1a: {  	_ =	swait.ge [sflag:s16], $0x2800  }
0x1b: {  	[sflag:s16] =	ssyncset.done $0x0  }
0x1c: {  	[sflag:s16] =	ssyncadd.s32 $0xFFFFD800  }
0x1d: {  	[tilespmem:s19], [sflag:$0x3] =	stream.linear.gather [hbm4b:s5+s3], $0x2800, $0x38;
	[tilespmem:$0x1B090] =	vst v63  }
0x1e: {  	_ =	swait.ge [sflag:s16], $0x2800  }
0x1f: {  	[sflag:s16] =	ssyncset.done $0x0  }
0x20: {  	s1 =	simm.s32 $0x140;
	s0 =	simm.s32 $0x0;
	[sflag:s16] =	ssyncadd.s32 $0xFFFFD800  }
.LBB2_2:
0x21: {  	p0 =	sne.s32 s1, $0x9EC0;
	[tilespmem:s0+$0xC0C0] =	vst v0;
	s17 =	smov.u32 s1;
	s1 =	sadd.s32 $0x140, s1  }
.Ltmp0:
0x22: {  	[tilespmem:s0+$0xC0B0] =	vst v0;
	(pc) =	sbr.rel @p0 .LBB2_2-.Ltmp0, $4  }
0x23: {  	[tilespmem:s0+$0xC0A0] =	vst v0  }
0x24: {  	[tilespmem:s0+$0xC080] =	vst v0  }
0x25: {  	[tilespmem:s0+$0xC090] =	vst v0  }
0x26: {  	s0 =	sshra.s32 s17, $0x2  }
0x27: {  	[tilespmem:s0+$0xC0C0] =	vst v0  }
0x28: {  	[tilespmem:s0+$0xC0B0] =	vst v0  }
0x29: {  	[tilespmem:s0+$0xC0A0] =	vst v0  }
0x2a: {  	[tilespmem:s0+$0xC080] =	vst v0  }
0x2b: {  	[tilespmem:s0+$0xC090] =	vst v0  }
0x2c: {  	[spmem:s9] =	stream.linear.scatter [tilespmem:s20], [sflag:$0x3], $0x2800, $0x38;
	[tilespmem:$0x1B090] =	vst v63  }
0x2d: {  	_ =	swait.ge [sflag:s16], $0x2800  }
0x2e: {  	[sflag:s16] =	ssyncset.done $0x0  }
0x2f: {  	[sflag:s16] =	ssyncadd.s32 $0xFFFFD800  }
0x30: {  	[spmem:s10] =	stream.linear.scatter [tilespmem:s20], [sflag:$0x3], $0x2800, $0x38;
	[tilespmem:$0x1B090] =	vst v63  }
0x31: {  	_ =	swait.ge [sflag:s16], $0x2800  }
0x32: {  	[sflag:s16] =	ssyncset.done $0x0  }
0x33: {  	[sflag:s16] =	ssyncadd.s32 $0xFFFFD800  }
0x34: {  	[spmem:s11] =	stream.linear.scatter [tilespmem:s20], [sflag:$0x3], $0x2800, $0x38;
	[tilespmem:$0x1B090] =	vst v63  }
0x35: {  	_ =	swait.ge [sflag:s16], $0x2800  }
0x36: {  	[sflag:s16] =	ssyncset.done $0x0  }
0x37: {  	[sflag:s16] =	ssyncadd.s32 $0xFFFFD800  }
0x38: {  	[spmem:s12] =	stream.linear.scatter [tilespmem:s20], [sflag:$0x3], $0x2800, $0x38;
	[tilespmem:$0x1B090] =	vst v63  }
0x39: {  	_ =	swait.ge [sflag:s16], $0x2800  }
0x3a: {  	[sflag:s16] =	ssyncset.done $0x0  }
0x3b: {  	[sflag:s16] =	ssyncadd.s32 $0xFFFFD800  }
0x3c: {  	[spmem:s13] =	stream.linear.scatter [tilespmem:s20], [sflag:$0x3], $0x2800, $0x38;
	[tilespmem:$0x1B090] =	vst v63  }
0x3d: {  	_ =	swait.ge [sflag:s16], $0x2800  }
0x3e: {  	[sflag:s16] =	ssyncset.done $0x0  }
0x3f: {  	s1 =	simm.s32 $0x0;
	[sflag:s16] =	ssyncadd.s32 $0xFFFFD800  }
0x40: {  	v7 =	vld [tilespmem:s1+$0x7800]  }
0x41: {  	v6 =	vimm.f32 $-3.000000010e+38;
	s0 =	simm.s32 $0x40;
	v8 =	vimm.f32 $-3.000000010e+38;
	v9 =	vld [tilespmem:s1+$0x5000]  }
.LBB2_4:
0x42: {  	p0 =	sne.s32 s0, $0x9FC0  }
.Ltmp1:
0x43: {  	_ = 	snop;
	(pc) =	sbr.rel @p0 .LBB2_4-.Ltmp1, $4  }
0x44: {  	_ = 	snop  }
0x45: {  	s1 =	sshra.s32 s0, $0x2;
	s0 =	sadd.s32 $0x40, s0;
	v6 =	vmax.f32 v6, v7  }
0x46: {  	v7 =	vld [tilespmem:s1+$0x7800];
	v8 =	vmax.f32 v8, v9  }
0x47: {  	v9 =	vld [tilespmem:s1+$0x5000]  }
0x48: {  	_ =	sdelay $0x3  }
0x49: {  	v8 =	vmax.f32 v8, v9  }
0x4a: {  	[tilespmem:$0xE880] =	vst v8  }
0x4b: {  	v57 =	vld.idx.msk [tilespmem:v1+s21+$0x0], $0xffff;
	_ =	sdelay $0x4  }
0x4c: {  	v8 =	vmax.f32 v8, v57  }
0x4d: {  	[tilespmem:$0xE880] =	vst v8  }
0x4e: {  	v58 =	vld.idx.msk [tilespmem:v2+s21+$0x0], $0xffff;
	_ =	sdelay $0x4  }
0x4f: {  	v8 =	vmax.f32 v8, v58  }
0x50: {  	[tilespmem:$0xE880] =	vst v8  }
0x51: {  	v59 =	vld.idx.msk [tilespmem:v3+s21+$0x0], $0xffff;
	_ =	sdelay $0x4  }
0x52: {  	v8 =	vmax.f32 v8, v59  }
0x53: {  	v6 =	vmax.f32 v6, v7;
	[tilespmem:$0xE880] =	vst v8  }
0x54: {  	v7 =	vld.idx.msk [tilespmem:v4+s21+$0x0], $0xffff;
	[tilespmem:$0xE880] =	vst v6  }
0x55: {  	v60 =	vld.idx.msk [tilespmem:v1+s21+$0x0], $0xffff;
	_ =	sdelay $0x4  }
0x56: {  	v6 =	vmax.f32 v6, v60  }
0x57: {  	[tilespmem:$0xE880] =	vst v6  }
0x58: {  	v61 =	vld.idx.msk [tilespmem:v2+s21+$0x0], $0xffff;
	_ =	sdelay $0x4  }
0x59: {  	v6 =	vmax.f32 v6, v61  }
0x5a: {  	[tilespmem:$0xE880] =	vst v6  }
0x5b: {  	v62 =	vld.idx.msk [tilespmem:v3+s21+$0x0], $0xffff;
	_ =	sdelay $0x4  }
0x5c: {  	v6 =	vmax.f32 v6, v62  }
0x5d: {  	[tilespmem:$0xE880] =	vst v6  }
0x5e: {  	v63 =	vld.idx.msk [tilespmem:v4+s21+$0x0], $0xffff;
	_ =	sdelay $0x4  }
0x5f: {  	v7 =	vmax.f32 v8, v7;
	v6 =	vmax.f32 v6, v63  }
0x60: {  	v6 =	vadd.f32 v6, v7;
	_ =	sdelay $0x1  }
0x61: {  	s30 =	simm.s32 $0x0;
	[bflag:$0x0] =	sbarrier.arrive $0xFFFF;
	v6 =	vmax.f32 v6, $0.0e+00  }
.LBB2_6:
0x62: {  	s31 =	sshll.u32 s30, $0x7  }
0x63: {  	[tilespmem:s23], [sflag:$0x1] =	stream.indirect.gather [hbm4b:s6+s22], $0x40, s31, s22, $0xb8;
	[tilespmem:$0x1B090] =	vst v63  }
0x64: {  	v7 =	vld [tilespmem:s31+$0x0]  }
0x65: {  	v8 =	vld [tilespmem:s31+$0x2800];
	_ =	sdelay $0x6  }
0x66: {  	v7 =	vld.idx.msk [tilespmem:v7+s18+$0x0], $0xffff  }
0x67: {  	v8 =	vld.idx.msk [tilespmem:v8+s19+$0x0], $0xffff;
	_ =	sdelay $0x4  }
0x68: {  	v7 =	vadd.f32 v8, v7;
	_ =	sdelay $0x1  }
0x69: {  	v8 =	vmul.f32 $2.000000030e-01, v7  }
0x6a: {  	vm0 =	vgt.f32 v7, $0.0e+00  }
0x6b: {  	v7 =	vsel vm0, v7, v8  }
0x6c: {  	v7 =	vsub.f32 v7, v6;
	_ =	sdelay $0x1  }
0x6d: {  	v7 =	vmul.f32 $1.442695020e+00, v7;
	_ =	sdelay $0x1  }
0x6e: {  	(erf) = vpow2.f32 v7;
	_ =	sdelay $0x8  }
0x6f: {  	v7 =	vpop (erf)  }
0x70: {  	[tilespmem:$0xA000] =	vst v7  }
0x71: {  	v7 =	vld [tilespmem:s31+$0x10]  }
0x72: {  	v8 =	vld [tilespmem:s31+$0x2810];
	_ =	sdelay $0x6  }
0x73: {  	v7 =	vld.idx.msk [tilespmem:v7+s18+$0x0], $0xffff  }
0x74: {  	v8 =	vld.idx.msk [tilespmem:v8+s19+$0x0], $0xffff;
	_ =	sdelay $0x4  }
0x75: {  	v7 =	vadd.f32 v8, v7;
	_ =	sdelay $0x1  }
0x76: {  	v8 =	vmul.f32 $2.000000030e-01, v7  }
0x77: {  	vm9 =	vgt.f32 v7, $0.0e+00  }
0x78: {  	v7 =	vsel vm9, v7, v8  }
0x79: {  	v7 =	vsub.f32 v7, v6;
	_ =	sdelay $0x1  }
0x7a: {  	v7 =	vmul.f32 $1.442695020e+00, v7;
	_ =	sdelay $0x1  }
0x7b: {  	(erf) = vpow2.f32 v7;
	_ =	sdelay $0x8  }
0x7c: {  	v7 =	vpop (erf)  }
0x7d: {  	[tilespmem:$0xA010] =	vst v7  }
0x7e: {  	v7 =	vld [tilespmem:s31+$0x20]  }
0x7f: {  	v8 =	vld [tilespmem:s31+$0x2820];
	_ =	sdelay $0x6  }
0x80: {  	v7 =	vld.idx.msk [tilespmem:v7+s18+$0x0], $0xffff  }
0x81: {  	v8 =	vld.idx.msk [tilespmem:v8+s19+$0x0], $0xffff;
	_ =	sdelay $0x4  }
0x82: {  	v7 =	vadd.f32 v8, v7;
	_ =	sdelay $0x1  }
0x83: {  	v8 =	vmul.f32 $2.000000030e-01, v7  }
0x84: {  	vm10 =	vgt.f32 v7, $0.0e+00  }
0x85: {  	v7 =	vsel vm10, v7, v8  }
0x86: {  	v7 =	vsub.f32 v7, v6;
	_ =	sdelay $0x1  }
0x87: {  	v7 =	vmul.f32 $1.442695020e+00, v7;
	_ =	sdelay $0x1  }
0x88: {  	(erf) = vpow2.f32 v7;
	_ =	sdelay $0x8  }
0x89: {  	v7 =	vpop (erf)  }
0x8a: {  	[tilespmem:$0xA020] =	vst v7  }
0x8b: {  	v7 =	vld [tilespmem:s31+$0x30]  }
0x8c: {  	v8 =	vld [tilespmem:s31+$0x2830];
	_ =	sdelay $0x6  }
0x8d: {  	v7 =	vld.idx.msk [tilespmem:v7+s18+$0x0], $0xffff  }
0x8e: {  	v8 =	vld.idx.msk [tilespmem:v8+s19+$0x0], $0xffff;
	_ =	sdelay $0x4  }
0x8f: {  	v7 =	vadd.f32 v8, v7;
	_ =	sdelay $0x1  }
0x90: {  	v8 =	vmul.f32 $2.000000030e-01, v7  }
0x91: {  	vm11 =	vgt.f32 v7, $0.0e+00  }
0x92: {  	v7 =	vsel vm11, v7, v8  }
0x93: {  	v7 =	vsub.f32 v7, v6;
	_ =	sdelay $0x1  }
0x94: {  	v7 =	vmul.f32 $1.442695020e+00, v7;
	_ =	sdelay $0x1  }
0x95: {  	(erf) = vpow2.f32 v7;
	_ =	sdelay $0x8  }
0x96: {  	v7 =	vpop (erf)  }
0x97: {  	[tilespmem:$0xA030] =	vst v7  }
0x98: {  	v7 =	vld [tilespmem:s31+$0x40]  }
0x99: {  	v8 =	vld [tilespmem:s31+$0x2840];
	_ =	sdelay $0x6  }
0x9a: {  	v7 =	vld.idx.msk [tilespmem:v7+s18+$0x0], $0xffff  }
0x9b: {  	v8 =	vld.idx.msk [tilespmem:v8+s19+$0x0], $0xffff;
	_ =	sdelay $0x4  }
0x9c: {  	v7 =	vadd.f32 v8, v7;
	_ =	sdelay $0x1  }
0x9d: {  	v8 =	vmul.f32 $2.000000030e-01, v7  }
0x9e: {  	vm12 =	vgt.f32 v7, $0.0e+00  }
0x9f: {  	v7 =	vsel vm12, v7, v8  }
0xa0: {  	v7 =	vsub.f32 v7, v6;
	_ =	sdelay $0x1  }
0xa1: {  	v7 =	vmul.f32 $1.442695020e+00, v7;
	_ =	sdelay $0x1  }
0xa2: {  	(erf) = vpow2.f32 v7;
	_ =	sdelay $0x8  }
0xa3: {  	v7 =	vpop (erf)  }
0xa4: {  	[tilespmem:$0xA040] =	vst v7  }
0xa5: {  	v7 =	vld [tilespmem:s31+$0x50]  }
0xa6: {  	v8 =	vld [tilespmem:s31+$0x2850];
	_ =	sdelay $0x6  }
0xa7: {  	v7 =	vld.idx.msk [tilespmem:v7+s18+$0x0], $0xffff  }
0xa8: {  	v8 =	vld.idx.msk [tilespmem:v8+s19+$0x0], $0xffff;
	_ =	sdelay $0x4  }
0xa9: {  	v7 =	vadd.f32 v8, v7;
	_ =	sdelay $0x1  }
0xaa: {  	v8 =	vmul.f32 $2.000000030e-01, v7  }
0xab: {  	vm13 =	vgt.f32 v7, $0.0e+00  }
0xac: {  	v7 =	vsel vm13, v7, v8  }
0xad: {  	v7 =	vsub.f32 v7, v6;
	_ =	sdelay $0x1  }
0xae: {  	v7 =	vmul.f32 $1.442695020e+00, v7;
	_ =	sdelay $0x1  }
0xaf: {  	(erf) = vpow2.f32 v7;
	_ =	sdelay $0x8  }
0xb0: {  	v7 =	vpop (erf)  }
0xb1: {  	[tilespmem:$0xA050] =	vst v7  }
0xb2: {  	v7 =	vld [tilespmem:s31+$0x60]  }
0xb3: {  	v8 =	vld [tilespmem:s31+$0x2860];
	_ =	sdelay $0x6  }
0xb4: {  	v7 =	vld.idx.msk [tilespmem:v7+s18+$0x0], $0xffff  }
0xb5: {  	v8 =	vld.idx.msk [tilespmem:v8+s19+$0x0], $0xffff;
	_ =	sdelay $0x4  }
0xb6: {  	v7 =	vadd.f32 v8, v7;
	_ =	sdelay $0x1  }
0xb7: {  	v8 =	vmul.f32 $2.000000030e-01, v7  }
0xb8: {  	vm14 =	vgt.f32 v7, $0.0e+00  }
0xb9: {  	v7 =	vsel vm14, v7, v8  }
0xba: {  	v7 =	vsub.f32 v7, v6;
	_ =	sdelay $0x1  }
0xbb: {  	v7 =	vmul.f32 $1.442695020e+00, v7;
	_ =	sdelay $0x1  }
0xbc: {  	(erf) = vpow2.f32 v7;
	_ =	sdelay $0x8  }
0xbd: {  	v7 =	vpop (erf)  }
0xbe: {  	[tilespmem:$0xA060] =	vst v7  }
0xbf: {  	v7 =	vld [tilespmem:s31+$0x70]  }
0xc0: {  	v8 =	vld [tilespmem:s31+$0x2870];
	_ =	sdelay $0x6  }
0xc1: {  	v7 =	vld.idx.msk [tilespmem:v7+s18+$0x0], $0xffff  }
0xc2: {  	v8 =	vld.idx.msk [tilespmem:v8+s19+$0x0], $0xffff;
	_ =	sdelay $0x4  }
0xc3: {  	v7 =	vadd.f32 v8, v7;
	_ =	sdelay $0x1  }
0xc4: {  	v8 =	vmul.f32 $2.000000030e-01, v7  }
0xc5: {  	vm15 =	vgt.f32 v7, $0.0e+00  }
0xc6: {  	v7 =	vsel vm15, v7, v8  }
0xc7: {  	v7 =	vsub.f32 v7, v6;
	_ =	sdelay $0x1  }
0xc8: {  	v7 =	vmul.f32 $1.442695020e+00, v7;
	_ =	sdelay $0x1  }
0xc9: {  	(erf) = vpow2.f32 v7;
	_ =	sdelay $0x8  }
0xca: {  	v7 =	vpop (erf)  }
0xcb: {  	[tilespmem:$0xA070] =	vst v7  }
0xcc: {  	_ =	swait.ge [sflag:s24], $0x2000  }
0xcd: {  	p0 =	seq.s32 s30, $0x0;
	v7 =	vmov s29;
	[sflag:s24] =	ssyncset.done $0x0  }
0xce: {  	s0 =	simm.s32 @!p0 $0x2;
	[sflag:s24] =	ssyncadd.s32 $0xFFFFE000  }
0xcf: {  	_ =	swait.ge @!p0 [sflag:s0], $0x2800  }
0xd0: {  	[sflag:s0] =	ssyncset.done @!p0 $0x0  }
0xd1: {  	[sflag:s0] =	ssyncadd.s32 @!p0 $0xFFFFD800  }
0xd2: {  	s0 =	simm.s32 $0xA0A0;
	v7 =	vld.idx.msk [tilespmem:v7+s25+$0x0], $0xffff  }
0xd3: {  	v8 =	vld [tilespmem:s0+$0xFFFFFFE0];
	_ =	sdelay $0x4  }
0xd4: {  	v8 =	vmul.f32 v8, v7  }
0xd5: {  	s1 =	simm.s32 $0xC0A0  }
0xd6: {  	[tilespmem:s1+$0xFFFFFFE0] =	vst v8  }
0xd7: {  	v8 =	vld [tilespmem:s0+$0xFFFFFFF0];
	_ =	sdelay $0x4  }
0xd8: {  	v8 =	vmul.f32 v8, v7;
	_ =	sdelay $0x1  }
0xd9: {  	[tilespmem:s1+$0xFFFFFFF0] =	vst v8  }
0xda: {  	v8 =	vld [tilespmem:s0+$0x0];
	_ =	sdelay $0x4  }
0xdb: {  	v8 =	vmul.f32 v8, v7;
	_ =	sdelay $0x1  }
0xdc: {  	[tilespmem:s1+$0x0] =	vst v8  }
0xdd: {  	v8 =	vld [tilespmem:s0+$0x10]  }
0xde: {  	v9 =	vmul.f32 v5, v7  }
0xdf: {  	s17 =	simm.s32 $0x1  }
0xe0: {  	s31 =	sadd.s32 $0x2800, s31;
	[tilespmem:s1+$0x20] =	vst v9;
	v9 =	vmov s17;
	s17 =	simm.s32 $0x2  }
.LBB2_7:
0xe1: {  	p0 =	sne.s32 s17, $0x7F  }
0xe2: {  	v7 =	vmul.f32 v8, v7;
	_ =	sdelay $0x1  }
0xe3: {  	[tilespmem:s1+$0x10] =	vst v7  }
0xe4: {  	s0 =	sadd.s32 $0x40, s0;
	v7 =	vld.idx.msk [tilespmem:v9+s25+$0x0], $0xffff  }
0xe5: {  	v8 =	vld [tilespmem:s0+$0xFFFFFFE0];
	_ =	sdelay $0x4  }
0xe6: {  	v9 =	vmul.f32 v5, v7;
	v8 =	vmul.f32 v8, v7  }
0xe7: {  	s1 =	sadd.s32 $0x50, s1  }
0xe8: {  	[tilespmem:s1+$0xFFFFFFE0] =	vst v8  }
0xe9: {  	v8 =	vld [tilespmem:s0+$0xFFFFFFF0];
	_ =	sdelay $0x4  }
0xea: {  	v8 =	vmul.f32 v8, v7;
	_ =	sdelay $0x1  }
0xeb: {  	[tilespmem:s1+$0xFFFFFFF0] =	vst v8  }
0xec: {  	v8 =	vld [tilespmem:s0+$0x0];
	_ =	sdelay $0x4  }
0xed: {  	v8 =	vmul.f32 v8, v7;
	_ =	sdelay $0x1  }
.Ltmp2:
0xee: {  	[tilespmem:s1+$0x0] =	vst v8;
	(pc) =	sbr.rel @p0 .LBB2_7-.Ltmp2, $2  }
0xef: {  	v8 =	vld [tilespmem:s0+$0x10];
	[tilespmem:s1+$0x20] =	vst v9;
	_ =	sdelay $0x2  }
0xf0: {  	v9 =	vmov s17;
	s17 =	sadd.s32 $0x1, s17  }
0xf1: {  	_ = 	snop  }
0xf2: {  	v7 =	vmul.f32 v8, v7;
	_ =	sdelay $0x1  }
0xf3: {  	[tilespmem:s1+$0x10] =	vst v7  }
0xf4: {  	s0 =	sadd.s32 $0x40, s0;
	v7 =	vld.idx.msk [tilespmem:v9+s25+$0x0], $0xffff  }
0xf5: {  	v8 =	vld [tilespmem:s0+$0xFFFFFFE0];
	_ =	sdelay $0x4  }
0xf6: {  	v8 =	vmul.f32 v8, v7  }
0xf7: {  	s17 =	sadd.s32 $0x50, s1  }
0xf8: {  	[tilespmem:s17+$0xFFFFFFE0] =	vst v8  }
0xf9: {  	v8 =	vld [tilespmem:s0+$0xFFFFFFF0];
	_ =	sdelay $0x4  }
0xfa: {  	v8 =	vmul.f32 v8, v7;
	_ =	sdelay $0x1  }
0xfb: {  	[tilespmem:s17+$0xFFFFFFF0] =	vst v8  }
0xfc: {  	v8 =	vld [tilespmem:s0+$0x0];
	_ =	sdelay $0x4  }
0xfd: {  	v8 =	vmul.f32 v8, v7;
	_ =	sdelay $0x1  }
0xfe: {  	[tilespmem:s17+$0x0] =	vst v8  }
0xff: {  	v8 =	vld [tilespmem:s0+$0x10];
	_ =	sdelay $0x1  }
0x100: {  	s30 =	sadd.s32 $0x1, s30  }
0x101: {  	p0 =	sne.s32 s30, $0x50  }
.Ltmp3:
0x102: {  	v9 =	vmul.f32 v5, v7;
	(pc) =	sbr.rel @p0 .LBB2_6-.Ltmp3, $4  }
0x103: {  	v7 =	vmul.f32 v8, v7  }
0x104: {  	[tilespmem:s17+$0x20] =	vst v9  }
0x105: {  	[tilespmem:s17+$0x10] =	vst v7  }
0x106: {  	[spmem:s2] =	stream.indirect.scatter.add.f32 [tilespmem:s20], [sflag:$0x2], $0x50, s31, s22, $0xb8;
	[tilespmem:$0x1B090] =	vst v63  }
0x107: {  	_ =	swait.ge [sflag:s26], $0x2800;
	s0 =	stileid.u32  }
0x108: {  	s1 =	sshrl.u32 s9, $0x3;
	s28 =	sadd.s32 $0x1, s28;
	[sflag:s26] =	ssyncset.done $0x0  }
0x109: {  	s0 =	sshll.u32 s0, $0x6;
	p0 =	sne.s32 s28, s15;
	[sflag:s26] =	ssyncadd.s32 $0xFFFFD800  }
.Ltmp4:
0x10a: {  	s0 =	sor.u32 $0x1C03, s0;
	[bflag:$0x0] =	sbarrier.arrive $0xFFFF;
	(pc) =	sbr.rel @p0 .LBB2_1-.Ltmp4, $4  }
0x10b: {  	[hbm:s14], [sflag:s0] =	dma.local [spmem:s1], $0x1900  }
0x10c: {  	_ =	swait.ge [sflag:s16], $0x1900  }
0x10d: {  	[sflag:s16] =	ssyncset.done $0x0  }
0x10e: {  	[sflag:s16] =	ssyncadd.s32 $0xFFFFE700  }
0x10f: {  	_ =	sfence.sel $0x180000  }
0x110: {  	[bflag:$0x0] =	sbarrier.arrive $0xFFFF  }
0x111: {  	_ =	strace $0x9000004A  }
0x112: {  	s0 =	stileid.u32;
	[bflag:$0x2] =	sbarrier.arrive $0xFFFF  }
0x113: {  	p0 =	sne.s32 s0, $0x0;
	s0 =	rddreg [dreg:$0x2]  }
0x114: {  	s0 =	sadd.s32 @!p0 $0x100000, s0  }
0x115: {  	[sflag:s0] =	ssyncadd.tile.s32 @!p0 $0x1;
	_ =	shalt  }
.Lfunc_end2:
_tile_overlayer_lowered:
.L_overlay_start_2:
0x116: {  	(tag) =	ssettag $0x2  }
0x117: {  	s0 =	rddreg [dreg:$0x0];
	s2 =	stileid.u32  }
0x118: {  	s1 =	rddreg [dreg:$0x1];
	p0 =	sne.s32 s2, $0x0  }
0x119: {  	s3 =	rddreg [dreg:$0x2];
	[bflag:$0x3] =	sbarrier.arrive $0xFFFF;
	s2 =	simm.s32 @!p0 $0x1C03  }
0x11a: {  	[timem:s3], [sflag:s2] =	dma.local @!p0 [hbm:s0], s1  }
0x11b: {  	s0 =	simm.s32 @!p0 $0x3  }
0x11c: {  	_ =	swait.ge @!p0 [sflag:s0], s1  }
0x11d: {  	s1 =	ssub.s32 @!p0 $0x0, s1;
	[sflag:s0] =	ssyncset.done @!p0 $0x0  }
0x11e: {  	[sflag:s0] =	ssyncadd.s32 @!p0 s1  }
0x11f: {  	[bflag:$0x3] =	sbarrier.arrive $0xFFFF  }
0x120: {  	_ =	shalt  }

// kernel: kernel.15.cloned.1.call-start
scs
__scs_entry_jumppad:
0x0: {  	(pc) =	sbr.rel $0x88, $3  }
0x1: {  	(tag) =	ssettag $0x0;
	lr =	simm.s32 $0x1  }
0x2: {  	[smem:$0x3F90] =	sst lr;
	_ =	strace $0xD0000000  }
0x3: {  	_ = 	snop  }
0x4: {  	_ = 	snop  }
0x5: {  	_ = 	snop  }
0x6: {  	_ = 	snop  }
0x7: {  	_ = 	snop  }
__scs_overlays_trampoline_lowered:
0x8: {  	[smem:$0x3F9F] =	sst s0  }
0x9: {  	[smem:$0x3FA0] =	sst s1  }
0xa: {  	[smem:$0x3FA1] =	sst s2  }
0xb: {  	[smem:$0x3FA2] =	sst s3  }
0xc: {  	[smem:$0x3FA3] =	sst s4  }
0xd: {  	[smem:$0x3FA4] =	sst s5  }
0xe: {  	[smem:$0x3FA5] =	sst s6  }
0xf: {  	[smem:$0x3FA6] =	sst s7  }
0x10: {  	[smem:$0x3FA7] =	sst s8  }
0x11: {  	[smem:$0x3FA8] =	sst s9;
	s0 =	simm.s32 @!p0 $0x0  }
0x12: {  	s1 =	sld [smem:$0x3F8E];
	s0 =	simm.s32 @p0 $0x1  }
0x13: {  	[smem:$0x3FA9] =	sst s0;
	s0 =	simm.s32 @!p1 $0x0  }
0x14: {  	s2 =	sld [smem:$0x3F8D];
	s0 =	simm.s32 @p1 $0x1  }
0x15: {  	[smem:$0x3FAA] =	sst s0;
	s0 =	simm.s32 @!p2 $0x0  }
0x16: {  	s3 =	sld [smem:$0x3FDB];
	s0 =	simm.s32 @p2 $0x1  }
0x17: {  	s4 =	simm.s32 $0x1BF5;
	[smem:$0x3FAC] =	sst s0  }
0x18: {  	s0 =	sld [smem:$0x3F8F];
	_ =	swait.ge [sflag:s4], $0x0  }
0x19: {  	s7 =	sld [smem:$0x3F90]  }
0x1a: {  	s8 =	sadd.s32 $0xFFFFE003, lr  }
0x1b: {  	s9 =	sadd.s32 $0xFFFFFEF7, lr;
	s5 =	simm.s32 $0xFFFFFFFF;
	p2 =	slt.u32 s8, $0xFFFFF086  }
0x1c: {  	p1 =	slt.u32 s9, $0xF7A;
	s5 =	simm.s32 @!p2 $0x0  }
0x1d: {  	s5 =	simm.s32 @p1 $0x1;
	p0 =	seq.s32 s7, s2  }
0x1e: {  	s7 =	smul.u32 @!p0 $0xF7A, s2;
	p2 =	seq.s32 @!p0 s5, $0x0  }
0x1f: {  	s9 =	smul.u32 $0xF7A, s1;
	s8 =	simm.s32 @!p0 $0x1BF5;
	p2 =	por !p2, p0  }
0x20: {  	[sflag:s8] =	ssyncset.s32 @!p0 $0xFFFFF086;
	s6 =	sadd.s32 @!p0 s3, s7;
	s7 =	simm.s32 @!p0 $0x108  }
0x21: {  	s3 =	sadd.s32 s3, s9;
	s6 =	sadd.s32 @!p0 $0x88, s6;
	s7 =	simm.s32 @p2 $0x1082  }
0x22: {  	[simem:s7], [sflag:s8] =	dma.local @!p0 [hbm:s6], $0xF7A  }
0x23: {  	s9 =	sor.u32 $0xD0000000, s2;
	s6 =	simm.s32 $0x108;
	_ =	swait.ge @!p0 [sflag:s8], $0x0  }
0x24: {  	s3 =	sadd.s32 $0x88, s3;
	s6 =	simm.s32 @!p1 $0x1082;
	[sflag:s4] =	ssyncset.s32 $0xFFFFF086  }
0x25: {  	[simem:s6], [sflag:s4] =	dma.local [hbm:s3], $0xF7A  }
0x26: {  	[smem:$0x3F90] =	sst s1;
	(tag) =	ssettag s2;
	_ =	strace s9  }
0x27: {  	s1 =	sld [smem:$0x3FA0]  }
0x28: {  	s2 =	sld [smem:$0x3FA1]  }
0x29: {  	s4 =	sld [smem:$0x3FA3]  }
0x2a: {  	p0 =	seq.s32 s5, $0x0;
	s5 =	sld [smem:$0x3FA4]  }
0x2b: {  	s6 =	sld [smem:$0x3FA5]  }
0x2c: {  	s7 =	sld [smem:$0x3FA6]  }
0x2d: {  	s3 =	simm.s32 $0x108;
	s8 =	sld [smem:$0x3FA7]  }
0x2e: {  	s3 =	simm.s32 @!p0 $0x1082;
	s9 =	sld [smem:$0x3FA8]  }
0x2f: {  	lr =	sadd.s32 s0, s3;
	s0 =	sld [smem:$0x3F9F]  }
0x30: {  	s3 =	sld [smem:$0x3FA2]  }
0x31: {  	[smem:$0x3FAB] =	sst s10  }
0x32: {  	s10 =	sld [smem:$0x3FA9];
	_ =	sdelay $0x3  }
0x33: {  	p0 =	seq.s32 s10, $0x1;
	s10 =	sld [smem:$0x3FAB];
	_ =	sdelay $0x3  }
0x34: {  	[smem:$0x3FAB] =	sst s10  }
0x35: {  	s10 =	sld [smem:$0x3FAA];
	_ =	sdelay $0x3  }
0x36: {  	p1 =	seq.s32 s10, $0x1;
	s10 =	sld [smem:$0x3FAB];
	_ =	sdelay $0x3  }
0x37: {  	[smem:$0x3FAB] =	sst s10  }
0x38: {  	s10 =	sld [smem:$0x3FAC]  }
0x39: {  	_ = 	snop;
	(pc) =	sbr.ind lr, $3  }
0x3a: {  	_ = 	snop  }
0x3b: {  	_ = 	snop  }
0x3c: {  	p2 =	seq.s32 s10, $0x1;
	s10 =	sld [smem:$0x3FAB]  }
0x3d: {  	_ =	shalt  }
0x3e: {  	_ =	shalt  }
0x3f: {  	_ =	shalt  }
0x40: {  	_ =	shalt  }
0x41: {  	_ =	shalt  }
0x42: {  	_ =	shalt  }
0x43: {  	_ =	shalt  }
0x44: {  	_ =	shalt  }
0x45: {  	_ =	shalt  }
0x46: {  	_ =	shalt  }
0x47: {  	_ =	shalt  }
0x48: {  	_ =	shalt  }
0x49: {  	_ =	shalt  }
0x4a: {  	_ =	shalt  }
0x4b: {  	_ =	shalt  }
0x4c: {  	_ =	shalt  }
0x4d: {  	_ =	shalt  }
0x4e: {  	_ =	shalt  }
0x4f: {  	_ =	shalt  }
0x50: {  	_ =	shalt  }
0x51: {  	_ =	shalt  }
0x52: {  	_ =	shalt  }
0x53: {  	_ =	shalt  }
0x54: {  	_ =	shalt  }
0x55: {  	_ =	shalt  }
0x56: {  	_ =	shalt  }
0x57: {  	_ =	shalt  }
0x58: {  	_ =	shalt  }
0x59: {  	_ =	shalt  }
0x5a: {  	_ =	shalt  }
0x5b: {  	_ =	shalt  }
0x5c: {  	_ =	shalt  }
0x5d: {  	_ =	shalt  }
0x5e: {  	_ =	shalt  }
0x5f: {  	_ =	shalt  }
0x60: {  	_ =	shalt  }
0x61: {  	_ =	shalt  }
0x62: {  	_ =	shalt  }
0x63: {  	_ =	shalt  }
0x64: {  	_ =	shalt  }
0x65: {  	_ =	shalt  }
0x66: {  	_ =	shalt  }
0x67: {  	_ =	shalt  }
0x68: {  	_ =	shalt  }
0x69: {  	_ =	shalt  }
0x6a: {  	_ =	shalt  }
0x6b: {  	_ =	shalt  }
0x6c: {  	_ =	shalt  }
0x6d: {  	_ =	shalt  }
0x6e: {  	_ =	shalt  }
0x6f: {  	_ =	shalt  }
0x70: {  	_ =	shalt  }
0x71: {  	_ =	shalt  }
0x72: {  	_ =	shalt  }
0x73: {  	_ =	shalt  }
0x74: {  	_ =	shalt  }
0x75: {  	_ =	shalt  }
0x76: {  	_ =	shalt  }
0x77: {  	_ =	shalt  }
0x78: {  	_ =	shalt  }
0x79: {  	_ =	shalt  }
0x7a: {  	_ =	shalt  }
0x7b: {  	_ =	shalt  }
0x7c: {  	_ =	shalt  }
0x7d: {  	_ =	shalt  }
0x7e: {  	_ =	shalt  }
0x7f: {  	_ =	shalt  }
0x80: {  	_ =	shalt  }
0x81: {  	_ =	shalt  }
0x82: {  	_ =	shalt  }
0x83: {  	_ =	shalt  }
0x84: {  	_ =	shalt  }
0x85: {  	_ =	shalt  }
0x86: {  	_ =	shalt  }
0x87: {  	_ =	shalt  }
.Lfunc_end0:
.L_simem_size_0:
called_computation.2_lowered:
.L_overlay_start_0:
0x88: {  	s2 =	sld [smem:$0x3FD9]  }
0x89: {  	s3 =	sld [smem:$0x3FFE];
	_ =	sdelay $0x1  }
0x8a: {  	s1 =	srdreg.scid  }
0x8b: {  	s0 =	sand.u32 $0x1, s1  }
0x8c: {  	s16 =	sshll.u32 s0, $0xA;
	s2 =	sadd.s32 s3, s2  }
0x8d: {  	s2 =	sadd.s32 s2, s16  }
0x8e: {  	[smem:$0x3FB7] =	sst s2  }
0x8f: {  	_ = 	snop  }
0x90: {  	(tm) =	ssettm $0x1  }
0x91: {  	s17 =	sld [smem:$0x3FFB];
	_ =	sdelay $0x3  }
0x92: {  	_ =	strace s17  }
0x93: {  	s2 =	sld [smem:$0x3FFC];
	_ =	sdelay $0x3  }
0x94: {  	_ =	strace s2  }
0x95: {  	s2 =	sld [smem:$0x3FFD];
	_ =	sdelay $0x3  }
0x96: {  	_ =	strace s2  }
0x97: {  	_ =	strace $0x8FFFFFFF  }
0x98: {  	s18 =	sld [smem:$0x3FDB];
	_ =	sdelay $0x1  }
0x99: {  	s19 =	simm.s32 $_scs_section_size  }
0x9a: {  	s4 =	simm.s32 $_size__tile_overlayer_lowered;
	s5 =	simm.s32 $_tile_overlayer_lowered  }
0x9b: {  	s22 =	simm.s32 $0x1BFF;
	s21 =	sshll.u32 s5, $0x1;
	s2 =	sadd.s32 s19, s18  }
0x9c: {  	s6 =	simm.s32 $0x0;
	s20 =	sshll.u32 s4, $0x1;
	s4 =	sadd.s32 s21, s2  }
0x9d: {  	[timem:s6], [sflag:s22] =	dma.local [hbm:s4], s20  }
0x9e: {  	_ =	swait.ge [sflag:s22], s20  }
0x9f: {  	s3 =	ssub.s32 $0x0, s20;
	[sflag:s22] =	ssyncset.done $0x0  }
0xa0: {  	[sflag:s22] =	ssyncadd.s32 s3;
	_ =	sdelay $0x1  }
0xa1: {  	s23 =	simm.s32 $0x1B8B  }
0xa2: {  	_ =	swait.ge [sflag:s23], $0x1  }
0xa3: {  	[sflag:s23] =	ssyncset.done $0x0  }
0xa4: {  	s25 =	simm.s32 $0x1B8E;
	s24 =	sld [smem:$0x3FFE];
	[sflag:s23] =	ssyncadd.s32 $0xFFFFFFFF  }
0xa5: {  	s26 =	simm.s32 $execute0_lowered;
	[smem:$0x3FD2] =	sst s25  }
0xa6: {  	s4 =	sshll.u32 s26, $0x1;
	_ =	strace $0x8000004C;
	[dreg:$0x1] =	wrdreg $0xFFFFFFFF  }
0xa7: {  	s28 =	simm.s32 $_size_execute0_lowered;
	s2 =	sadd.s32 s2, s4;
	[dreg:$0x0] =	wrdreg $0x0  }
0xa8: {  	s4 =	sshll.u32 s28, $0x1;
	[dreg:$0x2] =	wrdreg s2  }
0xa9: {  	[dreg:$0x3] =	wrdreg s4  }
0xaa: {  	[dreg:$0x4] =	wrdreg $0xC0  }
0xab: {  	_ =	task [dreg:s6], $0x5FFFF  }
0xac: {  	[dreg:$0x1] =	wrdreg $0xFFFFFFFF  }
0xad: {  	[dreg:$0x0] =	wrdreg $0x60  }
0xae: {  	[dreg:$0x2] =	wrdreg s24  }
0xaf: {  	[dreg:$0x3] =	wrdreg $0xE8900  }
0xb0: {  	[dreg:$0x4] =	wrdreg $0x9  }
0xb1: {  	_ =	task.clear_ibuf [dreg:s6], $0x5FFFF;
	_ =	strace $0x9000004C  }
0xb2: {  	s29 =	simm.s32 $0x9;
	_ =	strace $0x8000004E  }
0xb3: {  	_ =	swait.ge [sflag:s29], $0x1  }
0xb4: {  	[sflag:s29] =	ssyncadd.s32 $0xFFFFFFFF  }
0xb5: {  	_ =	strace $0x9000004E  }
0xb6: {  	_ =	sfence  }
0xb7: {  	s30 =	sld [smem:$0x0];
	_ =	sdelay $0x2  }
0xb8: {  	s31 =	sshll.u32 s1, $0xD;
	s1 =	sshrl.u32 s1, $0x2  }
0xb9: {  	s3 =	sand.u32 $0x4000, s31;
	s1 =	sadd.s32 s1, s30  }
0xba: {  	s0 =	sor.u32 s3, s0;
	s1 =	sshll.u32 s1, $0x11  }
0xbb: {  	s0 =	sor.u32 s1, s0  }
0xbc: {  	s0 =	sadd.s32 $0x8F2B, s0  }
0xbd: {  	[sflag:s0] =	ssyncadd.remote.s32 $0x1  }
0xbe: {  	_ =	sfence.sel $0xFFFF  }
0xbf: {  	[dreg:$0x0] =	wrdreg $0xFFFFFFFF;
	(pc) =	sbr.abs _section_cstart, $3  }
0xc0: {  	[dreg:$0x1] =	wrdreg $0xFFFFFFFF  }
0xc1: {  	_ =	task.clear_ibuf [dreg:s6], $0x2FFFF;
	_ =	strace $0x9FFFFFFF  }
0xc2: {  	(tm) =	ssettm $0x7FFFFFFF  }
0xc3: {  	_ =	shalt  }
tec
execute0_lowered:
.L_overlay_start_1:
0x0: {  	(tag) =	ssettag $0x1  }
0x1: {  	s0 =	rddreg [dreg:$0x0]  }
0x2: {  	s2 =	rddreg [dreg:$0x1];
	s3 =	simm.s32 $0x0;
	s1 =	srdreg.scid  }
0x3: {  	s10 =	stileid.u32;
	v0 =	vimm.s32 $0x76543210;
	s16 =	simm.s32 $0x3;
	s18 =	simm.s32 $0x5000  }
0x4: {  	v1 =	vimm.s32 $0xFEDCBA98;
	s19 =	simm.s32 $0x7800;
	s20 =	simm.s32 $0xC080;
	s21 =	simm.s32 $0xE880  }
0x5: {  	v2 =	vimm.s32 $0xBA98FEDC;
	v3 =	vimm.s32 $0x32107654;
	s22 =	simm.s32 $0x80;
	s23 =	simm.s32 $0xA080;
	s24 =	simm.s32 $0x1  }
0x6: {  	v4 =	vimm.s32 $0xDCFE98BA;
	v5 =	vimm.s32 $0x54761032;
	s25 =	simm.s32 $0xA000;
	s26 =	simm.s32 $0x2;
	s28 =	simm.s32 $0x0  }
0x7: {  	v6 =	vimm.s32 $0xEFCDAB89;
	v7 =	vimm.s32 $0x67452301;
	s29 =	simm.s32 $0x0;
	[smem:$0x7FF] =	sst s3;
	s1 =	sand.u32 $0x1, s1  }
0x8: {  	s9 =	smul.u32 $0xC800, s10;
	s4 =	sadd.s32 $0x28600, s0;
	v0 =	vunpack.c.l.s4.s8 v0;
	v1 =	vunpack.c.l.s4.s8 v1;
	v2 =	vunpack.c.l.s4.s8 v2;
	_ =	strace $0x8000004D  }
0x9: {  	v3 =	vunpack.c.l.s4.s8 v3;
	v4 =	vunpack.c.l.s4.s8 v4;
	v5 =	vunpack.c.l.s4.s8 v5;
	s6 =	smul.u32 $0xC8000, s1;
	s5 =	sshll.u32 s1, $0x4;
	s1 =	ssub.s32 $0x2, s1  }
0xa: {  	v6 =	vunpack.c.l.s4.s8 v6;
	v7 =	vunpack.c.l.s4.s8 v7;
	s7 =	sor.u32 s10, s5;
	s5 =	sadd.s32 $0x28000, s0;
	s10 =	smul.u32 $0x32000, s10;
	v2 =	vunpack.c.0.s8.s32 v2  }
0xb: {  	s30 =	sshrl.u32 s1, $0x1;
	v3 =	vunpack.c.0.s8.s32 v3;
	v4 =	vunpack.c.0.s8.s32 v4;
	v5 =	vunpack.c.0.s8.s32 v5;
	s6 =	sadd.s32 s9, s6;
	s7 =	smul.u32 $0x500, s7  }
0xc: {  	v1 =	vunpack.c.0.s8.s32 v1;
	v6 =	vunpack.c.0.s8.s32 v6;
	v7 =	vunpack.c.0.s8.s32 v7;
	s1 =	ssub.s32 s1, s30;
	s9 =	sadd.s32 s9, s2;
	s8 =	sshrl.u32 s6, $0x3  }
0xd: {  	s6 =	sadd.s32 $0x14000, s0;
	s31 =	sshrl.u32 s10, $0x2;
	s15 =	smax.u32 s1, $0x1;
	v2 =	vcombine.low v3, v2;
	v3 =	vcombine.low v5, v4;
	v4 =	vunpack.c.0.s8.s32 v0  }
0xe: {  	vm0 =	vcmask $0x300;
	v5 =	vcombine.low v7, v6;
	v1 =	vand.u32 $0xF, v1;
	s14 =	sadd.s32 s8, s0;
	s7 =	sadd.s32 s0, s7;
	s0 =	sadd.s32 s31, s2  }
0xf: {  	v0 =	vimm.f32 $0.0e+00;
	s8 =	sadd.s32 $0xA000, s7;
	s10 =	sadd.s32 $0x2800, s0;
	s11 =	sadd.s32 $0x5000, s0;
	v1 =	vcombine.low v1, v4;
	v2 =	vand.u32 $0xF, v2  }
0x10: {  	s12 =	sadd.s32 $0x7800, s0;
	s13 =	sadd.s32 $0xA000, s0;
	s14 =	sadd.s32 $0x28C00, s14;
	v3 =	vand.u32 $0xF, v3;
	v4 =	vand.u32 $0xF, v5;
	v5 =	vsel vm0, $0x3F800000, v0  }
.LBB2_1:
0x11: {  	[tilespmem:s3], [sflag:$0x3] =	stream.linear.gather [hbm4b:s8+s3], $0x2800, $0x38;
	[tilespmem:$0x1B090] =	vst v63  }
0x12: {  	_ =	swait.ge [sflag:s16], $0x2800  }
0x13: {  	[sflag:s16] =	ssyncset.done $0x0  }
0x14: {  	s0 =	simm.s32 $0x2800;
	[sflag:s16] =	ssyncadd.s32 $0xFFFFD800  }
0x15: {  	[tilespmem:s0], [sflag:$0x3] =	stream.linear.gather [hbm4b:s7+s3], $0x2800, $0x38;
	[tilespmem:$0x1B090] =	vst v63  }
0x16: {  	_ =	swait.ge [sflag:s16], $0x2800  }
0x17: {  	[sflag:s16] =	ssyncset.done $0x0  }
0x18: {  	[sflag:s16] =	ssyncadd.s32 $0xFFFFD800  }
0x19: {  	[tilespmem:s18], [sflag:$0x3] =	stream.linear.gather [hbm4b:s4+s3], $0x2800, $0x38;
	[tilespmem:$0x1B090] =	vst v63  }
0x1a: {  	_ =	swait.ge [sflag:s16], $0x2800  }
0x1b: {  	[sflag:s16] =	ssyncset.done $0x0  }
0x1c: {  	[sflag:s16] =	ssyncadd.s32 $0xFFFFD800  }
0x1d: {  	[tilespmem:s19], [sflag:$0x3] =	stream.linear.gather [hbm4b:s5+s3], $0x2800, $0x38;
	[tilespmem:$0x1B090] =	vst v63  }
0x1e: {  	_ =	swait.ge [sflag:s16], $0x2800  }
0x1f: {  	[sflag:s16] =	ssyncset.done $0x0  }
0x20: {  	s1 =	simm.s32 $0x140;
	s0 =	simm.s32 $0x0;
	[sflag:s16] =	ssyncadd.s32 $0xFFFFD800  }
.LBB2_2:
0x21: {  	p0 =	sne.s32 s1, $0x9EC0;
	[tilespmem:s0+$0xC0C0] =	vst v0;
	s17 =	smov.u32 s1;
	s1 =	sadd.s32 $0x140, s1  }
.Ltmp0:
0x22: {  	[tilespmem:s0+$0xC0B0] =	vst v0;
	(pc) =	sbr.rel @p0 .LBB2_2-.Ltmp0, $4  }
0x23: {  	[tilespmem:s0+$0xC0A0] =	vst v0  }
0x24: {  	[tilespmem:s0+$0xC080] =	vst v0  }
0x25: {  	[tilespmem:s0+$0xC090] =	vst v0  }
0x26: {  	s0 =	sshra.s32 s17, $0x2  }
0x27: {  	[tilespmem:s0+$0xC0C0] =	vst v0  }
0x28: {  	[tilespmem:s0+$0xC0B0] =	vst v0  }
0x29: {  	[tilespmem:s0+$0xC0A0] =	vst v0  }
0x2a: {  	[tilespmem:s0+$0xC080] =	vst v0  }
0x2b: {  	[tilespmem:s0+$0xC090] =	vst v0  }
0x2c: {  	[spmem:s9] =	stream.linear.scatter [tilespmem:s20], [sflag:$0x3], $0x2800, $0x38;
	[tilespmem:$0x1B090] =	vst v63  }
0x2d: {  	_ =	swait.ge [sflag:s16], $0x2800  }
0x2e: {  	[sflag:s16] =	ssyncset.done $0x0  }
0x2f: {  	[sflag:s16] =	ssyncadd.s32 $0xFFFFD800  }
0x30: {  	[spmem:s10] =	stream.linear.scatter [tilespmem:s20], [sflag:$0x3], $0x2800, $0x38;
	[tilespmem:$0x1B090] =	vst v63  }
0x31: {  	_ =	swait.ge [sflag:s16], $0x2800  }
0x32: {  	[sflag:s16] =	ssyncset.done $0x0  }
0x33: {  	[sflag:s16] =	ssyncadd.s32 $0xFFFFD800  }
0x34: {  	[spmem:s11] =	stream.linear.scatter [tilespmem:s20], [sflag:$0x3], $0x2800, $0x38;
	[tilespmem:$0x1B090] =	vst v63  }
0x35: {  	_ =	swait.ge [sflag:s16], $0x2800  }
0x36: {  	[sflag:s16] =	ssyncset.done $0x0  }
0x37: {  	[sflag:s16] =	ssyncadd.s32 $0xFFFFD800  }
0x38: {  	[spmem:s12] =	stream.linear.scatter [tilespmem:s20], [sflag:$0x3], $0x2800, $0x38;
	[tilespmem:$0x1B090] =	vst v63  }
0x39: {  	_ =	swait.ge [sflag:s16], $0x2800  }
0x3a: {  	[sflag:s16] =	ssyncset.done $0x0  }
0x3b: {  	[sflag:s16] =	ssyncadd.s32 $0xFFFFD800  }
0x3c: {  	[spmem:s13] =	stream.linear.scatter [tilespmem:s20], [sflag:$0x3], $0x2800, $0x38;
	[tilespmem:$0x1B090] =	vst v63  }
0x3d: {  	_ =	swait.ge [sflag:s16], $0x2800  }
0x3e: {  	[sflag:s16] =	ssyncset.done $0x0  }
0x3f: {  	s1 =	simm.s32 $0x0;
	[sflag:s16] =	ssyncadd.s32 $0xFFFFD800  }
0x40: {  	v7 =	vld [tilespmem:s1+$0x7800]  }
0x41: {  	v6 =	vimm.f32 $-3.000000010e+38;
	s0 =	simm.s32 $0x40;
	v8 =	vimm.f32 $-3.000000010e+38;
	v9 =	vld [tilespmem:s1+$0x5000]  }
.LBB2_4:
0x42: {  	p0 =	sne.s32 s0, $0x9FC0  }
.Ltmp1:
0x43: {  	_ = 	snop;
	(pc) =	sbr.rel @p0 .LBB2_4-.Ltmp1, $4  }
0x44: {  	_ = 	snop  }
0x45: {  	s1 =	sshra.s32 s0, $0x2;
	s0 =	sadd.s32 $0x40, s0;
	v6 =	vmax.f32 v6, v7  }
0x46: {  	v7 =	vld [tilespmem:s1+$0x7800];
	v8 =	vmax.f32 v8, v9  }
0x47: {  	v9 =	vld [tilespmem:s1+$0x5000]  }
0x48: {  	_ =	sdelay $0x3  }
0x49: {  	v8 =	vmax.f32 v8, v9  }
0x4a: {  	[tilespmem:$0xE880] =	vst v8  }
0x4b: {  	v57 =	vld.idx.msk [tilespmem:v1+s21+$0x0], $0xffff;
	_ =	sdelay $0x4  }
0x4c: {  	v8 =	vmax.f32 v8, v57  }
0x4d: {  	[tilespmem:$0xE880] =	vst v8  }
0x4e: {  	v58 =	vld.idx.msk [tilespmem:v2+s21+$0x0], $0xffff;
	_ =	sdelay $0x4  }
0x4f: {  	v8 =	vmax.f32 v8, v58  }
0x50: {  	[tilespmem:$0xE880] =	vst v8  }
0x51: {  	v59 =	vld.idx.msk [tilespmem:v3+s21+$0x0], $0xffff;
	_ =	sdelay $0x4  }
0x52: {  	v8 =	vmax.f32 v8, v59  }
0x53: {  	v6 =	vmax.f32 v6, v7;
	[tilespmem:$0xE880] =	vst v8  }
0x54: {  	v7 =	vld.idx.msk [tilespmem:v4+s21+$0x0], $0xffff;
	[tilespmem:$0xE880] =	vst v6  }
0x55: {  	v60 =	vld.idx.msk [tilespmem:v1+s21+$0x0], $0xffff;
	_ =	sdelay $0x4  }
0x56: {  	v6 =	vmax.f32 v6, v60  }
0x57: {  	[tilespmem:$0xE880] =	vst v6  }
0x58: {  	v61 =	vld.idx.msk [tilespmem:v2+s21+$0x0], $0xffff;
	_ =	sdelay $0x4  }
0x59: {  	v6 =	vmax.f32 v6, v61  }
0x5a: {  	[tilespmem:$0xE880] =	vst v6  }
0x5b: {  	v62 =	vld.idx.msk [tilespmem:v3+s21+$0x0], $0xffff;
	_ =	sdelay $0x4  }
0x5c: {  	v6 =	vmax.f32 v6, v62  }
0x5d: {  	[tilespmem:$0xE880] =	vst v6  }
0x5e: {  	v63 =	vld.idx.msk [tilespmem:v4+s21+$0x0], $0xffff;
	_ =	sdelay $0x4  }
0x5f: {  	v7 =	vmax.f32 v8, v7;
	v6 =	vmax.f32 v6, v63  }
0x60: {  	v6 =	vadd.f32 v6, v7;
	_ =	sdelay $0x1  }
0x61: {  	s30 =	simm.s32 $0x0;
	[bflag:$0x0] =	sbarrier.arrive $0xFFFF;
	v6 =	vmax.f32 v6, $0.0e+00  }
.LBB2_6:
0x62: {  	s31 =	sshll.u32 s30, $0x7  }
0x63: {  	[tilespmem:s23], [sflag:$0x1] =	stream.indirect.gather [hbm4b:s6+s22], $0x40, s31, s22, $0xb8;
	[tilespmem:$0x1B090] =	vst v63  }
0x64: {  	v7 =	vld [tilespmem:s31+$0x0]  }
0x65: {  	v8 =	vld [tilespmem:s31+$0x2800];
	_ =	sdelay $0x6  }
0x66: {  	v7 =	vld.idx.msk [tilespmem:v7+s18+$0x0], $0xffff  }
0x67: {  	v8 =	vld.idx.msk [tilespmem:v8+s19+$0x0], $0xffff;
	_ =	sdelay $0x4  }
0x68: {  	v7 =	vadd.f32 v8, v7;
	_ =	sdelay $0x1  }
0x69: {  	v8 =	vmul.f32 $2.000000030e-01, v7  }
0x6a: {  	vm0 =	vgt.f32 v7, $0.0e+00  }
0x6b: {  	v7 =	vsel vm0, v7, v8  }
0x6c: {  	v7 =	vsub.f32 v7, v6;
	_ =	sdelay $0x1  }
0x6d: {  	v7 =	vmul.f32 $1.442695020e+00, v7;
	_ =	sdelay $0x1  }
0x6e: {  	(erf) = vpow2.f32 v7;
	_ =	sdelay $0x8  }
0x6f: {  	v7 =	vpop (erf)  }
0x70: {  	[tilespmem:$0xA000] =	vst v7  }
0x71: {  	v7 =	vld [tilespmem:s31+$0x10]  }
0x72: {  	v8 =	vld [tilespmem:s31+$0x2810];
	_ =	sdelay $0x6  }
0x73: {  	v7 =	vld.idx.msk [tilespmem:v7+s18+$0x0], $0xffff  }
0x74: {  	v8 =	vld.idx.msk [tilespmem:v8+s19+$0x0], $0xffff;
	_ =	sdelay $0x4  }
0x75: {  	v7 =	vadd.f32 v8, v7;
	_ =	sdelay $0x1  }
0x76: {  	v8 =	vmul.f32 $2.000000030e-01, v7  }
0x77: {  	vm9 =	vgt.f32 v7, $0.0e+00  }
0x78: {  	v7 =	vsel vm9, v7, v8  }
0x79: {  	v7 =	vsub.f32 v7, v6;
	_ =	sdelay $0x1  }
0x7a: {  	v7 =	vmul.f32 $1.442695020e+00, v7;
	_ =	sdelay $0x1  }
0x7b: {  	(erf) = vpow2.f32 v7;
	_ =	sdelay $0x8  }
0x7c: {  	v7 =	vpop (erf)  }
0x7d: {  	[tilespmem:$0xA010] =	vst v7  }
0x7e: {  	v7 =	vld [tilespmem:s31+$0x20]  }
0x7f: {  	v8 =	vld [tilespmem:s31+$0x2820];
	_ =	sdelay $0x6  }
0x80: {  	v7 =	vld.idx.msk [tilespmem:v7+s18+$0x0], $0xffff  }
0x81: {  	v8 =	vld.idx.msk [tilespmem:v8+s19+$0x0], $0xffff;
	_ =	sdelay $0x4  }
0x82: {  	v7 =	vadd.f32 v8, v7;
	_ =	sdelay $0x1  }
0x83: {  	v8 =	vmul.f32 $2.000000030e-01, v7  }
0x84: {  	vm10 =	vgt.f32 v7, $0.0e+00  }
0x85: {  	v7 =	vsel vm10, v7, v8  }
0x86: {  	v7 =	vsub.f32 v7, v6;
	_ =	sdelay $0x1  }
0x87: {  	v7 =	vmul.f32 $1.442695020e+00, v7;
	_ =	sdelay $0x1  }
0x88: {  	(erf) = vpow2.f32 v7;
	_ =	sdelay $0x8  }
0x89: {  	v7 =	vpop (erf)  }
0x8a: {  	[tilespmem:$0xA020] =	vst v7  }
0x8b: {  	v7 =	vld [tilespmem:s31+$0x30]  }
0x8c: {  	v8 =	vld [tilespmem:s31+$0x2830];
	_ =	sdelay $0x6  }
0x8d: {  	v7 =	vld.idx.msk [tilespmem:v7+s18+$0x0], $0xffff  }
0x8e: {  	v8 =	vld.idx.msk [tilespmem:v8+s19+$0x0], $0xffff;
	_ =	sdelay $0x4  }
0x8f: {  	v7 =	vadd.f32 v8, v7;
	_ =	sdelay $0x1  }
0x90: {  	v8 =	vmul.f32 $2.000000030e-01, v7  }
0x91: {  	vm11 =	vgt.f32 v7, $0.0e+00  }
0x92: {  	v7 =	vsel vm11, v7, v8  }
0x93: {  	v7 =	vsub.f32 v7, v6;
	_ =	sdelay $0x1  }
0x94: {  	v7 =	vmul.f32 $1.442695020e+00, v7;
	_ =	sdelay $0x1  }
0x95: {  	(erf) = vpow2.f32 v7;
	_ =	sdelay $0x8  }
0x96: {  	v7 =	vpop (erf)  }
0x97: {  	[tilespmem:$0xA030] =	vst v7  }
0x98: {  	v7 =	vld [tilespmem:s31+$0x40]  }
0x99: {  	v8 =	vld [tilespmem:s31+$0x2840];
	_ =	sdelay $0x6  }
0x9a: {  	v7 =	vld.idx.msk [tilespmem:v7+s18+$0x0], $0xffff  }
0x9b: {  	v8 =	vld.idx.msk [tilespmem:v8+s19+$0x0], $0xffff;
	_ =	sdelay $0x4  }
0x9c: {  	v7 =	vadd.f32 v8, v7;
	_ =	sdelay $0x1  }
0x9d: {  	v8 =	vmul.f32 $2.000000030e-01, v7  }
0x9e: {  	vm12 =	vgt.f32 v7, $0.0e+00  }
0x9f: {  	v7 =	vsel vm12, v7, v8  }
0xa0: {  	v7 =	vsub.f32 v7, v6;
	_ =	sdelay $0x1  }
0xa1: {  	v7 =	vmul.f32 $1.442695020e+00, v7;
	_ =	sdelay $0x1  }
0xa2: {  	(erf) = vpow2.f32 v7;
	_ =	sdelay $0x8  }
0xa3: {  	v7 =	vpop (erf)  }
0xa4: {  	[tilespmem:$0xA040] =	vst v7  }
0xa5: {  	v7 =	vld [tilespmem:s31+$0x50]  }
0xa6: {  	v8 =	vld [tilespmem:s31+$0x2850];
	_ =	sdelay $0x6  }
0xa7: {  	v7 =	vld.idx.msk [tilespmem:v7+s18+$0x0], $0xffff  }
0xa8: {  	v8 =	vld.idx.msk [tilespmem:v8+s19+$0x0], $0xffff;
	_ =	sdelay $0x4  }
0xa9: {  	v7 =	vadd.f32 v8, v7;
	_ =	sdelay $0x1  }
0xaa: {  	v8 =	vmul.f32 $2.000000030e-01, v7  }
0xab: {  	vm13 =	vgt.f32 v7, $0.0e+00  }
0xac: {  	v7 =	vsel vm13, v7, v8  }
0xad: {  	v7 =	vsub.f32 v7, v6;
	_ =	sdelay $0x1  }
0xae: {  	v7 =	vmul.f32 $1.442695020e+00, v7;
	_ =	sdelay $0x1  }
0xaf: {  	(erf) = vpow2.f32 v7;
	_ =	sdelay $0x8  }
0xb0: {  	v7 =	vpop (erf)  }
0xb1: {  	[tilespmem:$0xA050] =	vst v7  }
0xb2: {  	v7 =	vld [tilespmem:s31+$0x60]  }
0xb3: {  	v8 =	vld [tilespmem:s31+$0x2860];
	_ =	sdelay $0x6  }
0xb4: {  	v7 =	vld.idx.msk [tilespmem:v7+s18+$0x0], $0xffff  }
0xb5: {  	v8 =	vld.idx.msk [tilespmem:v8+s19+$0x0], $0xffff;
	_ =	sdelay $0x4  }
0xb6: {  	v7 =	vadd.f32 v8, v7;
	_ =	sdelay $0x1  }
0xb7: {  	v8 =	vmul.f32 $2.000000030e-01, v7  }
0xb8: {  	vm14 =	vgt.f32 v7, $0.0e+00  }
0xb9: {  	v7 =	vsel vm14, v7, v8  }
0xba: {  	v7 =	vsub.f32 v7, v6;
	_ =	sdelay $0x1  }
0xbb: {  	v7 =	vmul.f32 $1.442695020e+00, v7;
	_ =	sdelay $0x1  }
0xbc: {  	(erf) = vpow2.f32 v7;
	_ =	sdelay $0x8  }
0xbd: {  	v7 =	vpop (erf)  }
0xbe: {  	[tilespmem:$0xA060] =	vst v7  }
0xbf: {  	v7 =	vld [tilespmem:s31+$0x70]  }
0xc0: {  	v8 =	vld [tilespmem:s31+$0x2870];
	_ =	sdelay $0x6  }
0xc1: {  	v7 =	vld.idx.msk [tilespmem:v7+s18+$0x0], $0xffff  }
0xc2: {  	v8 =	vld.idx.msk [tilespmem:v8+s19+$0x0], $0xffff;
	_ =	sdelay $0x4  }
0xc3: {  	v7 =	vadd.f32 v8, v7;
	_ =	sdelay $0x1  }
0xc4: {  	v8 =	vmul.f32 $2.000000030e-01, v7  }
0xc5: {  	vm15 =	vgt.f32 v7, $0.0e+00  }
0xc6: {  	v7 =	vsel vm15, v7, v8  }
0xc7: {  	v7 =	vsub.f32 v7, v6;
	_ =	sdelay $0x1  }
0xc8: {  	v7 =	vmul.f32 $1.442695020e+00, v7;
	_ =	sdelay $0x1  }
0xc9: {  	(erf) = vpow2.f32 v7;
	_ =	sdelay $0x8  }
0xca: {  	v7 =	vpop (erf)  }
0xcb: {  	[tilespmem:$0xA070] =	vst v7  }
0xcc: {  	_ =	swait.ge [sflag:s24], $0x2000  }
0xcd: {  	p0 =	seq.s32 s30, $0x0;
	v7 =	vmov s29;
	[sflag:s24] =	ssyncset.done $0x0  }
0xce: {  	s0 =	simm.s32 @!p0 $0x2;
	[sflag:s24] =	ssyncadd.s32 $0xFFFFE000  }
0xcf: {  	_ =	swait.ge @!p0 [sflag:s0], $0x2800  }
0xd0: {  	[sflag:s0] =	ssyncset.done @!p0 $0x0  }
0xd1: {  	[sflag:s0] =	ssyncadd.s32 @!p0 $0xFFFFD800  }
0xd2: {  	s0 =	simm.s32 $0xA0A0;
	v7 =	vld.idx.msk [tilespmem:v7+s25+$0x0], $0xffff  }
0xd3: {  	v8 =	vld [tilespmem:s0+$0xFFFFFFE0];
	_ =	sdelay $0x4  }
0xd4: {  	v8 =	vmul.f32 v8, v7  }
0xd5: {  	s1 =	simm.s32 $0xC0A0  }
0xd6: {  	[tilespmem:s1+$0xFFFFFFE0] =	vst v8  }
0xd7: {  	v8 =	vld [tilespmem:s0+$0xFFFFFFF0];
	_ =	sdelay $0x4  }
0xd8: {  	v8 =	vmul.f32 v8, v7;
	_ =	sdelay $0x1  }
0xd9: {  	[tilespmem:s1+$0xFFFFFFF0] =	vst v8  }
0xda: {  	v8 =	vld [tilespmem:s0+$0x0];
	_ =	sdelay $0x4  }
0xdb: {  	v8 =	vmul.f32 v8, v7;
	_ =	sdelay $0x1  }
0xdc: {  	[tilespmem:s1+$0x0] =	vst v8  }
0xdd: {  	v8 =	vld [tilespmem:s0+$0x10]  }
0xde: {  	v9 =	vmul.f32 v5, v7  }
0xdf: {  	s17 =	simm.s32 $0x1  }
0xe0: {  	s31 =	sadd.s32 $0x2800, s31;
	[tilespmem:s1+$0x20] =	vst v9;
	v9 =	vmov s17;
	s17 =	simm.s32 $0x2  }
.LBB2_7:
0xe1: {  	p0 =	sne.s32 s17, $0x7F  }
0xe2: {  	v7 =	vmul.f32 v8, v7;
	_ =	sdelay $0x1  }
0xe3: {  	[tilespmem:s1+$0x10] =	vst v7  }
0xe4: {  	s0 =	sadd.s32 $0x40, s0;
	v7 =	vld.idx.msk [tilespmem:v9+s25+$0x0], $0xffff  }
0xe5: {  	v8 =	vld [tilespmem:s0+$0xFFFFFFE0];
	_ =	sdelay $0x4  }
0xe6: {  	v9 =	vmul.f32 v5, v7;
	v8 =	vmul.f32 v8, v7  }
0xe7: {  	s1 =	sadd.s32 $0x50, s1  }
0xe8: {  	[tilespmem:s1+$0xFFFFFFE0] =	vst v8  }
0xe9: {  	v8 =	vld [tilespmem:s0+$0xFFFFFFF0];
	_ =	sdelay $0x4  }
0xea: {  	v8 =	vmul.f32 v8, v7;
	_ =	sdelay $0x1  }
0xeb: {  	[tilespmem:s1+$0xFFFFFFF0] =	vst v8  }
0xec: {  	v8 =	vld [tilespmem:s0+$0x0];
	_ =	sdelay $0x4  }
0xed: {  	v8 =	vmul.f32 v8, v7;
	_ =	sdelay $0x1  }
.Ltmp2:
0xee: {  	[tilespmem:s1+$0x0] =	vst v8;
	(pc) =	sbr.rel @p0 .LBB2_7-.Ltmp2, $2  }
0xef: {  	v8 =	vld [tilespmem:s0+$0x10];
	[tilespmem:s1+$0x20] =	vst v9;
	_ =	sdelay $0x2  }
0xf0: {  	v9 =	vmov s17;
	s17 =	sadd.s32 $0x1, s17  }
0xf1: {  	_ = 	snop  }
0xf2: {  	v7 =	vmul.f32 v8, v7;
	_ =	sdelay $0x1  }
0xf3: {  	[tilespmem:s1+$0x10] =	vst v7  }
0xf4: {  	s0 =	sadd.s32 $0x40, s0;
	v7 =	vld.idx.msk [tilespmem:v9+s25+$0x0], $0xffff  }
0xf5: {  	v8 =	vld [tilespmem:s0+$0xFFFFFFE0];
	_ =	sdelay $0x4  }
0xf6: {  	v8 =	vmul.f32 v8, v7  }
0xf7: {  	s17 =	sadd.s32 $0x50, s1  }
0xf8: {  	[tilespmem:s17+$0xFFFFFFE0] =	vst v8  }
0xf9: {  	v8 =	vld [tilespmem:s0+$0xFFFFFFF0];
	_ =	sdelay $0x4  }
0xfa: {  	v8 =	vmul.f32 v8, v7;
	_ =	sdelay $0x1  }
0xfb: {  	[tilespmem:s17+$0xFFFFFFF0] =	vst v8  }
0xfc: {  	v8 =	vld [tilespmem:s0+$0x0];
	_ =	sdelay $0x4  }
0xfd: {  	v8 =	vmul.f32 v8, v7;
	_ =	sdelay $0x1  }
0xfe: {  	[tilespmem:s17+$0x0] =	vst v8  }
0xff: {  	v8 =	vld [tilespmem:s0+$0x10];
	_ =	sdelay $0x1  }
0x100: {  	s30 =	sadd.s32 $0x1, s30  }
0x101: {  	p0 =	sne.s32 s30, $0x50  }
.Ltmp3:
0x102: {  	v9 =	vmul.f32 v5, v7;
	(pc) =	sbr.rel @p0 .LBB2_6-.Ltmp3, $4  }
0x103: {  	v7 =	vmul.f32 v8, v7  }
0x104: {  	[tilespmem:s17+$0x20] =	vst v9  }
0x105: {  	[tilespmem:s17+$0x10] =	vst v7  }
0x106: {  	[spmem:s2] =	stream.indirect.scatter.add.f32 [tilespmem:s20], [sflag:$0x2], $0x50, s31, s22, $0xb8;
	[tilespmem:$0x1B090] =	vst v63  }
0x107: {  	_ =	swait.ge [sflag:s26], $0x2800;
	s0 =	stileid.u32  }
0x108: {  	s1 =	sshrl.u32 s9, $0x3;
	s28 =	sadd.s32 $0x1, s28;
	[sflag:s26] =	ssyncset.done $0x0  }
0x109: {  	s0 =	sshll.u32 s0, $0x6;
	p0 =	sne.s32 s28, s15;
	[sflag:s26] =	ssyncadd.s32 $0xFFFFD800  }
.Ltmp4:
0x10a: {  	s0 =	sor.u32 $0x1C03, s0;
	[bflag:$0x0] =	sbarrier.arrive $0xFFFF;
	(pc) =	sbr.rel @p0 .LBB2_1-.Ltmp4, $4  }
0x10b: {  	[hbm:s14], [sflag:s0] =	dma.local [spmem:s1], $0x1900  }
0x10c: {  	_ =	swait.ge [sflag:s16], $0x1900  }
0x10d: {  	[sflag:s16] =	ssyncset.done $0x0  }
0x10e: {  	[sflag:s16] =	ssyncadd.s32 $0xFFFFE700  }
0x10f: {  	_ =	sfence.sel $0x180000  }
0x110: {  	[bflag:$0x0] =	sbarrier.arrive $0xFFFF  }
0x111: {  	_ =	strace $0x9000004D  }
0x112: {  	s0 =	stileid.u32;
	[bflag:$0x2] =	sbarrier.arrive $0xFFFF  }
0x113: {  	p0 =	sne.s32 s0, $0x0;
	s0 =	rddreg [dreg:$0x2]  }
0x114: {  	s0 =	sadd.s32 @!p0 $0x100000, s0  }
0x115: {  	[sflag:s0] =	ssyncadd.tile.s32 @!p0 $0x1;
	_ =	shalt  }
.Lfunc_end2:
_tile_overlayer_lowered:
.L_overlay_start_2:
0x116: {  	(tag) =	ssettag $0x2  }
0x117: {  	s0 =	rddreg [dreg:$0x0];
	s2 =	stileid.u32  }
0x118: {  	s1 =	rddreg [dreg:$0x1];
	p0 =	sne.s32 s2, $0x0  }
0x119: {  	s3 =	rddreg [dreg:$0x2];
	[bflag:$0x3] =	sbarrier.arrive $0xFFFF;
	s2 =	simm.s32 @!p0 $0x1C03  }
0x11a: {  	[timem:s3], [sflag:s2] =	dma.local @!p0 [hbm:s0], s1  }
0x11b: {  	s0 =	simm.s32 @!p0 $0x3  }
0x11c: {  	_ =	swait.ge @!p0 [sflag:s0], s1  }
0x11d: {  	s1 =	ssub.s32 @!p0 $0x0, s1;
	[sflag:s0] =	ssyncset.done @!p0 $0x0  }
0x11e: {  	[sflag:s0] =	ssyncadd.s32 @!p0 s1  }
0x11f: {  	[bflag:$0x3] =	sbarrier.arrive $0xFFFF  }
0x120: {  	_ =	shalt  }

// kernel: kernel.9.cloned.1.call-start
scs
__scs_entry_jumppad:
0x0: {  	(pc) =	sbr.rel $0x88, $3  }
0x1: {  	(tag) =	ssettag $0x0;
	lr =	simm.s32 $0x1  }
0x2: {  	[smem:$0x3F90] =	sst lr;
	_ =	strace $0xD0000000  }
0x3: {  	_ = 	snop  }
0x4: {  	_ = 	snop  }
0x5: {  	_ = 	snop  }
0x6: {  	_ = 	snop  }
0x7: {  	_ = 	snop  }
__scs_overlays_trampoline_lowered:
0x8: {  	[smem:$0x3F9F] =	sst s0  }
0x9: {  	[smem:$0x3FA0] =	sst s1  }
0xa: {  	[smem:$0x3FA1] =	sst s2  }
0xb: {  	[smem:$0x3FA2] =	sst s3  }
0xc: {  	[smem:$0x3FA3] =	sst s4  }
0xd: {  	[smem:$0x3FA4] =	sst s5  }
0xe: {  	[smem:$0x3FA5] =	sst s6  }
0xf: {  	[smem:$0x3FA6] =	sst s7  }
0x10: {  	[smem:$0x3FA7] =	sst s8  }
0x11: {  	[smem:$0x3FA8] =	sst s9;
	s0 =	simm.s32 @!p0 $0x0  }
0x12: {  	s1 =	sld [smem:$0x3F8E];
	s0 =	simm.s32 @p0 $0x1  }
0x13: {  	[smem:$0x3FA9] =	sst s0;
	s0 =	simm.s32 @!p1 $0x0  }
0x14: {  	s2 =	sld [smem:$0x3F8D];
	s0 =	simm.s32 @p1 $0x1  }
0x15: {  	[smem:$0x3FAA] =	sst s0;
	s0 =	simm.s32 @!p2 $0x0  }
0x16: {  	s3 =	sld [smem:$0x3FDB];
	s0 =	simm.s32 @p2 $0x1  }
0x17: {  	s4 =	simm.s32 $0x1BF5;
	[smem:$0x3FAC] =	sst s0  }
0x18: {  	s0 =	sld [smem:$0x3F8F];
	_ =	swait.ge [sflag:s4], $0x0  }
0x19: {  	s7 =	sld [smem:$0x3F90]  }
0x1a: {  	s8 =	sadd.s32 $0xFFFFE003, lr  }
0x1b: {  	s9 =	sadd.s32 $0xFFFFFEF7, lr;
	s5 =	simm.s32 $0xFFFFFFFF;
	p2 =	slt.u32 s8, $0xFFFFF086  }
0x1c: {  	p1 =	slt.u32 s9, $0xF7A;
	s5 =	simm.s32 @!p2 $0x0  }
0x1d: {  	s5 =	simm.s32 @p1 $0x1;
	p0 =	seq.s32 s7, s2  }
0x1e: {  	s7 =	smul.u32 @!p0 $0xF7A, s2;
	p2 =	seq.s32 @!p0 s5, $0x0  }
0x1f: {  	s9 =	smul.u32 $0xF7A, s1;
	s8 =	simm.s32 @!p0 $0x1BF5;
	p2 =	por !p2, p0  }
0x20: {  	[sflag:s8] =	ssyncset.s32 @!p0 $0xFFFFF086;
	s6 =	sadd.s32 @!p0 s3, s7;
	s7 =	simm.s32 @!p0 $0x108  }
0x21: {  	s3 =	sadd.s32 s3, s9;
	s6 =	sadd.s32 @!p0 $0x88, s6;
	s7 =	simm.s32 @p2 $0x1082  }
0x22: {  	[simem:s7], [sflag:s8] =	dma.local @!p0 [hbm:s6], $0xF7A  }
0x23: {  	s9 =	sor.u32 $0xD0000000, s2;
	s6 =	simm.s32 $0x108;
	_ =	swait.ge @!p0 [sflag:s8], $0x0  }
0x24: {  	s3 =	sadd.s32 $0x88, s3;
	s6 =	simm.s32 @!p1 $0x1082;
	[sflag:s4] =	ssyncset.s32 $0xFFFFF086  }
0x25: {  	[simem:s6], [sflag:s4] =	dma.local [hbm:s3], $0xF7A  }
0x26: {  	[smem:$0x3F90] =	sst s1;
	(tag) =	ssettag s2;
	_ =	strace s9  }
0x27: {  	s1 =	sld [smem:$0x3FA0]  }
0x28: {  	s2 =	sld [smem:$0x3FA1]  }
0x29: {  	s4 =	sld [smem:$0x3FA3]  }
0x2a: {  	p0 =	seq.s32 s5, $0x0;
	s5 =	sld [smem:$0x3FA4]  }
0x2b: {  	s6 =	sld [smem:$0x3FA5]  }
0x2c: {  	s7 =	sld [smem:$0x3FA6]  }
0x2d: {  	s3 =	simm.s32 $0x108;
	s8 =	sld [smem:$0x3FA7]  }
0x2e: {  	s3 =	simm.s32 @!p0 $0x1082;
	s9 =	sld [smem:$0x3FA8]  }
0x2f: {  	lr =	sadd.s32 s0, s3;
	s0 =	sld [smem:$0x3F9F]  }
0x30: {  	s3 =	sld [smem:$0x3FA2]  }
0x31: {  	[smem:$0x3FAB] =	sst s10  }
0x32: {  	s10 =	sld [smem:$0x3FA9];
	_ =	sdelay $0x3  }
0x33: {  	p0 =	seq.s32 s10, $0x1;
	s10 =	sld [smem:$0x3FAB];
	_ =	sdelay $0x3  }
0x34: {  	[smem:$0x3FAB] =	sst s10  }
0x35: {  	s10 =	sld [smem:$0x3FAA];
	_ =	sdelay $0x3  }
0x36: {  	p1 =	seq.s32 s10, $0x1;
	s10 =	sld [smem:$0x3FAB];
	_ =	sdelay $0x3  }
0x37: {  	[smem:$0x3FAB] =	sst s10  }
0x38: {  	s10 =	sld [smem:$0x3FAC]  }
0x39: {  	_ = 	snop;
	(pc) =	sbr.ind lr, $3  }
0x3a: {  	_ = 	snop  }
0x3b: {  	_ = 	snop  }
0x3c: {  	p2 =	seq.s32 s10, $0x1;
	s10 =	sld [smem:$0x3FAB]  }
0x3d: {  	_ =	shalt  }
0x3e: {  	_ =	shalt  }
0x3f: {  	_ =	shalt  }
0x40: {  	_ =	shalt  }
0x41: {  	_ =	shalt  }
0x42: {  	_ =	shalt  }
0x43: {  	_ =	shalt  }
0x44: {  	_ =	shalt  }
0x45: {  	_ =	shalt  }
0x46: {  	_ =	shalt  }
0x47: {  	_ =	shalt  }
0x48: {  	_ =	shalt  }
0x49: {  	_ =	shalt  }
0x4a: {  	_ =	shalt  }
0x4b: {  	_ =	shalt  }
0x4c: {  	_ =	shalt  }
0x4d: {  	_ =	shalt  }
0x4e: {  	_ =	shalt  }
0x4f: {  	_ =	shalt  }
0x50: {  	_ =	shalt  }
0x51: {  	_ =	shalt  }
0x52: {  	_ =	shalt  }
0x53: {  	_ =	shalt  }
0x54: {  	_ =	shalt  }
0x55: {  	_ =	shalt  }
0x56: {  	_ =	shalt  }
0x57: {  	_ =	shalt  }
0x58: {  	_ =	shalt  }
0x59: {  	_ =	shalt  }
0x5a: {  	_ =	shalt  }
0x5b: {  	_ =	shalt  }
0x5c: {  	_ =	shalt  }
0x5d: {  	_ =	shalt  }
0x5e: {  	_ =	shalt  }
0x5f: {  	_ =	shalt  }
0x60: {  	_ =	shalt  }
0x61: {  	_ =	shalt  }
0x62: {  	_ =	shalt  }
0x63: {  	_ =	shalt  }
0x64: {  	_ =	shalt  }
0x65: {  	_ =	shalt  }
0x66: {  	_ =	shalt  }
0x67: {  	_ =	shalt  }
0x68: {  	_ =	shalt  }
0x69: {  	_ =	shalt  }
0x6a: {  	_ =	shalt  }
0x6b: {  	_ =	shalt  }
0x6c: {  	_ =	shalt  }
0x6d: {  	_ =	shalt  }
0x6e: {  	_ =	shalt  }
0x6f: {  	_ =	shalt  }
0x70: {  	_ =	shalt  }
0x71: {  	_ =	shalt  }
0x72: {  	_ =	shalt  }
0x73: {  	_ =	shalt  }
0x74: {  	_ =	shalt  }
0x75: {  	_ =	shalt  }
0x76: {  	_ =	shalt  }
0x77: {  	_ =	shalt  }
0x78: {  	_ =	shalt  }
0x79: {  	_ =	shalt  }
0x7a: {  	_ =	shalt  }
0x7b: {  	_ =	shalt  }
0x7c: {  	_ =	shalt  }
0x7d: {  	_ =	shalt  }
0x7e: {  	_ =	shalt  }
0x7f: {  	_ =	shalt  }
0x80: {  	_ =	shalt  }
0x81: {  	_ =	shalt  }
0x82: {  	_ =	shalt  }
0x83: {  	_ =	shalt  }
0x84: {  	_ =	shalt  }
0x85: {  	_ =	shalt  }
0x86: {  	_ =	shalt  }
0x87: {  	_ =	shalt  }
.Lfunc_end0:
.L_simem_size_0:
called_computation_lowered:
.L_overlay_start_0:
0x88: {  	s2 =	sld [smem:$0x3FD9]  }
0x89: {  	s3 =	sld [smem:$0x3FFE];
	_ =	sdelay $0x1  }
0x8a: {  	s1 =	srdreg.scid  }
0x8b: {  	s0 =	sand.u32 $0x1, s1  }
0x8c: {  	s16 =	sshll.u32 s0, $0xA;
	s2 =	sadd.s32 s3, s2  }
0x8d: {  	s2 =	sadd.s32 s2, s16  }
0x8e: {  	[smem:$0x3FB7] =	sst s2  }
0x8f: {  	_ = 	snop  }
0x90: {  	(tm) =	ssettm $0x1  }
0x91: {  	s17 =	sld [smem:$0x3FFB];
	_ =	sdelay $0x3  }
0x92: {  	_ =	strace s17  }
0x93: {  	s2 =	sld [smem:$0x3FFC];
	_ =	sdelay $0x3  }
0x94: {  	_ =	strace s2  }
0x95: {  	s2 =	sld [smem:$0x3FFD];
	_ =	sdelay $0x3  }
0x96: {  	_ =	strace s2  }
0x97: {  	_ =	strace $0x8FFFFFFF  }
0x98: {  	s18 =	sld [smem:$0x3FDB];
	_ =	sdelay $0x1  }
0x99: {  	s19 =	simm.s32 $_scs_section_size  }
0x9a: {  	s4 =	simm.s32 $_size__tile_overlayer_lowered;
	s5 =	simm.s32 $_tile_overlayer_lowered  }
0x9b: {  	s22 =	simm.s32 $0x1BFF;
	s21 =	sshll.u32 s5, $0x1;
	s2 =	sadd.s32 s19, s18  }
0x9c: {  	s6 =	simm.s32 $0x0;
	s20 =	sshll.u32 s4, $0x1;
	s4 =	sadd.s32 s21, s2  }
0x9d: {  	[timem:s6], [sflag:s22] =	dma.local [hbm:s4], s20  }
0x9e: {  	_ =	swait.ge [sflag:s22], s20  }
0x9f: {  	s3 =	ssub.s32 $0x0, s20;
	[sflag:s22] =	ssyncset.done $0x0  }
0xa0: {  	[sflag:s22] =	ssyncadd.s32 s3;
	_ =	sdelay $0x1  }
0xa1: {  	s23 =	simm.s32 $0x1B8B  }
0xa2: {  	_ =	swait.ge [sflag:s23], $0x1  }
0xa3: {  	[sflag:s23] =	ssyncset.done $0x0  }
0xa4: {  	s25 =	simm.s32 $0x1B8E;
	s24 =	sld [smem:$0x3FFE];
	[sflag:s23] =	ssyncadd.s32 $0xFFFFFFFF  }
0xa5: {  	s26 =	simm.s32 $execute0_lowered;
	[smem:$0x3FD2] =	sst s25  }
0xa6: {  	s4 =	sshll.u32 s26, $0x1;
	_ =	strace $0x80000046;
	[dreg:$0x1] =	wrdreg $0xFFFFFFFF  }
0xa7: {  	s28 =	simm.s32 $_size_execute0_lowered;
	s2 =	sadd.s32 s2, s4;
	[dreg:$0x0] =	wrdreg $0x0  }
0xa8: {  	s4 =	sshll.u32 s28, $0x1;
	[dreg:$0x2] =	wrdreg s2  }
0xa9: {  	[dreg:$0x3] =	wrdreg s4  }
0xaa: {  	[dreg:$0x4] =	wrdreg $0xC0  }
0xab: {  	_ =	task [dreg:s6], $0x5FFFF  }
0xac: {  	[dreg:$0x1] =	wrdreg $0xFFFFFFFF  }
0xad: {  	[dreg:$0x0] =	wrdreg $0x60  }
0xae: {  	[dreg:$0x2] =	wrdreg s24  }
0xaf: {  	[dreg:$0x3] =	wrdreg $0xE8900  }
0xb0: {  	[dreg:$0x4] =	wrdreg $0x9  }
0xb1: {  	_ =	task.clear_ibuf [dreg:s6], $0x5FFFF;
	_ =	strace $0x90000046  }
0xb2: {  	s29 =	simm.s32 $0x9;
	_ =	strace $0x80000048  }
0xb3: {  	_ =	swait.ge [sflag:s29], $0x1  }
0xb4: {  	[sflag:s29] =	ssyncadd.s32 $0xFFFFFFFF  }
0xb5: {  	_ =	strace $0x90000048  }
0xb6: {  	_ =	sfence  }
0xb7: {  	s30 =	sld [smem:$0x0];
	_ =	sdelay $0x2  }
0xb8: {  	s31 =	sshll.u32 s1, $0xD;
	s1 =	sshrl.u32 s1, $0x2  }
0xb9: {  	s3 =	sand.u32 $0x4000, s31;
	s1 =	sadd.s32 s1, s30  }
0xba: {  	s0 =	sor.u32 s3, s0;
	s1 =	sshll.u32 s1, $0x11  }
0xbb: {  	s0 =	sor.u32 s1, s0  }
0xbc: {  	s0 =	sadd.s32 $0x8F2B, s0  }
0xbd: {  	[sflag:s0] =	ssyncadd.remote.s32 $0x1  }
0xbe: {  	_ =	sfence.sel $0xFFFF  }
0xbf: {  	[dreg:$0x0] =	wrdreg $0xFFFFFFFF;
	(pc) =	sbr.abs _section_cstart, $3  }
0xc0: {  	[dreg:$0x1] =	wrdreg $0xFFFFFFFF  }
0xc1: {  	_ =	task.clear_ibuf [dreg:s6], $0x2FFFF;
	_ =	strace $0x9FFFFFFF  }
0xc2: {  	(tm) =	ssettm $0x7FFFFFFF  }
0xc3: {  	_ =	shalt  }
tec
execute0_lowered:
.L_overlay_start_1:
0x0: {  	(tag) =	ssettag $0x1  }
0x1: {  	s0 =	rddreg [dreg:$0x0]  }
0x2: {  	s2 =	rddreg [dreg:$0x1];
	s3 =	simm.s32 $0x0;
	s1 =	srdreg.scid  }
0x3: {  	s10 =	stileid.u32;
	v0 =	vimm.s32 $0x76543210;
	s16 =	simm.s32 $0x3;
	s18 =	simm.s32 $0x5000  }
0x4: {  	v1 =	vimm.s32 $0xFEDCBA98;
	s19 =	simm.s32 $0x7800;
	s20 =	simm.s32 $0xC080;
	s21 =	simm.s32 $0xE880  }
0x5: {  	v2 =	vimm.s32 $0xBA98FEDC;
	v3 =	vimm.s32 $0x32107654;
	s22 =	simm.s32 $0x80;
	s23 =	simm.s32 $0xA080;
	s24 =	simm.s32 $0x1  }
0x6: {  	v4 =	vimm.s32 $0xDCFE98BA;
	v5 =	vimm.s32 $0x54761032;
	s25 =	simm.s32 $0xA000;
	s26 =	simm.s32 $0x2;
	s28 =	simm.s32 $0x0  }
0x7: {  	v6 =	vimm.s32 $0xEFCDAB89;
	v7 =	vimm.s32 $0x67452301;
	s29 =	simm.s32 $0x0;
	[smem:$0x7FF] =	sst s3;
	s1 =	sand.u32 $0x1, s1  }
0x8: {  	s9 =	smul.u32 $0xC800, s10;
	s4 =	sadd.s32 $0x28600, s0;
	v0 =	vunpack.c.l.s4.s8 v0;
	v1 =	vunpack.c.l.s4.s8 v1;
	v2 =	vunpack.c.l.s4.s8 v2;
	_ =	strace $0x80000047  }
0x9: {  	v3 =	vunpack.c.l.s4.s8 v3;
	v4 =	vunpack.c.l.s4.s8 v4;
	v5 =	vunpack.c.l.s4.s8 v5;
	s6 =	smul.u32 $0xC8000, s1;
	s5 =	sshll.u32 s1, $0x4;
	s1 =	ssub.s32 $0x2, s1  }
0xa: {  	v6 =	vunpack.c.l.s4.s8 v6;
	v7 =	vunpack.c.l.s4.s8 v7;
	s7 =	sor.u32 s10, s5;
	s5 =	sadd.s32 $0x28000, s0;
	s10 =	smul.u32 $0x32000, s10;
	v2 =	vunpack.c.0.s8.s32 v2  }
0xb: {  	s30 =	sshrl.u32 s1, $0x1;
	v3 =	vunpack.c.0.s8.s32 v3;
	v4 =	vunpack.c.0.s8.s32 v4;
	v5 =	vunpack.c.0.s8.s32 v5;
	s6 =	sadd.s32 s9, s6;
	s7 =	smul.u32 $0x500, s7  }
0xc: {  	v1 =	vunpack.c.0.s8.s32 v1;
	v6 =	vunpack.c.0.s8.s32 v6;
	v7 =	vunpack.c.0.s8.s32 v7;
	s1 =	ssub.s32 s1, s30;
	s9 =	sadd.s32 s9, s2;
	s8 =	sshrl.u32 s6, $0x3  }
0xd: {  	s6 =	sadd.s32 $0x14000, s0;
	s31 =	sshrl.u32 s10, $0x2;
	s15 =	smax.u32 s1, $0x1;
	v2 =	vcombine.low v3, v2;
	v3 =	vcombine.low v5, v4;
	v4 =	vunpack.c.0.s8.s32 v0  }
0xe: {  	vm0 =	vcmask $0x300;
	v5 =	vcombine.low v7, v6;
	v1 =	vand.u32 $0xF, v1;
	s14 =	sadd.s32 s8, s0;
	s7 =	sadd.s32 s0, s7;
	s0 =	sadd.s32 s31, s2  }
0xf: {  	v0 =	vimm.f32 $0.0e+00;
	s8 =	sadd.s32 $0xA000, s7;
	s10 =	sadd.s32 $0x2800, s0;
	s11 =	sadd.s32 $0x5000, s0;
	v1 =	vcombine.low v1, v4;
	v2 =	vand.u32 $0xF, v2  }
0x10: {  	s12 =	sadd.s32 $0x7800, s0;
	s13 =	sadd.s32 $0xA000, s0;
	s14 =	sadd.s32 $0x28C00, s14;
	v3 =	vand.u32 $0xF, v3;
	v4 =	vand.u32 $0xF, v5;
	v5 =	vsel vm0, $0x3F800000, v0  }
.LBB2_1:
0x11: {  	[tilespmem:s3], [sflag:$0x3] =	stream.linear.gather [hbm4b:s8+s3], $0x2800, $0x38;
	[tilespmem:$0x1B090] =	vst v63  }
0x12: {  	_ =	swait.ge [sflag:s16], $0x2800  }
0x13: {  	[sflag:s16] =	ssyncset.done $0x0  }
0x14: {  	s0 =	simm.s32 $0x2800;
	[sflag:s16] =	ssyncadd.s32 $0xFFFFD800  }
0x15: {  	[tilespmem:s0], [sflag:$0x3] =	stream.linear.gather [hbm4b:s7+s3], $0x2800, $0x38;
	[tilespmem:$0x1B090] =	vst v63  }
0x16: {  	_ =	swait.ge [sflag:s16], $0x2800  }
0x17: {  	[sflag:s16] =	ssyncset.done $0x0  }
0x18: {  	[sflag:s16] =	ssyncadd.s32 $0xFFFFD800  }
0x19: {  	[tilespmem:s18], [sflag:$0x3] =	stream.linear.gather [hbm4b:s4+s3], $0x2800, $0x38;
	[tilespmem:$0x1B090] =	vst v63  }
0x1a: {  	_ =	swait.ge [sflag:s16], $0x2800  }
0x1b: {  	[sflag:s16] =	ssyncset.done $0x0  }
0x1c: {  	[sflag:s16] =	ssyncadd.s32 $0xFFFFD800  }
0x1d: {  	[tilespmem:s19], [sflag:$0x3] =	stream.linear.gather [hbm4b:s5+s3], $0x2800, $0x38;
	[tilespmem:$0x1B090] =	vst v63  }
0x1e: {  	_ =	swait.ge [sflag:s16], $0x2800  }
0x1f: {  	[sflag:s16] =	ssyncset.done $0x0  }
0x20: {  	s1 =	simm.s32 $0x140;
	s0 =	simm.s32 $0x0;
	[sflag:s16] =	ssyncadd.s32 $0xFFFFD800  }
.LBB2_2:
0x21: {  	p0 =	sne.s32 s1, $0x9EC0;
	[tilespmem:s0+$0xC0C0] =	vst v0;
	s17 =	smov.u32 s1;
	s1 =	sadd.s32 $0x140, s1  }
.Ltmp0:
0x22: {  	[tilespmem:s0+$0xC0B0] =	vst v0;
	(pc) =	sbr.rel @p0 .LBB2_2-.Ltmp0, $4  }
0x23: {  	[tilespmem:s0+$0xC0A0] =	vst v0  }
0x24: {  	[tilespmem:s0+$0xC080] =	vst v0  }
0x25: {  	[tilespmem:s0+$0xC090] =	vst v0  }
0x26: {  	s0 =	sshra.s32 s17, $0x2  }
0x27: {  	[tilespmem:s0+$0xC0C0] =	vst v0  }
0x28: {  	[tilespmem:s0+$0xC0B0] =	vst v0  }
0x29: {  	[tilespmem:s0+$0xC0A0] =	vst v0  }
0x2a: {  	[tilespmem:s0+$0xC080] =	vst v0  }
0x2b: {  	[tilespmem:s0+$0xC090] =	vst v0  }
0x2c: {  	[spmem:s9] =	stream.linear.scatter [tilespmem:s20], [sflag:$0x3], $0x2800, $0x38;
	[tilespmem:$0x1B090] =	vst v63  }
0x2d: {  	_ =	swait.ge [sflag:s16], $0x2800  }
0x2e: {  	[sflag:s16] =	ssyncset.done $0x0  }
0x2f: {  	[sflag:s16] =	ssyncadd.s32 $0xFFFFD800  }
0x30: {  	[spmem:s10] =	stream.linear.scatter [tilespmem:s20], [sflag:$0x3], $0x2800, $0x38;
	[tilespmem:$0x1B090] =	vst v63  }
0x31: {  	_ =	swait.ge [sflag:s16], $0x2800  }
0x32: {  	[sflag:s16] =	ssyncset.done $0x0  }
0x33: {  	[sflag:s16] =	ssyncadd.s32 $0xFFFFD800  }
0x34: {  	[spmem:s11] =	stream.linear.scatter [tilespmem:s20], [sflag:$0x3], $0x2800, $0x38;
	[tilespmem:$0x1B090] =	vst v63  }
0x35: {  	_ =	swait.ge [sflag:s16], $0x2800  }
0x36: {  	[sflag:s16] =	ssyncset.done $0x0  }
0x37: {  	[sflag:s16] =	ssyncadd.s32 $0xFFFFD800  }
0x38: {  	[spmem:s12] =	stream.linear.scatter [tilespmem:s20], [sflag:$0x3], $0x2800, $0x38;
	[tilespmem:$0x1B090] =	vst v63  }
0x39: {  	_ =	swait.ge [sflag:s16], $0x2800  }
0x3a: {  	[sflag:s16] =	ssyncset.done $0x0  }
0x3b: {  	[sflag:s16] =	ssyncadd.s32 $0xFFFFD800  }
0x3c: {  	[spmem:s13] =	stream.linear.scatter [tilespmem:s20], [sflag:$0x3], $0x2800, $0x38;
	[tilespmem:$0x1B090] =	vst v63  }
0x3d: {  	_ =	swait.ge [sflag:s16], $0x2800  }
0x3e: {  	[sflag:s16] =	ssyncset.done $0x0  }
0x3f: {  	s1 =	simm.s32 $0x0;
	[sflag:s16] =	ssyncadd.s32 $0xFFFFD800  }
0x40: {  	v7 =	vld [tilespmem:s1+$0x7800]  }
0x41: {  	v6 =	vimm.f32 $-3.000000010e+38;
	s0 =	simm.s32 $0x40;
	v8 =	vimm.f32 $-3.000000010e+38;
	v9 =	vld [tilespmem:s1+$0x5000]  }
.LBB2_4:
0x42: {  	p0 =	sne.s32 s0, $0x9FC0  }
.Ltmp1:
0x43: {  	_ = 	snop;
	(pc) =	sbr.rel @p0 .LBB2_4-.Ltmp1, $4  }
0x44: {  	_ = 	snop  }
0x45: {  	s1 =	sshra.s32 s0, $0x2;
	s0 =	sadd.s32 $0x40, s0;
	v6 =	vmax.f32 v6, v7  }
0x46: {  	v7 =	vld [tilespmem:s1+$0x7800];
	v8 =	vmax.f32 v8, v9  }
0x47: {  	v9 =	vld [tilespmem:s1+$0x5000]  }
0x48: {  	_ =	sdelay $0x3  }
0x49: {  	v8 =	vmax.f32 v8, v9  }
0x4a: {  	[tilespmem:$0xE880] =	vst v8  }
0x4b: {  	v57 =	vld.idx.msk [tilespmem:v1+s21+$0x0], $0xffff;
	_ =	sdelay $0x4  }
0x4c: {  	v8 =	vmax.f32 v8, v57  }
0x4d: {  	[tilespmem:$0xE880] =	vst v8  }
0x4e: {  	v58 =	vld.idx.msk [tilespmem:v2+s21+$0x0], $0xffff;
	_ =	sdelay $0x4  }
0x4f: {  	v8 =	vmax.f32 v8, v58  }
0x50: {  	[tilespmem:$0xE880] =	vst v8  }
0x51: {  	v59 =	vld.idx.msk [tilespmem:v3+s21+$0x0], $0xffff;
	_ =	sdelay $0x4  }
0x52: {  	v8 =	vmax.f32 v8, v59  }
0x53: {  	v6 =	vmax.f32 v6, v7;
	[tilespmem:$0xE880] =	vst v8  }
0x54: {  	v7 =	vld.idx.msk [tilespmem:v4+s21+$0x0], $0xffff;
	[tilespmem:$0xE880] =	vst v6  }
0x55: {  	v60 =	vld.idx.msk [tilespmem:v1+s21+$0x0], $0xffff;
	_ =	sdelay $0x4  }
0x56: {  	v6 =	vmax.f32 v6, v60  }
0x57: {  	[tilespmem:$0xE880] =	vst v6  }
0x58: {  	v61 =	vld.idx.msk [tilespmem:v2+s21+$0x0], $0xffff;
	_ =	sdelay $0x4  }
0x59: {  	v6 =	vmax.f32 v6, v61  }
0x5a: {  	[tilespmem:$0xE880] =	vst v6  }
0x5b: {  	v62 =	vld.idx.msk [tilespmem:v3+s21+$0x0], $0xffff;
	_ =	sdelay $0x4  }
0x5c: {  	v6 =	vmax.f32 v6, v62  }
0x5d: {  	[tilespmem:$0xE880] =	vst v6  }
0x5e: {  	v63 =	vld.idx.msk [tilespmem:v4+s21+$0x0], $0xffff;
	_ =	sdelay $0x4  }
0x5f: {  	v7 =	vmax.f32 v8, v7;
	v6 =	vmax.f32 v6, v63  }
0x60: {  	v6 =	vadd.f32 v6, v7;
	_ =	sdelay $0x1  }
0x61: {  	s30 =	simm.s32 $0x0;
	[bflag:$0x0] =	sbarrier.arrive $0xFFFF;
	v6 =	vmax.f32 v6, $0.0e+00  }
.LBB2_6:
0x62: {  	s31 =	sshll.u32 s30, $0x7  }
0x63: {  	[tilespmem:s23], [sflag:$0x1] =	stream.indirect.gather [hbm4b:s6+s22], $0x40, s31, s22, $0xb8;
	[tilespmem:$0x1B090] =	vst v63  }
0x64: {  	v7 =	vld [tilespmem:s31+$0x0]  }
0x65: {  	v8 =	vld [tilespmem:s31+$0x2800];
	_ =	sdelay $0x6  }
0x66: {  	v7 =	vld.idx.msk [tilespmem:v7+s18+$0x0], $0xffff  }
0x67: {  	v8 =	vld.idx.msk [tilespmem:v8+s19+$0x0], $0xffff;
	_ =	sdelay $0x4  }
0x68: {  	v7 =	vadd.f32 v8, v7;
	_ =	sdelay $0x1  }
0x69: {  	v8 =	vmul.f32 $2.000000030e-01, v7  }
0x6a: {  	vm0 =	vgt.f32 v7, $0.0e+00  }
0x6b: {  	v7 =	vsel vm0, v7, v8  }
0x6c: {  	v7 =	vsub.f32 v7, v6;
	_ =	sdelay $0x1  }
0x6d: {  	v7 =	vmul.f32 $1.442695020e+00, v7;
	_ =	sdelay $0x1  }
0x6e: {  	(erf) = vpow2.f32 v7;
	_ =	sdelay $0x8  }
0x6f: {  	v7 =	vpop (erf)  }
0x70: {  	[tilespmem:$0xA000] =	vst v7  }
0x71: {  	v7 =	vld [tilespmem:s31+$0x10]  }
0x72: {  	v8 =	vld [tilespmem:s31+$0x2810];
	_ =	sdelay $0x6  }
0x73: {  	v7 =	vld.idx.msk [tilespmem:v7+s18+$0x0], $0xffff  }
0x74: {  	v8 =	vld.idx.msk [tilespmem:v8+s19+$0x0], $0xffff;
	_ =	sdelay $0x4  }
0x75: {  	v7 =	vadd.f32 v8, v7;
	_ =	sdelay $0x1  }
0x76: {  	v8 =	vmul.f32 $2.000000030e-01, v7  }
0x77: {  	vm9 =	vgt.f32 v7, $0.0e+00  }
0x78: {  	v7 =	vsel vm9, v7, v8  }
0x79: {  	v7 =	vsub.f32 v7, v6;
	_ =	sdelay $0x1  }
0x7a: {  	v7 =	vmul.f32 $1.442695020e+00, v7;
	_ =	sdelay $0x1  }
0x7b: {  	(erf) = vpow2.f32 v7;
	_ =	sdelay $0x8  }
0x7c: {  	v7 =	vpop (erf)  }
0x7d: {  	[tilespmem:$0xA010] =	vst v7  }
0x7e: {  	v7 =	vld [tilespmem:s31+$0x20]  }
0x7f: {  	v8 =	vld [tilespmem:s31+$0x2820];
	_ =	sdelay $0x6  }
0x80: {  	v7 =	vld.idx.msk [tilespmem:v7+s18+$0x0], $0xffff  }
0x81: {  	v8 =	vld.idx.msk [tilespmem:v8+s19+$0x0], $0xffff;
	_ =	sdelay $0x4  }
0x82: {  	v7 =	vadd.f32 v8, v7;
	_ =	sdelay $0x1  }
0x83: {  	v8 =	vmul.f32 $2.000000030e-01, v7  }
0x84: {  	vm10 =	vgt.f32 v7, $0.0e+00  }
0x85: {  	v7 =	vsel vm10, v7, v8  }
0x86: {  	v7 =	vsub.f32 v7, v6;
	_ =	sdelay $0x1  }
0x87: {  	v7 =	vmul.f32 $1.442695020e+00, v7;
	_ =	sdelay $0x1  }
0x88: {  	(erf) = vpow2.f32 v7;
	_ =	sdelay $0x8  }
0x89: {  	v7 =	vpop (erf)  }
0x8a: {  	[tilespmem:$0xA020] =	vst v7  }
0x8b: {  	v7 =	vld [tilespmem:s31+$0x30]  }
0x8c: {  	v8 =	vld [tilespmem:s31+$0x2830];
	_ =	sdelay $0x6  }
0x8d: {  	v7 =	vld.idx.msk [tilespmem:v7+s18+$0x0], $0xffff  }
0x8e: {  	v8 =	vld.idx.msk [tilespmem:v8+s19+$0x0], $0xffff;
	_ =	sdelay $0x4  }
0x8f: {  	v7 =	vadd.f32 v8, v7;
	_ =	sdelay $0x1  }
0x90: {  	v8 =	vmul.f32 $2.000000030e-01, v7  }
0x91: {  	vm11 =	vgt.f32 v7, $0.0e+00  }
0x92: {  	v7 =	vsel vm11, v7, v8  }
0x93: {  	v7 =	vsub.f32 v7, v6;
	_ =	sdelay $0x1  }
0x94: {  	v7 =	vmul.f32 $1.442695020e+00, v7;
	_ =	sdelay $0x1  }
0x95: {  	(erf) = vpow2.f32 v7;
	_ =	sdelay $0x8  }
0x96: {  	v7 =	vpop (erf)  }
0x97: {  	[tilespmem:$0xA030] =	vst v7  }
0x98: {  	v7 =	vld [tilespmem:s31+$0x40]  }
0x99: {  	v8 =	vld [tilespmem:s31+$0x2840];
	_ =	sdelay $0x6  }
0x9a: {  	v7 =	vld.idx.msk [tilespmem:v7+s18+$0x0], $0xffff  }
0x9b: {  	v8 =	vld.idx.msk [tilespmem:v8+s19+$0x0], $0xffff;
	_ =	sdelay $0x4  }
0x9c: {  	v7 =	vadd.f32 v8, v7;
	_ =	sdelay $0x1  }
0x9d: {  	v8 =	vmul.f32 $2.000000030e-01, v7  }
0x9e: {  	vm12 =	vgt.f32 v7, $0.0e+00  }
0x9f: {  	v7 =	vsel vm12, v7, v8  }
0xa0: {  	v7 =	vsub.f32 v7, v6;
	_ =	sdelay $0x1  }
0xa1: {  	v7 =	vmul.f32 $1.442695020e+00, v7;
	_ =	sdelay $0x1  }
0xa2: {  	(erf) = vpow2.f32 v7;
	_ =	sdelay $0x8  }
0xa3: {  	v7 =	vpop (erf)  }
0xa4: {  	[tilespmem:$0xA040] =	vst v7  }
0xa5: {  	v7 =	vld [tilespmem:s31+$0x50]  }
0xa6: {  	v8 =	vld [tilespmem:s31+$0x2850];
	_ =	sdelay $0x6  }
0xa7: {  	v7 =	vld.idx.msk [tilespmem:v7+s18+$0x0], $0xffff  }
0xa8: {  	v8 =	vld.idx.msk [tilespmem:v8+s19+$0x0], $0xffff;
	_ =	sdelay $0x4  }
0xa9: {  	v7 =	vadd.f32 v8, v7;
	_ =	sdelay $0x1  }
0xaa: {  	v8 =	vmul.f32 $2.000000030e-01, v7  }
0xab: {  	vm13 =	vgt.f32 v7, $0.0e+00  }
0xac: {  	v7 =	vsel vm13, v7, v8  }
0xad: {  	v7 =	vsub.f32 v7, v6;
	_ =	sdelay $0x1  }
0xae: {  	v7 =	vmul.f32 $1.442695020e+00, v7;
	_ =	sdelay $0x1  }
0xaf: {  	(erf) = vpow2.f32 v7;
	_ =	sdelay $0x8  }
0xb0: {  	v7 =	vpop (erf)  }
0xb1: {  	[tilespmem:$0xA050] =	vst v7  }
0xb2: {  	v7 =	vld [tilespmem:s31+$0x60]  }
0xb3: {  	v8 =	vld [tilespmem:s31+$0x2860];
	_ =	sdelay $0x6  }
0xb4: {  	v7 =	vld.idx.msk [tilespmem:v7+s18+$0x0], $0xffff  }
0xb5: {  	v8 =	vld.idx.msk [tilespmem:v8+s19+$0x0], $0xffff;
	_ =	sdelay $0x4  }
0xb6: {  	v7 =	vadd.f32 v8, v7;
	_ =	sdelay $0x1  }
0xb7: {  	v8 =	vmul.f32 $2.000000030e-01, v7  }
0xb8: {  	vm14 =	vgt.f32 v7, $0.0e+00  }
0xb9: {  	v7 =	vsel vm14, v7, v8  }
0xba: {  	v7 =	vsub.f32 v7, v6;
	_ =	sdelay $0x1  }
0xbb: {  	v7 =	vmul.f32 $1.442695020e+00, v7;
	_ =	sdelay $0x1  }
0xbc: {  	(erf) = vpow2.f32 v7;
	_ =	sdelay $0x8  }
0xbd: {  	v7 =	vpop (erf)  }
0xbe: {  	[tilespmem:$0xA060] =	vst v7  }
0xbf: {  	v7 =	vld [tilespmem:s31+$0x70]  }
0xc0: {  	v8 =	vld [tilespmem:s31+$0x2870];
	_ =	sdelay $0x6  }
0xc1: {  	v7 =	vld.idx.msk [tilespmem:v7+s18+$0x0], $0xffff  }
0xc2: {  	v8 =	vld.idx.msk [tilespmem:v8+s19+$0x0], $0xffff;
	_ =	sdelay $0x4  }
0xc3: {  	v7 =	vadd.f32 v8, v7;
	_ =	sdelay $0x1  }
0xc4: {  	v8 =	vmul.f32 $2.000000030e-01, v7  }
0xc5: {  	vm15 =	vgt.f32 v7, $0.0e+00  }
0xc6: {  	v7 =	vsel vm15, v7, v8  }
0xc7: {  	v7 =	vsub.f32 v7, v6;
	_ =	sdelay $0x1  }
0xc8: {  	v7 =	vmul.f32 $1.442695020e+00, v7;
	_ =	sdelay $0x1  }
0xc9: {  	(erf) = vpow2.f32 v7;
	_ =	sdelay $0x8  }
0xca: {  	v7 =	vpop (erf)  }
0xcb: {  	[tilespmem:$0xA070] =	vst v7  }
0xcc: {  	_ =	swait.ge [sflag:s24], $0x2000  }
0xcd: {  	p0 =	seq.s32 s30, $0x0;
	v7 =	vmov s29;
	[sflag:s24] =	ssyncset.done $0x0  }
0xce: {  	s0 =	simm.s32 @!p0 $0x2;
	[sflag:s24] =	ssyncadd.s32 $0xFFFFE000  }
0xcf: {  	_ =	swait.ge @!p0 [sflag:s0], $0x2800  }
0xd0: {  	[sflag:s0] =	ssyncset.done @!p0 $0x0  }
0xd1: {  	[sflag:s0] =	ssyncadd.s32 @!p0 $0xFFFFD800  }
0xd2: {  	s0 =	simm.s32 $0xA0A0;
	v7 =	vld.idx.msk [tilespmem:v7+s25+$0x0], $0xffff  }
0xd3: {  	v8 =	vld [tilespmem:s0+$0xFFFFFFE0];
	_ =	sdelay $0x4  }
0xd4: {  	v8 =	vmul.f32 v8, v7  }
0xd5: {  	s1 =	simm.s32 $0xC0A0  }
0xd6: {  	[tilespmem:s1+$0xFFFFFFE0] =	vst v8  }
0xd7: {  	v8 =	vld [tilespmem:s0+$0xFFFFFFF0];
	_ =	sdelay $0x4  }
0xd8: {  	v8 =	vmul.f32 v8, v7;
	_ =	sdelay $0x1  }
0xd9: {  	[tilespmem:s1+$0xFFFFFFF0] =	vst v8  }
0xda: {  	v8 =	vld [tilespmem:s0+$0x0];
	_ =	sdelay $0x4  }
0xdb: {  	v8 =	vmul.f32 v8, v7;
	_ =	sdelay $0x1  }
0xdc: {  	[tilespmem:s1+$0x0] =	vst v8  }
0xdd: {  	v8 =	vld [tilespmem:s0+$0x10]  }
0xde: {  	v9 =	vmul.f32 v5, v7  }
0xdf: {  	s17 =	simm.s32 $0x1  }
0xe0: {  	s31 =	sadd.s32 $0x2800, s31;
	[tilespmem:s1+$0x20] =	vst v9;
	v9 =	vmov s17;
	s17 =	simm.s32 $0x2  }
.LBB2_7:
0xe1: {  	p0 =	sne.s32 s17, $0x7F  }
0xe2: {  	v7 =	vmul.f32 v8, v7;
	_ =	sdelay $0x1  }
0xe3: {  	[tilespmem:s1+$0x10] =	vst v7  }
0xe4: {  	s0 =	sadd.s32 $0x40, s0;
	v7 =	vld.idx.msk [tilespmem:v9+s25+$0x0], $0xffff  }
0xe5: {  	v8 =	vld [tilespmem:s0+$0xFFFFFFE0];
	_ =	sdelay $0x4  }
0xe6: {  	v9 =	vmul.f32 v5, v7;
	v8 =	vmul.f32 v8, v7  }
0xe7: {  	s1 =	sadd.s32 $0x50, s1  }
0xe8: {  	[tilespmem:s1+$0xFFFFFFE0] =	vst v8  }
0xe9: {  	v8 =	vld [tilespmem:s0+$0xFFFFFFF0];
	_ =	sdelay $0x4  }
0xea: {  	v8 =	vmul.f32 v8, v7;
	_ =	sdelay $0x1  }
0xeb: {  	[tilespmem:s1+$0xFFFFFFF0] =	vst v8  }
0xec: {  	v8 =	vld [tilespmem:s0+$0x0];
	_ =	sdelay $0x4  }
0xed: {  	v8 =	vmul.f32 v8, v7;
	_ =	sdelay $0x1  }
.Ltmp2:
0xee: {  	[tilespmem:s1+$0x0] =	vst v8;
	(pc) =	sbr.rel @p0 .LBB2_7-.Ltmp2, $2  }
0xef: {  	v8 =	vld [tilespmem:s0+$0x10];
	[tilespmem:s1+$0x20] =	vst v9;
	_ =	sdelay $0x2  }
0xf0: {  	v9 =	vmov s17;
	s17 =	sadd.s32 $0x1, s17  }
0xf1: {  	_ = 	snop  }
0xf2: {  	v7 =	vmul.f32 v8, v7;
	_ =	sdelay $0x1  }
0xf3: {  	[tilespmem:s1+$0x10] =	vst v7  }
0xf4: {  	s0 =	sadd.s32 $0x40, s0;
	v7 =	vld.idx.msk [tilespmem:v9+s25+$0x0], $0xffff  }
0xf5: {  	v8 =	vld [tilespmem:s0+$0xFFFFFFE0];
	_ =	sdelay $0x4  }
0xf6: {  	v8 =	vmul.f32 v8, v7  }
0xf7: {  	s17 =	sadd.s32 $0x50, s1  }
0xf8: {  	[tilespmem:s17+$0xFFFFFFE0] =	vst v8  }
0xf9: {  	v8 =	vld [tilespmem:s0+$0xFFFFFFF0];
	_ =	sdelay $0x4  }
0xfa: {  	v8 =	vmul.f32 v8, v7;
	_ =	sdelay $0x1  }
0xfb: {  	[tilespmem:s17+$0xFFFFFFF0] =	vst v8  }
0xfc: {  	v8 =	vld [tilespmem:s0+$0x0];
	_ =	sdelay $0x4  }
0xfd: {  	v8 =	vmul.f32 v8, v7;
	_ =	sdelay $0x1  }
0xfe: {  	[tilespmem:s17+$0x0] =	vst v8  }
0xff: {  	v8 =	vld [tilespmem:s0+$0x10];
	_ =	sdelay $0x1  }
0x100: {  	s30 =	sadd.s32 $0x1, s30  }
0x101: {  	p0 =	sne.s32 s30, $0x50  }
.Ltmp3:
0x102: {  	v9 =	vmul.f32 v5, v7;
	(pc) =	sbr.rel @p0 .LBB2_6-.Ltmp3, $4  }
0x103: {  	v7 =	vmul.f32 v8, v7  }
0x104: {  	[tilespmem:s17+$0x20] =	vst v9  }
0x105: {  	[tilespmem:s17+$0x10] =	vst v7  }
0x106: {  	[spmem:s2] =	stream.indirect.scatter.add.f32 [tilespmem:s20], [sflag:$0x2], $0x50, s31, s22, $0xb8;
	[tilespmem:$0x1B090] =	vst v63  }
0x107: {  	_ =	swait.ge [sflag:s26], $0x2800;
	s0 =	stileid.u32  }
0x108: {  	s1 =	sshrl.u32 s9, $0x3;
	s28 =	sadd.s32 $0x1, s28;
	[sflag:s26] =	ssyncset.done $0x0  }
0x109: {  	s0 =	sshll.u32 s0, $0x6;
	p0 =	sne.s32 s28, s15;
	[sflag:s26] =	ssyncadd.s32 $0xFFFFD800  }
.Ltmp4:
0x10a: {  	s0 =	sor.u32 $0x1C03, s0;
	[bflag:$0x0] =	sbarrier.arrive $0xFFFF;
	(pc) =	sbr.rel @p0 .LBB2_1-.Ltmp4, $4  }
0x10b: {  	[hbm:s14], [sflag:s0] =	dma.local [spmem:s1], $0x1900  }
0x10c: {  	_ =	swait.ge [sflag:s16], $0x1900  }
0x10d: {  	[sflag:s16] =	ssyncset.done $0x0  }
0x10e: {  	[sflag:s16] =	ssyncadd.s32 $0xFFFFE700  }
0x10f: {  	_ =	sfence.sel $0x180000  }
0x110: {  	[bflag:$0x0] =	sbarrier.arrive $0xFFFF  }
0x111: {  	_ =	strace $0x90000047  }
0x112: {  	s0 =	stileid.u32;
	[bflag:$0x2] =	sbarrier.arrive $0xFFFF  }
0x113: {  	p0 =	sne.s32 s0, $0x0;
	s0 =	rddreg [dreg:$0x2]  }
0x114: {  	s0 =	sadd.s32 @!p0 $0x100000, s0  }
0x115: {  	[sflag:s0] =	ssyncadd.tile.s32 @!p0 $0x1;
	_ =	shalt  }
.Lfunc_end2:
_tile_overlayer_lowered:
.L_overlay_start_2:
0x116: {  	(tag) =	ssettag $0x2  }
0x117: {  	s0 =	rddreg [dreg:$0x0];
	s2 =	stileid.u32  }
0x118: {  	s1 =	rddreg [dreg:$0x1];
	p0 =	sne.s32 s2, $0x0  }
0x119: {  	s3 =	rddreg [dreg:$0x2];
	[bflag:$0x3] =	sbarrier.arrive $0xFFFF;
	s2 =	simm.s32 @!p0 $0x1C03  }
0x11a: {  	[timem:s3], [sflag:s2] =	dma.local @!p0 [hbm:s0], s1  }
0x11b: {  	s0 =	simm.s32 @!p0 $0x3  }
0x11c: {  	_ =	swait.ge @!p0 [sflag:s0], s1  }
0x11d: {  	s1 =	ssub.s32 @!p0 $0x0, s1;
	[sflag:s0] =	ssyncset.done @!p0 $0x0  }
0x11e: {  	[sflag:s0] =	ssyncadd.s32 @!p0 s1  }
0x11f: {  	[bflag:$0x3] =	sbarrier.arrive $0xFFFF  }
0x120: {  	_ =	shalt  }

</sc_bundles>
